<compile_context>
chip_gen: v7x
topology: tpu7x:2x2x1
jax: 0.10.2.dev20260603
libtpu: 0.0.44.dev20260713+nightly
codegen_flags: <defaults>
</compile_context>

<pallas_src>
import functools

import jax
import jax.numpy as jnp
from jax import lax
from jax.experimental import pallas as pl
from jax.experimental.pallas import tpu as pltpu
from jax.experimental.pallas import tpu_sc as plsc

N_NODES = 10000
N_EDGES = 320000
N_GRAPHS = 128

NC = 2
NS = 16
NW = NC * NS
K = 128
NCHTOT = N_EDGES // K
NCH = NCHTOT // NW
NCH_XTRA = NCHTOT - NCH * NW
RPT = 632
N_PAD = RPT * NS
HRPT = 625


def _make_sc_agg(col0):
  D = 64
  mesh = plsc.VectorSubcoreMesh(core_axis_name="c", subcore_axis_name="s",
                                num_cores=NC, num_subcores=NS)

  @functools.partial(
      pl.kernel,
      out_type=jax.ShapeDtypeStruct((NC, N_PAD, D), jnp.float32),
      mesh=mesh,
      compiler_params=pltpu.CompilerParams(use_tc_tiling_on_sc=False),
      scratch_types=[
          pltpu.VMEM((NCH + 1, K), jnp.int32),
          pltpu.VMEM((NCH + 1, K), jnp.int32),
          pltpu.VMEM((K, D), jnp.float32),
          pltpu.VMEM((K, D), jnp.float32),
          pltpu.VMEM_SHARED((N_NODES, D), jnp.float32),
          pltpu.VMEM_SHARED((N_PAD, D), jnp.float32),
          pltpu.SemaphoreType.DMA,
          pltpu.SemaphoreType.DMA,
      ],
  )
  def agg(h_hbm, ei_hbm, zeros_hbm, out_hbm,
          srcv, dstv, bufa, bufb, htab, accum, sema, semb):
    c = lax.axis_index("c")
    s = lax.axis_index("s")
    wid = c * NS + s

    row0 = s * RPT
    pltpu.sync_copy(zeros_hbm, accum.at[pl.ds(row0, RPT)])
    pltpu.sync_copy(
        h_hbm.at[pl.ds(s * HRPT, HRPT), pl.ds(col0, D)],
        htab.at[pl.ds(s * HRPT, HRPT)])

    base = wid * NCH + jnp.minimum(wid, NCH_XTRA)
    extra = wid < NCH_XTRA
    pltpu.sync_copy(ei_hbm.at[0, pl.ds(base, NCH)], srcv.at[pl.ds(0, NCH)])
    pltpu.sync_copy(ei_hbm.at[1, pl.ds(base, NCH)], dstv.at[pl.ds(0, NCH)])

    @pl.when(extra)
    def _():
      pltpu.sync_copy(ei_hbm.at[0, pl.ds(base + NCH, 1)],
                      srcv.at[pl.ds(NCH, 1)])
      pltpu.sync_copy(ei_hbm.at[1, pl.ds(base + NCH, 1)],
                      dstv.at[pl.ds(NCH, 1)])

    plsc.subcore_barrier()

    pltpu.async_copy(htab.at[srcv.at[0]], bufa, sema)

    def body(i, _):
      j = 2 * i
      gather0 = pltpu.make_async_copy(htab.at[srcv.at[j]], bufa, sema)
      gather1 = pltpu.async_copy(htab.at[srcv.at[j + 1]], bufb, semb)
      gather0.wait()
      pltpu.sync_copy(bufa, accum.at[dstv.at[j]], add=True)

      @pl.when(j + 2 < NCH)
      def _():
        pltpu.async_copy(htab.at[srcv.at[j + 2]], bufa, sema)

      gather1.wait()
      pltpu.sync_copy(bufb, accum.at[dstv.at[j + 1]], add=True)
      return ()

    lax.fori_loop(0, NCH // 2, body, (), unroll=False)

    @pl.when(extra)
    def _():
      pltpu.async_copy(htab.at[srcv.at[NCH]], bufa, sema).wait()
      pltpu.sync_copy(bufa, accum.at[dstv.at[NCH]], add=True)

    plsc.subcore_barrier()
    pltpu.sync_copy(accum.at[pl.ds(row0, RPT)],
                    out_hbm.at[c, pl.ds(row0, RPT)])

  return agg


def _mlp_bn(m, W1_ref, b1_ref, g1_ref, be1_ref, W2_ref, b2_ref, go_ref,
            bo_ref):
  t = jnp.dot(m, W1_ref[...], preferred_element_type=jnp.float32)
  t = t + b1_ref[...]
  mu = jnp.mean(t, axis=0, keepdims=True)
  var = jnp.mean(jnp.square(t - mu), axis=0, keepdims=True)
  t = (t - mu) * lax.rsqrt(var + 1e-5) * g1_ref[...] + be1_ref[...]
  t = jnp.maximum(t, 0.0)
  u = jnp.dot(t, W2_ref[...], preferred_element_type=jnp.float32)
  u = u + b2_ref[...]
  mu2 = jnp.mean(u, axis=0, keepdims=True)
  var2 = jnp.mean(jnp.square(u - mu2), axis=0, keepdims=True)
  u = (u - mu2) * lax.rsqrt(var2 + 1e-5) * go_ref[...] + bo_ref[...]
  return jnp.maximum(u, 0.0)


def _unpack_agg(p_ref):
  q = p_ref[0] + p_ref[1]
  return jnp.concatenate([q[:, :64], q[:, 64:]], axis=0)[:N_NODES, :]


def _tc_layer(h, p, W1, b1, g1, be1, W2, b2, go, bo):
  n = h.shape[0]
  dout = W2.shape[1]

  def body(h_ref, p_ref, W1_ref, b1_ref, g1_ref, be1_ref, W2_ref, b2_ref,
           go_ref, bo_ref, o_ref):
    m = h_ref[...] + _unpack_agg(p_ref)
    o_ref[...] = _mlp_bn(m, W1_ref, b1_ref, g1_ref, be1_ref, W2_ref, b2_ref,
                         go_ref, bo_ref)

  return pl.pallas_call(
      body,
      out_shape=jax.ShapeDtypeStruct((n, dout), jnp.float32),
  )(h, p, W1, b1.reshape(1, -1), g1.reshape(1, -1), be1.reshape(1, -1),
    W2, b2.reshape(1, -1), go.reshape(1, -1), bo.reshape(1, -1))


def _tc_layer0(h, plo, phi, W1, b1, g1, be1, W2, b2, go, bo):
  n = h.shape[0]
  dout = W2.shape[1]

  def body(h_ref, plo_ref, phi_ref, W1_ref, b1_ref, g1_ref, be1_ref, W2_ref,
           b2_ref, go_ref, bo_ref, o_ref):
    agg = jnp.concatenate(
        [_unpack_agg(plo_ref), _unpack_agg(phi_ref)], axis=1)
    m = h_ref[...] + agg
    o_ref[...] = _mlp_bn(m, W1_ref, b1_ref, g1_ref, be1_ref, W2_ref, b2_ref,
                         go_ref, bo_ref)

  return pl.pallas_call(
      body,
      out_shape=jax.ShapeDtypeStruct((n, dout), jnp.float32),
  )(h, plo, phi, W1, b1.reshape(1, -1), g1.reshape(1, -1),
    be1.reshape(1, -1), W2, b2.reshape(1, -1), go.reshape(1, -1),
    bo.reshape(1, -1))


def _tc_layer_readout(h, p, batch_row, W1, b1, g1, be1, W2, b2, go, bo):
  n = h.shape[0]
  dout = W2.shape[1]

  def body(h_ref, p_ref, batch_ref, W1_ref, b1_ref, g1_ref, be1_ref, W2_ref,
           b2_ref, go_ref, bo_ref, o_ref):
    m = h_ref[...] + _unpack_agg(p_ref)
    hout = _mlp_bn(m, W1_ref, b1_ref, g1_ref, be1_ref, W2_ref, b2_ref,
                   go_ref, bo_ref)
    gids = lax.broadcasted_iota(jnp.int32, (N_GRAPHS, n), 0)
    onehot = jnp.where(gids == batch_ref[...], 1.0, 0.0).astype(jnp.float32)
    sums = jnp.dot(onehot, hout, preferred_element_type=jnp.float32)
    counts = jnp.sum(onehot, axis=1, keepdims=True)
    o_ref[...] = sums / jnp.maximum(counts, 1.0)

  return pl.pallas_call(
      body,
      out_shape=jax.ShapeDtypeStruct((N_GRAPHS, dout), jnp.float32),
  )(h, p, batch_row, W1, b1.reshape(1, -1), g1.reshape(1, -1),
    be1.reshape(1, -1), W2, b2.reshape(1, -1), go.reshape(1, -1),
    bo.reshape(1, -1))


_agg_lo = _make_sc_agg(0)
_agg_hi = _make_sc_agg(64)


def kernel(x, edge_index, batch,
           W1_0, b1_0, g1_0, be1_0, W2_0, b2_0, go_0, bo_0,
           W1_1, b1_1, g1_1, be1_1, W2_1, b2_1, go_1, bo_1,
           W1_2, b1_2, g1_2, be1_2, W2_2, b2_2, go_2, bo_2):
  eii = edge_index.astype(jnp.int32)
  half = N_PAD // 2
  dst_r = (eii[1] % half) * 2 + eii[1] // half
  ei = jnp.stack([eii[0], dst_r]).reshape(2, NCHTOT, K)
  batch_row = batch.astype(jnp.int32).reshape(1, N_NODES)
  z64 = jnp.zeros((RPT, 64), jnp.float32)

  pk = (NC, N_PAD // 2, 128)
  p0_lo = _agg_lo(x, ei, z64).reshape(pk)
  p0_hi = _agg_hi(x, ei, z64).reshape(pk)
  h1 = _tc_layer0(x, p0_lo, p0_hi, W1_0, b1_0, g1_0, be1_0, W2_0, b2_0,
                  go_0, bo_0)
  p1 = _agg_lo(h1, ei, z64).reshape(pk)
  h2 = _tc_layer(h1, p1, W1_1, b1_1, g1_1, be1_1, W2_1, b2_1, go_1, bo_1)
  p2 = _agg_lo(h2, ei, z64).reshape(pk)
  return _tc_layer_readout(h2, p2, batch_row, W1_2, b1_2, g1_2, be1_2,
                           W2_2, b2_2, go_2, bo_2)

# --- scband reference (transcript-rebuilt; emitter-appended) ---
"""Pipeline reference for scband-ginencoder-layerwise-65111704207433 (READ-ONLY COPY).

The authoritative reference and input builder live on the scoring server;
editing this copy changes nothing except your own understanding.
"""

import jax, jax.numpy as jnp
import numpy as np

N_NODES = 10000
N_EDGES = 320000
DIM_NODE = 128
DIM_HID = 64
N_GRAPHS = 128
N_LAYERS = 3


def _lin_init(key, fan_in, fan_out):
    return jax.random.normal(key, (fan_in, fan_out), dtype=jnp.float32) / np.sqrt(fan_in)


def setup_inputs(seed: int = 0):
    key = jax.random.key(seed)
    ks = jax.random.split(key, 16)
    inp = {}
    inp["x"] = jax.random.normal(ks[0], (N_NODES, DIM_NODE), dtype=jnp.float32)
    inp["edge_index"] = jax.random.randint(ks[1], (2, N_EDGES), 0, N_NODES)
    inp["batch"] = jnp.sort(jax.random.randint(ks[2], (N_NODES,), 0, N_GRAPHS))
    dims = [(DIM_NODE, 2 * DIM_HID, DIM_HID)] + [(DIM_HID, 2 * DIM_HID, DIM_HID)] * (N_LAYERS - 1)
    kidx = 3
    for l, (din, dint, dout) in enumerate(dims):
        inp["W1_%d" % l] = _lin_init(ks[kidx], din, dint); kidx += 1
        inp["b1_%d" % l] = jnp.zeros((dint,), dtype=jnp.float32)
        inp["g1_%d" % l] = jnp.ones((dint,), dtype=jnp.float32)
        inp["be1_%d" % l] = jnp.zeros((dint,), dtype=jnp.float32)
        inp["W2_%d" % l] = _lin_init(ks[kidx], dint, dout); kidx += 1
        inp["b2_%d" % l] = jnp.zeros((dout,), dtype=jnp.float32)
        inp["go_%d" % l] = jnp.ones((dout,), dtype=jnp.float32)
        inp["bo_%d" % l] = jnp.zeros((dout,), dtype=jnp.float32)
    return inp


def _bn(h, g, b):
    m = jnp.mean(h, axis=0)
    v = jnp.var(h, axis=0)
    return (h - m) / jnp.sqrt(v + 1e-5) * g + b


def _forward(x, edge_index, batch, params):
    src = edge_index[0]
    dst = edge_index[1]
    h = x
    for (W1, b1, g1, be1, W2, b2, go, bo) in params:
        # GINConv with eps=0: MLP((1+eps)*x + sum_{j->i} x_j)
        agg = jnp.zeros_like(h).at[dst].add(h[src])
        m = h + agg
        m = m @ W1 + b1
        m = jax.nn.relu(_bn(m, g1, be1))
        m = m @ W2 + b2
        # outer batch_norm + relu (loop index never equals len(convs)-1, so relu always applies)
        h = jax.nn.relu(_bn(m, go, bo))
    # readout: global mean pool per graph
    sums = jax.ops.segment_sum(h, batch, num_segments=N_GRAPHS)
    counts = jax.ops.segment_sum(jnp.ones((h.shape[0], 1), dtype=h.dtype), batch, num_segments=N_GRAPHS)
    return sums / jnp.clip(counts, 1.0, None)


def reference(x, edge_index, batch, W1_0, b1_0, g1_0, be1_0, W2_0, b2_0, go_0, bo_0, W1_1, b1_1, g1_1, be1_1, W2_1, b2_1, go_1, bo_1, W1_2, b1_2, g1_2, be1_2, W2_2, b2_2, go_2, bo_2):
    params = [
        (W1_0, b1_0, g1_0, be1_0, W2_0, b2_0, go_0, bo_0),
        (W1_1, b1_1, g1_1, be1_1, W2_1, b2_1, go_1, bo_1),
        (W1_2, b1_2, g1_2, be1_2, W2_2, b2_2, go_2, bo_2),
    ]
    return _forward(x, edge_index, batch, params)

if __name__ == "__main__":
    import jax
    _d = setup_inputs()
    print(jax.jit(kernel)(*tuple(_d.values())))

</pallas_src>

<mosaic_0001>
#map = affine_map<(d0, d1) -> (0, 0)>
#map1 = affine_map<(d0, d1) -> (0, 0, 0)>
module attributes {stable_mosaic.version = 14 : i64} {
  func.func @agg(%arg0: i32, %arg1: i32, %arg2: memref<10000x128xf32, #tpu.memory_space<hbm>>, %arg3: memref<2x2500x128xi32, #tpu.memory_space<hbm>>, %arg4: memref<632x64xf32, #tpu.memory_space<hbm>>, %arg5: memref<2x10112x64xf32, #tpu.memory_space<hbm>>, %arg6: memref<79x128xi32, #tpu.memory_space<vmem>>, %arg7: memref<79x128xi32, #tpu.memory_space<vmem>>, %arg8: memref<128x64xf32, #tpu.memory_space<vmem>>, %arg9: memref<128x64xf32, #tpu.memory_space<vmem>>, %arg10: memref<10000x64xf32, #tpu.memory_space<vmem_shared>>, %arg11: memref<10112x64xf32, #tpu.memory_space<vmem_shared>>, %arg12: memref<!tpu.dma_semaphore, #tpu.memory_space<semaphore_mem>>, %arg13: memref<!tpu.dma_semaphore, #tpu.memory_space<semaphore_mem>>) attributes {dimension_semantics = [#tpu.dimension_semantics<core_parallel>, #tpu.dimension_semantics<subcore_parallel>], iteration_bounds = array<i64: 2, 16>, scalar_prefetch = 0 : i64, scratch_operands = 8 : i64, tpu.core_type = #tpu.core_type<sc_vector_subcore>, window_params = [{transform_indices = #map}, {transform_indices = #map1}, {transform_indices = #map}, {transform_indices = #map1}]} {
    %mul3A = arith.constant 16 : i32
    %mul3A_0 = arith.muli %arg0, %mul3A : i32
    %add3A = arith.addi %mul3A_0, %arg1 : i32
    %mul3A_1 = arith.constant 632 : i32
    %mul3A_2 = arith.muli %arg1, %mul3A_1 : i32
    "tpu.region"() ({
      %run_scoped3A_28 = tpu.sem_alloc : memref<!tpu.dma_semaphore, #tpu.memory_space<semaphore_mem>>
      %dma_start3A_29 = arith.constant 0 : i32
      %dma_start3A_30 = tpu.memref_slice %arg11[%mul3A_2, %dma_start3A_29] : memref<10112x64xf32, #tpu.memory_space<vmem_shared>> -> memref<632x64xf32, #tpu.memory_space<vmem_shared>>
      tpu.enqueue_dma source(%arg4 : memref<632x64xf32, #tpu.memory_space<hbm>>) target(%dma_start3A_30 : memref<632x64xf32, #tpu.memory_space<vmem_shared>>) target_semaphore(%run_scoped3A_28 : memref<!tpu.dma_semaphore, #tpu.memory_space<semaphore_mem>>)
      %dma_wait3A = arith.constant 0 : i32
      %dma_wait3A_31 = tpu.memref_slice %arg11[%mul3A_2, %dma_wait3A] : memref<10112x64xf32, #tpu.memory_space<vmem_shared>> -> memref<632x64xf32, #tpu.memory_space<vmem_shared>>
      tpu.wait_dma2 semaphore(%run_scoped3A_28 : memref<!tpu.dma_semaphore, #tpu.memory_space<semaphore_mem>>) src(%arg4 : memref<632x64xf32, #tpu.memory_space<hbm>>) dst(%dma_wait3A_31 : memref<632x64xf32, #tpu.memory_space<vmem_shared>>)
      tpu.yield
    }) : () -> ()
    %mul3A_3 = arith.constant 625 : i32
    %mul3A_4 = arith.muli %arg1, %mul3A_3 : i32
    %mul3A_5 = arith.constant 625 : i32
    %mul3A_6 = arith.muli %arg1, %mul3A_5 : i32
    "tpu.region"() ({
      %run_scoped3A_28 = tpu.sem_alloc : memref<!tpu.dma_semaphore, #tpu.memory_space<semaphore_mem>>
      %dma_start3A_29 = arith.constant 0 : i32
      %dma_start3A_30 = tpu.memref_slice %arg10[%mul3A_6, %dma_start3A_29] : memref<10000x64xf32, #tpu.memory_space<vmem_shared>> -> memref<625x64xf32, #tpu.memory_space<vmem_shared>>
      %dma_start3A_31 = arith.constant 64 : i32
      %dma_start3A_32 = tpu.memref_slice %arg2[%mul3A_4, %dma_start3A_31] : memref<10000x128xf32, #tpu.memory_space<hbm>> -> memref<625x64xf32, #tpu.memory_space<hbm>>
      tpu.enqueue_dma source(%dma_start3A_32 : memref<625x64xf32, #tpu.memory_space<hbm>>) target(%dma_start3A_30 : memref<625x64xf32, #tpu.memory_space<vmem_shared>>) target_semaphore(%run_scoped3A_28 : memref<!tpu.dma_semaphore, #tpu.memory_space<semaphore_mem>>)
      %dma_wait3A = arith.constant 0 : i32
      %dma_wait3A_33 = tpu.memref_slice %arg10[%mul3A_6, %dma_wait3A] : memref<10000x64xf32, #tpu.memory_space<vmem_shared>> -> memref<625x64xf32, #tpu.memory_space<vmem_shared>>
      %dma_wait3A_34 = arith.constant 64 : i32
      %dma_wait3A_35 = tpu.memref_slice %arg2[%mul3A_4, %dma_wait3A_34] : memref<10000x128xf32, #tpu.memory_space<hbm>> -> memref<625x64xf32, #tpu.memory_space<hbm>>
      tpu.wait_dma2 semaphore(%run_scoped3A_28 : memref<!tpu.dma_semaphore, #tpu.memory_space<semaphore_mem>>) src(%dma_wait3A_35 : memref<625x64xf32, #tpu.memory_space<hbm>>) dst(%dma_wait3A_33 : memref<625x64xf32, #tpu.memory_space<vmem_shared>>)
      tpu.yield
    }) : () -> ()
    %mul3A_7 = arith.constant 78 : i32
    %mul3A_8 = arith.muli %add3A, %mul3A_7 : i32
    %min3A = arith.constant 4 : i32
    %min3A_9 = arith.minsi %add3A, %min3A : i32
    %add3A_10 = arith.addi %mul3A_8, %min3A_9 : i32
    %lt3A = arith.constant 4 : i32
    %lt3A_11 = arith.cmpi slt, %add3A, %lt3A : i32
    %run_scoped3A = arith.constant 0 : i32
    "tpu.region"() ({
      %run_scoped3A_28 = tpu.sem_alloc : memref<!tpu.dma_semaphore, #tpu.memory_space<semaphore_mem>>
      %dma_start3A_29 = arith.constant 0 : i32
      %dma_start3A_30 = arith.constant 0 : i32
      %dma_start3A_31 = tpu.memref_slice %arg6[%dma_start3A_29, %dma_start3A_30] : memref<79x128xi32, #tpu.memory_space<vmem>> -> memref<78x128xi32, #tpu.memory_space<vmem>>
      %dma_start3A_32 = arith.constant 0 : i32
      %dma_start3A_33 = tpu.memref_slice %arg3[%run_scoped3A, %add3A_10, %dma_start3A_32] : memref<2x2500x128xi32, #tpu.memory_space<hbm>> -> memref<1x78x128xi32, #tpu.memory_space<hbm>>
      %dma_start3A_34 = tpu.memref_squeeze %dma_start3A_33 : memref<1x78x128xi32, #tpu.memory_space<hbm>> -> memref<78x128xi32, #tpu.memory_space<hbm>>
      %dma_start3A_35 = arith.constant 0 : i32
      %dma_start3A_36 = arith.constant 0 : i32
      %dma_start3A_37 = tpu.memref_slice %arg6[%dma_start3A_35, %dma_start3A_36] : memref<79x128xi32, #tpu.memory_space<vmem>> -> memref<78x128xi32, #tpu.memory_space<vmem>>
      %dma_start3A_38 = arith.constant 0 : i32
      %dma_start3A_39 = tpu.memref_slice %arg3[%run_scoped3A, %add3A_10, %dma_start3A_38] : memref<2x2500x128xi32, #tpu.memory_space<hbm>> -> memref<1x78x128xi32, #tpu.memory_space<hbm>>
      %dma_start3A_40 = tpu.memref_squeeze %dma_start3A_39 : memref<1x78x128xi32, #tpu.memory_space<hbm>> -> memref<78x128xi32, #tpu.memory_space<hbm>>
      tpu.enqueue_dma source(%dma_start3A_40 : memref<78x128xi32, #tpu.memory_space<hbm>>) target(%dma_start3A_37 : memref<78x128xi32, #tpu.memory_space<vmem>>) target_semaphore(%run_scoped3A_28 : memref<!tpu.dma_semaphore, #tpu.memory_space<semaphore_mem>>)
      %dma_wait3A = arith.constant 0 : i32
      %dma_wait3A_41 = arith.constant 0 : i32
      %dma_wait3A_42 = tpu.memref_slice %arg6[%dma_wait3A, %dma_wait3A_41] : memref<79x128xi32, #tpu.memory_space<vmem>> -> memref<78x128xi32, #tpu.memory_space<vmem>>
      %dma_wait3A_43 = arith.constant 0 : i32
      %dma_wait3A_44 = tpu.memref_slice %arg3[%run_scoped3A, %add3A_10, %dma_wait3A_43] : memref<2x2500x128xi32, #tpu.memory_space<hbm>> -> memref<1x78x128xi32, #tpu.memory_space<hbm>>
      %dma_wait3A_45 = tpu.memref_squeeze %dma_wait3A_44 : memref<1x78x128xi32, #tpu.memory_space<hbm>> -> memref<78x128xi32, #tpu.memory_space<hbm>>
      %dma_wait3A_46 = arith.constant 0 : i32
      %dma_wait3A_47 = arith.constant 0 : i32
      %dma_wait3A_48 = tpu.memref_slice %arg6[%dma_wait3A_46, %dma_wait3A_47] : memref<79x128xi32, #tpu.memory_space<vmem>> -> memref<78x128xi32, #tpu.memory_space<vmem>>
      %dma_wait3A_49 = arith.constant 0 : i32
      %dma_wait3A_50 = tpu.memref_slice %arg3[%run_scoped3A, %add3A_10, %dma_wait3A_49] : memref<2x2500x128xi32, #tpu.memory_space<hbm>> -> memref<1x78x128xi32, #tpu.memory_space<hbm>>
      %dma_wait3A_51 = tpu.memref_squeeze %dma_wait3A_50 : memref<1x78x128xi32, #tpu.memory_space<hbm>> -> memref<78x128xi32, #tpu.memory_space<hbm>>
      tpu.wait_dma2 semaphore(%run_scoped3A_28 : memref<!tpu.dma_semaphore, #tpu.memory_space<semaphore_mem>>) src(%dma_wait3A_51 : memref<78x128xi32, #tpu.memory_space<hbm>>) dst(%dma_wait3A_48 : memref<78x128xi32, #tpu.memory_space<vmem>>)
      tpu.yield
    }) : () -> ()
    %run_scoped3A_12 = arith.constant 1 : i32
    "tpu.region"() ({
      %run_scoped3A_28 = tpu.sem_alloc : memref<!tpu.dma_semaphore, #tpu.memory_space<semaphore_mem>>
      %dma_start3A_29 = arith.constant 0 : i32
      %dma_start3A_30 = arith.constant 0 : i32
      %dma_start3A_31 = tpu.memref_slice %arg7[%dma_start3A_29, %dma_start3A_30] : memref<79x128xi32, #tpu.memory_space<vmem>> -> memref<78x128xi32, #tpu.memory_space<vmem>>
      %dma_start3A_32 = arith.constant 0 : i32
      %dma_start3A_33 = tpu.memref_slice %arg3[%run_scoped3A_12, %add3A_10, %dma_start3A_32] : memref<2x2500x128xi32, #tpu.memory_space<hbm>> -> memref<1x78x128xi32, #tpu.memory_space<hbm>>
      %dma_start3A_34 = tpu.memref_squeeze %dma_start3A_33 : memref<1x78x128xi32, #tpu.memory_space<hbm>> -> memref<78x128xi32, #tpu.memory_space<hbm>>
      %dma_start3A_35 = arith.constant 0 : i32
      %dma_start3A_36 = arith.constant 0 : i32
      %dma_start3A_37 = tpu.memref_slice %arg7[%dma_start3A_35, %dma_start3A_36] : memref<79x128xi32, #tpu.memory_space<vmem>> -> memref<78x128xi32, #tpu.memory_space<vmem>>
      %dma_start3A_38 = arith.constant 0 : i32
      %dma_start3A_39 = tpu.memref_slice %arg3[%run_scoped3A_12, %add3A_10, %dma_start3A_38] : memref<2x2500x128xi32, #tpu.memory_space<hbm>> -> memref<1x78x128xi32, #tpu.memory_space<hbm>>
      %dma_start3A_40 = tpu.memref_squeeze %dma_start3A_39 : memref<1x78x128xi32, #tpu.memory_space<hbm>> -> memref<78x128xi32, #tpu.memory_space<hbm>>
      tpu.enqueue_dma source(%dma_start3A_40 : memref<78x128xi32, #tpu.memory_space<hbm>>) target(%dma_start3A_37 : memref<78x128xi32, #tpu.memory_space<vmem>>) target_semaphore(%run_scoped3A_28 : memref<!tpu.dma_semaphore, #tpu.memory_space<semaphore_mem>>)
      %dma_wait3A = arith.constant 0 : i32
      %dma_wait3A_41 = arith.constant 0 : i32
      %dma_wait3A_42 = tpu.memref_slice %arg7[%dma_wait3A, %dma_wait3A_41] : memref<79x128xi32, #tpu.memory_space<vmem>> -> memref<78x128xi32, #tpu.memory_space<vmem>>
      %dma_wait3A_43 = arith.constant 0 : i32
      %dma_wait3A_44 = tpu.memref_slice %arg3[%run_scoped3A_12, %add3A_10, %dma_wait3A_43] : memref<2x2500x128xi32, #tpu.memory_space<hbm>> -> memref<1x78x128xi32, #tpu.memory_space<hbm>>
      %dma_wait3A_45 = tpu.memref_squeeze %dma_wait3A_44 : memref<1x78x128xi32, #tpu.memory_space<hbm>> -> memref<78x128xi32, #tpu.memory_space<hbm>>
      %dma_wait3A_46 = arith.constant 0 : i32
      %dma_wait3A_47 = arith.constant 0 : i32
      %dma_wait3A_48 = tpu.memref_slice %arg7[%dma_wait3A_46, %dma_wait3A_47] : memref<79x128xi32, #tpu.memory_space<vmem>> -> memref<78x128xi32, #tpu.memory_space<vmem>>
      %dma_wait3A_49 = arith.constant 0 : i32
      %dma_wait3A_50 = tpu.memref_slice %arg3[%run_scoped3A_12, %add3A_10, %dma_wait3A_49] : memref<2x2500x128xi32, #tpu.memory_space<hbm>> -> memref<1x78x128xi32, #tpu.memory_space<hbm>>
      %dma_wait3A_51 = tpu.memref_squeeze %dma_wait3A_50 : memref<1x78x128xi32, #tpu.memory_space<hbm>> -> memref<78x128xi32, #tpu.memory_space<hbm>>
      tpu.wait_dma2 semaphore(%run_scoped3A_28 : memref<!tpu.dma_semaphore, #tpu.memory_space<semaphore_mem>>) src(%dma_wait3A_51 : memref<78x128xi32, #tpu.memory_space<hbm>>) dst(%dma_wait3A_48 : memref<78x128xi32, #tpu.memory_space<vmem>>)
      tpu.yield
    }) : () -> ()
    %convert_element_type3A = arith.extui %lt3A_11 : i1 to i32
    %cond3A = arith.constant 0 : i32
    %cond3A_13 = arith.cmpi ne, %convert_element_type3A, %cond3A : i32
    scf.if %cond3A_13 {
      %add3A_28 = arith.constant 78 : i32
      %add3A_29 = arith.addi %add3A_10, %add3A_28 : i32
      %run_scoped3A_30 = arith.constant 0 : i32
      "tpu.region"() ({
        %run_scoped3A_34 = tpu.sem_alloc : memref<!tpu.dma_semaphore, #tpu.memory_space<semaphore_mem>>
        %dma_start3A_35 = arith.constant 78 : i32
        %dma_start3A_36 = arith.constant 0 : i32
        %dma_start3A_37 = tpu.memref_slice %arg6[%dma_start3A_35, %dma_start3A_36] : memref<79x128xi32, #tpu.memory_space<vmem>> -> memref<1x128xi32, #tpu.memory_space<vmem>>
        %dma_start3A_38 = arith.constant 0 : i32
        %dma_start3A_39 = tpu.memref_slice %arg3[%run_scoped3A_30, %add3A_29, %dma_start3A_38] : memref<2x2500x128xi32, #tpu.memory_space<hbm>> -> memref<1x1x128xi32, #tpu.memory_space<hbm>>
        %dma_start3A_40 = tpu.memref_squeeze %dma_start3A_39 : memref<1x1x128xi32, #tpu.memory_space<hbm>> -> memref<1x128xi32, #tpu.memory_space<hbm>>
        %dma_start3A_41 = arith.constant 78 : i32
        %dma_start3A_42 = arith.constant 0 : i32
        %dma_start3A_43 = tpu.memref_slice %arg6[%dma_start3A_41, %dma_start3A_42] : memref<79x128xi32, #tpu.memory_space<vmem>> -> memref<1x128xi32, #tpu.memory_space<vmem>>
        %dma_start3A_44 = arith.constant 0 : i32
        %dma_start3A_45 = tpu.memref_slice %arg3[%run_scoped3A_30, %add3A_29, %dma_start3A_44] : memref<2x2500x128xi32, #tpu.memory_space<hbm>> -> memref<1x1x128xi32, #tpu.memory_space<hbm>>
        %dma_start3A_46 = tpu.memref_squeeze %dma_start3A_45 : memref<1x1x128xi32, #tpu.memory_space<hbm>> -> memref<1x128xi32, #tpu.memory_space<hbm>>
        tpu.enqueue_dma source(%dma_start3A_46 : memref<1x128xi32, #tpu.memory_space<hbm>>) target(%dma_start3A_43 : memref<1x128xi32, #tpu.memory_space<vmem>>) target_semaphore(%run_scoped3A_34 : memref<!tpu.dma_semaphore, #tpu.memory_space<semaphore_mem>>)
        %dma_wait3A = arith.constant 78 : i32
        %dma_wait3A_47 = arith.constant 0 : i32
        %dma_wait3A_48 = tpu.memref_slice %arg6[%dma_wait3A, %dma_wait3A_47] : memref<79x128xi32, #tpu.memory_space<vmem>> -> memref<1x128xi32, #tpu.memory_space<vmem>>
        %dma_wait3A_49 = arith.constant 0 : i32
        %dma_wait3A_50 = tpu.memref_slice %arg3[%run_scoped3A_30, %add3A_29, %dma_wait3A_49] : memref<2x2500x128xi32, #tpu.memory_space<hbm>> -> memref<1x1x128xi32, #tpu.memory_space<hbm>>
        %dma_wait3A_51 = tpu.memref_squeeze %dma_wait3A_50 : memref<1x1x128xi32, #tpu.memory_space<hbm>> -> memref<1x128xi32, #tpu.memory_space<hbm>>
        %dma_wait3A_52 = arith.constant 78 : i32
        %dma_wait3A_53 = arith.constant 0 : i32
        %dma_wait3A_54 = tpu.memref_slice %arg6[%dma_wait3A_52, %dma_wait3A_53] : memref<79x128xi32, #tpu.memory_space<vmem>> -> memref<1x128xi32, #tpu.memory_space<vmem>>
        %dma_wait3A_55 = arith.constant 0 : i32
        %dma_wait3A_56 = tpu.memref_slice %arg3[%run_scoped3A_30, %add3A_29, %dma_wait3A_55] : memref<2x2500x128xi32, #tpu.memory_space<hbm>> -> memref<1x1x128xi32, #tpu.memory_space<hbm>>
        %dma_wait3A_57 = tpu.memref_squeeze %dma_wait3A_56 : memref<1x1x128xi32, #tpu.memory_space<hbm>> -> memref<1x128xi32, #tpu.memory_space<hbm>>
        tpu.wait_dma2 semaphore(%run_scoped3A_34 : memref<!tpu.dma_semaphore, #tpu.memory_space<semaphore_mem>>) src(%dma_wait3A_57 : memref<1x128xi32, #tpu.memory_space<hbm>>) dst(%dma_wait3A_54 : memref<1x128xi32, #tpu.memory_space<vmem>>)
        tpu.yield
      }) : () -> ()
      %add3A_31 = arith.constant 78 : i32
      %add3A_32 = arith.addi %add3A_10, %add3A_31 : i32
      %run_scoped3A_33 = arith.constant 1 : i32
      "tpu.region"() ({
        %run_scoped3A_34 = tpu.sem_alloc : memref<!tpu.dma_semaphore, #tpu.memory_space<semaphore_mem>>
        %dma_start3A_35 = arith.constant 78 : i32
        %dma_start3A_36 = arith.constant 0 : i32
        %dma_start3A_37 = tpu.memref_slice %arg7[%dma_start3A_35, %dma_start3A_36] : memref<79x128xi32, #tpu.memory_space<vmem>> -> memref<1x128xi32, #tpu.memory_space<vmem>>
        %dma_start3A_38 = arith.constant 0 : i32
        %dma_start3A_39 = tpu.memref_slice %arg3[%run_scoped3A_33, %add3A_32, %dma_start3A_38] : memref<2x2500x128xi32, #tpu.memory_space<hbm>> -> memref<1x1x128xi32, #tpu.memory_space<hbm>>
        %dma_start3A_40 = tpu.memref_squeeze %dma_start3A_39 : memref<1x1x128xi32, #tpu.memory_space<hbm>> -> memref<1x128xi32, #tpu.memory_space<hbm>>
        %dma_start3A_41 = arith.constant 78 : i32
        %dma_start3A_42 = arith.constant 0 : i32
        %dma_start3A_43 = tpu.memref_slice %arg7[%dma_start3A_41, %dma_start3A_42] : memref<79x128xi32, #tpu.memory_space<vmem>> -> memref<1x128xi32, #tpu.memory_space<vmem>>
        %dma_start3A_44 = arith.constant 0 : i32
        %dma_start3A_45 = tpu.memref_slice %arg3[%run_scoped3A_33, %add3A_32, %dma_start3A_44] : memref<2x2500x128xi32, #tpu.memory_space<hbm>> -> memref<1x1x128xi32, #tpu.memory_space<hbm>>
        %dma_start3A_46 = tpu.memref_squeeze %dma_start3A_45 : memref<1x1x128xi32, #tpu.memory_space<hbm>> -> memref<1x128xi32, #tpu.memory_space<hbm>>
        tpu.enqueue_dma source(%dma_start3A_46 : memref<1x128xi32, #tpu.memory_space<hbm>>) target(%dma_start3A_43 : memref<1x128xi32, #tpu.memory_space<vmem>>) target_semaphore(%run_scoped3A_34 : memref<!tpu.dma_semaphore, #tpu.memory_space<semaphore_mem>>)
        %dma_wait3A = arith.constant 78 : i32
        %dma_wait3A_47 = arith.constant 0 : i32
        %dma_wait3A_48 = tpu.memref_slice %arg7[%dma_wait3A, %dma_wait3A_47] : memref<79x128xi32, #tpu.memory_space<vmem>> -> memref<1x128xi32, #tpu.memory_space<vmem>>
        %dma_wait3A_49 = arith.constant 0 : i32
        %dma_wait3A_50 = tpu.memref_slice %arg3[%run_scoped3A_33, %add3A_32, %dma_wait3A_49] : memref<2x2500x128xi32, #tpu.memory_space<hbm>> -> memref<1x1x128xi32, #tpu.memory_space<hbm>>
        %dma_wait3A_51 = tpu.memref_squeeze %dma_wait3A_50 : memref<1x1x128xi32, #tpu.memory_space<hbm>> -> memref<1x128xi32, #tpu.memory_space<hbm>>
        %dma_wait3A_52 = arith.constant 78 : i32
        %dma_wait3A_53 = arith.constant 0 : i32
        %dma_wait3A_54 = tpu.memref_slice %arg7[%dma_wait3A_52, %dma_wait3A_53] : memref<79x128xi32, #tpu.memory_space<vmem>> -> memref<1x128xi32, #tpu.memory_space<vmem>>
        %dma_wait3A_55 = arith.constant 0 : i32
        %dma_wait3A_56 = tpu.memref_slice %arg3[%run_scoped3A_33, %add3A_32, %dma_wait3A_55] : memref<2x2500x128xi32, #tpu.memory_space<hbm>> -> memref<1x1x128xi32, #tpu.memory_space<hbm>>
        %dma_wait3A_57 = tpu.memref_squeeze %dma_wait3A_56 : memref<1x1x128xi32, #tpu.memory_space<hbm>> -> memref<1x128xi32, #tpu.memory_space<hbm>>
        tpu.wait_dma2 semaphore(%run_scoped3A_34 : memref<!tpu.dma_semaphore, #tpu.memory_space<semaphore_mem>>) src(%dma_wait3A_57 : memref<1x128xi32, #tpu.memory_space<hbm>>) dst(%dma_wait3A_54 : memref<1x128xi32, #tpu.memory_space<vmem>>)
        tpu.yield
      }) : () -> ()
    } else {
    }
    %barrier3A = arith.constant 0 : index
    tpu.barrier barrier_id(%barrier3A)
    %dma_start3A = arith.constant 0 : i32
    %dma_start3A_14 = arith.constant 0 : i32
    %dma_start3A_15 = tpu.memref_slice %arg6[%dma_start3A, %dma_start3A_14] : memref<79x128xi32, #tpu.memory_space<vmem>> -> memref<1x128xi32, #tpu.memory_space<vmem>>
    %dma_start3A_16 = tpu.memref_squeeze %dma_start3A_15 : memref<1x128xi32, #tpu.memory_space<vmem>> -> memref<128xi32, #tpu.memory_space<vmem>>
    %dma_start3A_17 = arith.constant 0 : i32
    %dma_start3A_18 = arith.constant 0 : i32
    %dma_start3A_19 = tpu.memref_slice %arg10[%dma_start3A_17, %dma_start3A_18] : memref<10000x64xf32, #tpu.memory_space<vmem_shared>> -> memref<10000x64xf32, #tpu.memory_space<vmem_shared>>
    tpu.enqueue_indirect_dma source(%dma_start3A_19 : memref<10000x64xf32, #tpu.memory_space<vmem_shared>>) target(%arg8 : memref<128x64xf32, #tpu.memory_space<vmem>>) offsets(%dma_start3A_16 : memref<128xi32, #tpu.memory_space<vmem>>) semaphore(%arg12 : memref<!tpu.dma_semaphore, #tpu.memory_space<semaphore_mem>>)
    %scan3A = arith.constant 0 : i32
    %scan3A_20 = arith.constant 39 : i32
    %scan3A_21 = arith.addi %scan3A, %scan3A_20 : i32
    %scan3A_22 = arith.constant 1 : i32
    scf.for %scan3A_28 = %scan3A to %scan3A_21 step %scan3A_22  : i32 {
      %mul3A_29 = arith.constant 2 : i32
      %mul3A_30 = arith.muli %mul3A_29, %scan3A_28 : i32
      %add3A_31 = arith.constant 1 : i32
      %add3A_32 = arith.addi %mul3A_30, %add3A_31 : i32
      %dma_start3A_33 = arith.constant 0 : i32
      %dma_start3A_34 = tpu.memref_slice %arg6[%add3A_32, %dma_start3A_33] : memref<79x128xi32, #tpu.memory_space<vmem>> -> memref<1x128xi32, #tpu.memory_space<vmem>>
      %dma_start3A_35 = tpu.memref_squeeze %dma_start3A_34 : memref<1x128xi32, #tpu.memory_space<vmem>> -> memref<128xi32, #tpu.memory_space<vmem>>
      %dma_start3A_36 = arith.constant 0 : i32
      %dma_start3A_37 = arith.constant 0 : i32
      %dma_start3A_38 = tpu.memref_slice %arg10[%dma_start3A_36, %dma_start3A_37] : memref<10000x64xf32, #tpu.memory_space<vmem_shared>> -> memref<10000x64xf32, #tpu.memory_space<vmem_shared>>
      tpu.enqueue_indirect_dma source(%dma_start3A_38 : memref<10000x64xf32, #tpu.memory_space<vmem_shared>>) target(%arg9 : memref<128x64xf32, #tpu.memory_space<vmem>>) offsets(%dma_start3A_35 : memref<128xi32, #tpu.memory_space<vmem>>) semaphore(%arg13 : memref<!tpu.dma_semaphore, #tpu.memory_space<semaphore_mem>>)
      %dma_wait3A = arith.constant 0 : i32
      %dma_wait3A_39 = tpu.memref_slice %arg6[%mul3A_30, %dma_wait3A] : memref<79x128xi32, #tpu.memory_space<vmem>> -> memref<1x128xi32, #tpu.memory_space<vmem>>
      %dma_wait3A_40 = tpu.memref_squeeze %dma_wait3A_39 : memref<1x128xi32, #tpu.memory_space<vmem>> -> memref<128xi32, #tpu.memory_space<vmem>>
      %dma_wait3A_41 = arith.constant 0 : i32
      %dma_wait3A_42 = arith.constant 0 : i32
      %dma_wait3A_43 = tpu.memref_slice %arg10[%dma_wait3A_41, %dma_wait3A_42] : memref<10000x64xf32, #tpu.memory_space<vmem_shared>> -> memref<10000x64xf32, #tpu.memory_space<vmem_shared>>
      tpu.wait_indirect_dma semaphore(%arg12 : memref<!tpu.dma_semaphore, #tpu.memory_space<semaphore_mem>>) src(%dma_wait3A_43 : memref<10000x64xf32, #tpu.memory_space<vmem_shared>>) dst(%arg8 : memref<128x64xf32, #tpu.memory_space<vmem>>)
      "tpu.region"() ({
        %run_scoped3A_59 = tpu.sem_alloc : memref<!tpu.dma_semaphore, #tpu.memory_space<semaphore_mem>>
        %dma_start3A_60 = arith.constant 0 : i32
        %dma_start3A_61 = tpu.memref_slice %arg7[%mul3A_30, %dma_start3A_60] : memref<79x128xi32, #tpu.memory_space<vmem>> -> memref<1x128xi32, #tpu.memory_space<vmem>>
        %dma_start3A_62 = tpu.memref_squeeze %dma_start3A_61 : memref<1x128xi32, #tpu.memory_space<vmem>> -> memref<128xi32, #tpu.memory_space<vmem>>
        %dma_start3A_63 = arith.constant 0 : i32
        %dma_start3A_64 = arith.constant 0 : i32
        %dma_start3A_65 = tpu.memref_slice %arg11[%dma_start3A_63, %dma_start3A_64] : memref<10112x64xf32, #tpu.memory_space<vmem_shared>> -> memref<10112x64xf32, #tpu.memory_space<vmem_shared>>
        tpu.enqueue_indirect_dma source(%arg8 : memref<128x64xf32, #tpu.memory_space<vmem>>) target(%dma_start3A_65 : memref<10112x64xf32, #tpu.memory_space<vmem_shared>>) offsets(%dma_start3A_62 : memref<128xi32, #tpu.memory_space<vmem>>) semaphore(%run_scoped3A_59 : memref<!tpu.dma_semaphore, #tpu.memory_space<semaphore_mem>>) {add = true}
        %dma_wait3A_66 = arith.constant 0 : i32
        %dma_wait3A_67 = tpu.memref_slice %arg7[%mul3A_30, %dma_wait3A_66] : memref<79x128xi32, #tpu.memory_space<vmem>> -> memref<1x128xi32, #tpu.memory_space<vmem>>
        %dma_wait3A_68 = tpu.memref_squeeze %dma_wait3A_67 : memref<1x128xi32, #tpu.memory_space<vmem>> -> memref<128xi32, #tpu.memory_space<vmem>>
        %dma_wait3A_69 = arith.constant 0 : i32
        %dma_wait3A_70 = arith.constant 0 : i32
        %dma_wait3A_71 = tpu.memref_slice %arg11[%dma_wait3A_69, %dma_wait3A_70] : memref<10112x64xf32, #tpu.memory_space<vmem_shared>> -> memref<10112x64xf32, #tpu.memory_space<vmem_shared>>
        tpu.wait_indirect_dma semaphore(%run_scoped3A_59 : memref<!tpu.dma_semaphore, #tpu.memory_space<semaphore_mem>>) src(%arg8 : memref<128x64xf32, #tpu.memory_space<vmem>>) dst(%dma_wait3A_71 : memref<10112x64xf32, #tpu.memory_space<vmem_shared>>)
        tpu.yield
      }) : () -> ()
      %add3A_44 = arith.constant 2 : i32
      %add3A_45 = arith.addi %mul3A_30, %add3A_44 : i32
      %lt3A_46 = arith.constant 78 : i32
      %lt3A_47 = arith.cmpi slt, %add3A_45, %lt3A_46 : i32
      %convert_element_type3A_48 = arith.extui %lt3A_47 : i1 to i32
      %cond3A_49 = arith.constant 0 : i32
      %cond3A_50 = arith.cmpi ne, %convert_element_type3A_48, %cond3A_49 : i32
      scf.if %cond3A_50 {
        %add3A_59 = arith.constant 2 : i32
        %add3A_60 = arith.addi %mul3A_30, %add3A_59 : i32
        %dma_start3A_61 = arith.constant 0 : i32
        %dma_start3A_62 = tpu.memref_slice %arg6[%add3A_60, %dma_start3A_61] : memref<79x128xi32, #tpu.memory_space<vmem>> -> memref<1x128xi32, #tpu.memory_space<vmem>>
        %dma_start3A_63 = tpu.memref_squeeze %dma_start3A_62 : memref<1x128xi32, #tpu.memory_space<vmem>> -> memref<128xi32, #tpu.memory_space<vmem>>
        %dma_start3A_64 = arith.constant 0 : i32
        %dma_start3A_65 = arith.constant 0 : i32
        %dma_start3A_66 = tpu.memref_slice %arg10[%dma_start3A_64, %dma_start3A_65] : memref<10000x64xf32, #tpu.memory_space<vmem_shared>> -> memref<10000x64xf32, #tpu.memory_space<vmem_shared>>
        tpu.enqueue_indirect_dma source(%dma_start3A_66 : memref<10000x64xf32, #tpu.memory_space<vmem_shared>>) target(%arg8 : memref<128x64xf32, #tpu.memory_space<vmem>>) offsets(%dma_start3A_63 : memref<128xi32, #tpu.memory_space<vmem>>) semaphore(%arg12 : memref<!tpu.dma_semaphore, #tpu.memory_space<semaphore_mem>>)
      } else {
      }
      %dma_wait3A_51 = arith.constant 0 : i32
      %dma_wait3A_52 = tpu.memref_slice %arg6[%add3A_32, %dma_wait3A_51] : memref<79x128xi32, #tpu.memory_space<vmem>> -> memref<1x128xi32, #tpu.memory_space<vmem>>
      %dma_wait3A_53 = tpu.memref_squeeze %dma_wait3A_52 : memref<1x128xi32, #tpu.memory_space<vmem>> -> memref<128xi32, #tpu.memory_space<vmem>>
      %dma_wait3A_54 = arith.constant 0 : i32
      %dma_wait3A_55 = arith.constant 0 : i32
      %dma_wait3A_56 = tpu.memref_slice %arg10[%dma_wait3A_54, %dma_wait3A_55] : memref<10000x64xf32, #tpu.memory_space<vmem_shared>> -> memref<10000x64xf32, #tpu.memory_space<vmem_shared>>
      tpu.wait_indirect_dma semaphore(%arg13 : memref<!tpu.dma_semaphore, #tpu.memory_space<semaphore_mem>>) src(%dma_wait3A_56 : memref<10000x64xf32, #tpu.memory_space<vmem_shared>>) dst(%arg9 : memref<128x64xf32, #tpu.memory_space<vmem>>)
      %add3A_57 = arith.constant 1 : i32
      %add3A_58 = arith.addi %mul3A_30, %add3A_57 : i32
      "tpu.region"() ({
        %run_scoped3A_59 = tpu.sem_alloc : memref<!tpu.dma_semaphore, #tpu.memory_space<semaphore_mem>>
        %dma_start3A_60 = arith.constant 0 : i32
        %dma_start3A_61 = tpu.memref_slice %arg7[%add3A_58, %dma_start3A_60] : memref<79x128xi32, #tpu.memory_space<vmem>> -> memref<1x128xi32, #tpu.memory_space<vmem>>
        %dma_start3A_62 = tpu.memref_squeeze %dma_start3A_61 : memref<1x128xi32, #tpu.memory_space<vmem>> -> memref<128xi32, #tpu.memory_space<vmem>>
        %dma_start3A_63 = arith.constant 0 : i32
        %dma_start3A_64 = arith.constant 0 : i32
        %dma_start3A_65 = tpu.memref_slice %arg11[%dma_start3A_63, %dma_start3A_64] : memref<10112x64xf32, #tpu.memory_space<vmem_shared>> -> memref<10112x64xf32, #tpu.memory_space<vmem_shared>>
        tpu.enqueue_indirect_dma source(%arg9 : memref<128x64xf32, #tpu.memory_space<vmem>>) target(%dma_start3A_65 : memref<10112x64xf32, #tpu.memory_space<vmem_shared>>) offsets(%dma_start3A_62 : memref<128xi32, #tpu.memory_space<vmem>>) semaphore(%run_scoped3A_59 : memref<!tpu.dma_semaphore, #tpu.memory_space<semaphore_mem>>) {add = true}
        %dma_wait3A_66 = arith.constant 0 : i32
        %dma_wait3A_67 = tpu.memref_slice %arg7[%add3A_58, %dma_wait3A_66] : memref<79x128xi32, #tpu.memory_space<vmem>> -> memref<1x128xi32, #tpu.memory_space<vmem>>
        %dma_wait3A_68 = tpu.memref_squeeze %dma_wait3A_67 : memref<1x128xi32, #tpu.memory_space<vmem>> -> memref<128xi32, #tpu.memory_space<vmem>>
        %dma_wait3A_69 = arith.constant 0 : i32
        %dma_wait3A_70 = arith.constant 0 : i32
        %dma_wait3A_71 = tpu.memref_slice %arg11[%dma_wait3A_69, %dma_wait3A_70] : memref<10112x64xf32, #tpu.memory_space<vmem_shared>> -> memref<10112x64xf32, #tpu.memory_space<vmem_shared>>
        tpu.wait_indirect_dma semaphore(%run_scoped3A_59 : memref<!tpu.dma_semaphore, #tpu.memory_space<semaphore_mem>>) src(%arg9 : memref<128x64xf32, #tpu.memory_space<vmem>>) dst(%dma_wait3A_71 : memref<10112x64xf32, #tpu.memory_space<vmem_shared>>)
        tpu.yield
      }) : () -> ()
    }
    %scan3A_23 = arith.constant 39 : i32
    %convert_element_type3A_24 = arith.extui %lt3A_11 : i1 to i32
    %cond3A_25 = arith.constant 0 : i32
    %cond3A_26 = arith.cmpi ne, %convert_element_type3A_24, %cond3A_25 : i32
    scf.if %cond3A_26 {
      %dma_start3A_28 = arith.constant 78 : i32
      %dma_start3A_29 = arith.constant 0 : i32
      %dma_start3A_30 = tpu.memref_slice %arg6[%dma_start3A_28, %dma_start3A_29] : memref<79x128xi32, #tpu.memory_space<vmem>> -> memref<1x128xi32, #tpu.memory_space<vmem>>
      %dma_start3A_31 = tpu.memref_squeeze %dma_start3A_30 : memref<1x128xi32, #tpu.memory_space<vmem>> -> memref<128xi32, #tpu.memory_space<vmem>>
      %dma_start3A_32 = arith.constant 0 : i32
      %dma_start3A_33 = arith.constant 0 : i32
      %dma_start3A_34 = tpu.memref_slice %arg10[%dma_start3A_32, %dma_start3A_33] : memref<10000x64xf32, #tpu.memory_space<vmem_shared>> -> memref<10000x64xf32, #tpu.memory_space<vmem_shared>>
      tpu.enqueue_indirect_dma source(%dma_start3A_34 : memref<10000x64xf32, #tpu.memory_space<vmem_shared>>) target(%arg8 : memref<128x64xf32, #tpu.memory_space<vmem>>) offsets(%dma_start3A_31 : memref<128xi32, #tpu.memory_space<vmem>>) semaphore(%arg12 : memref<!tpu.dma_semaphore, #tpu.memory_space<semaphore_mem>>)
      %dma_wait3A = arith.constant 78 : i32
      %dma_wait3A_35 = arith.constant 0 : i32
      %dma_wait3A_36 = tpu.memref_slice %arg6[%dma_wait3A, %dma_wait3A_35] : memref<79x128xi32, #tpu.memory_space<vmem>> -> memref<1x128xi32, #tpu.memory_space<vmem>>
      %dma_wait3A_37 = tpu.memref_squeeze %dma_wait3A_36 : memref<1x128xi32, #tpu.memory_space<vmem>> -> memref<128xi32, #tpu.memory_space<vmem>>
      %dma_wait3A_38 = arith.constant 0 : i32
      %dma_wait3A_39 = arith.constant 0 : i32
      %dma_wait3A_40 = tpu.memref_slice %arg10[%dma_wait3A_38, %dma_wait3A_39] : memref<10000x64xf32, #tpu.memory_space<vmem_shared>> -> memref<10000x64xf32, #tpu.memory_space<vmem_shared>>
      tpu.wait_indirect_dma semaphore(%arg12 : memref<!tpu.dma_semaphore, #tpu.memory_space<semaphore_mem>>) src(%dma_wait3A_40 : memref<10000x64xf32, #tpu.memory_space<vmem_shared>>) dst(%arg8 : memref<128x64xf32, #tpu.memory_space<vmem>>)
      %run_scoped3A_41 = arith.constant 78 : i32
      "tpu.region"() ({
        %run_scoped3A_42 = tpu.sem_alloc : memref<!tpu.dma_semaphore, #tpu.memory_space<semaphore_mem>>
        %dma_start3A_43 = arith.constant 0 : i32
        %dma_start3A_44 = tpu.memref_slice %arg7[%run_scoped3A_41, %dma_start3A_43] : memref<79x128xi32, #tpu.memory_space<vmem>> -> memref<1x128xi32, #tpu.memory_space<vmem>>
        %dma_start3A_45 = tpu.memref_squeeze %dma_start3A_44 : memref<1x128xi32, #tpu.memory_space<vmem>> -> memref<128xi32, #tpu.memory_space<vmem>>
        %dma_start3A_46 = arith.constant 0 : i32
        %dma_start3A_47 = arith.constant 0 : i32
        %dma_start3A_48 = tpu.memref_slice %arg11[%dma_start3A_46, %dma_start3A_47] : memref<10112x64xf32, #tpu.memory_space<vmem_shared>> -> memref<10112x64xf32, #tpu.memory_space<vmem_shared>>
        tpu.enqueue_indirect_dma source(%arg8 : memref<128x64xf32, #tpu.memory_space<vmem>>) target(%dma_start3A_48 : memref<10112x64xf32, #tpu.memory_space<vmem_shared>>) offsets(%dma_start3A_45 : memref<128xi32, #tpu.memory_space<vmem>>) semaphore(%run_scoped3A_42 : memref<!tpu.dma_semaphore, #tpu.memory_space<semaphore_mem>>) {add = true}
        %dma_wait3A_49 = arith.constant 0 : i32
        %dma_wait3A_50 = tpu.memref_slice %arg7[%run_scoped3A_41, %dma_wait3A_49] : memref<79x128xi32, #tpu.memory_space<vmem>> -> memref<1x128xi32, #tpu.memory_space<vmem>>
        %dma_wait3A_51 = tpu.memref_squeeze %dma_wait3A_50 : memref<1x128xi32, #tpu.memory_space<vmem>> -> memref<128xi32, #tpu.memory_space<vmem>>
        %dma_wait3A_52 = arith.constant 0 : i32
        %dma_wait3A_53 = arith.constant 0 : i32
        %dma_wait3A_54 = tpu.memref_slice %arg11[%dma_wait3A_52, %dma_wait3A_53] : memref<10112x64xf32, #tpu.memory_space<vmem_shared>> -> memref<10112x64xf32, #tpu.memory_space<vmem_shared>>
        tpu.wait_indirect_dma semaphore(%run_scoped3A_42 : memref<!tpu.dma_semaphore, #tpu.memory_space<semaphore_mem>>) src(%arg8 : memref<128x64xf32, #tpu.memory_space<vmem>>) dst(%dma_wait3A_54 : memref<10112x64xf32, #tpu.memory_space<vmem_shared>>)
        tpu.yield
      }) : () -> ()
    } else {
    }
    %barrier3A_27 = arith.constant 0 : index
    tpu.barrier barrier_id(%barrier3A_27)
    "tpu.region"() ({
      %run_scoped3A_28 = tpu.sem_alloc : memref<!tpu.dma_semaphore, #tpu.memory_space<semaphore_mem>>
      %dma_start3A_29 = arith.constant 0 : i32
      %dma_start3A_30 = tpu.memref_slice %arg5[%arg0, %mul3A_2, %dma_start3A_29] : memref<2x10112x64xf32, #tpu.memory_space<hbm>> -> memref<1x632x64xf32, #tpu.memory_space<hbm>>
      %dma_start3A_31 = tpu.memref_squeeze %dma_start3A_30 : memref<1x632x64xf32, #tpu.memory_space<hbm>> -> memref<632x64xf32, #tpu.memory_space<hbm>>
      %dma_start3A_32 = arith.constant 0 : i32
      %dma_start3A_33 = tpu.memref_slice %arg11[%mul3A_2, %dma_start3A_32] : memref<10112x64xf32, #tpu.memory_space<vmem_shared>> -> memref<632x64xf32, #tpu.memory_space<vmem_shared>>
      tpu.enqueue_dma source(%dma_start3A_33 : memref<632x64xf32, #tpu.memory_space<vmem_shared>>) target(%dma_start3A_31 : memref<632x64xf32, #tpu.memory_space<hbm>>) target_semaphore(%run_scoped3A_28 : memref<!tpu.dma_semaphore, #tpu.memory_space<semaphore_mem>>)
      %dma_wait3A = arith.constant 0 : i32
      %dma_wait3A_34 = tpu.memref_slice %arg5[%arg0, %mul3A_2, %dma_wait3A] : memref<2x10112x64xf32, #tpu.memory_space<hbm>> -> memref<1x632x64xf32, #tpu.memory_space<hbm>>
      %dma_wait3A_35 = tpu.memref_squeeze %dma_wait3A_34 : memref<1x632x64xf32, #tpu.memory_space<hbm>> -> memref<632x64xf32, #tpu.memory_space<hbm>>
      %dma_wait3A_36 = arith.constant 0 : i32
      %dma_wait3A_37 = tpu.memref_slice %arg11[%mul3A_2, %dma_wait3A_36] : memref<10112x64xf32, #tpu.memory_space<vmem_shared>> -> memref<632x64xf32, #tpu.memory_space<vmem_shared>>
      tpu.wait_dma2 semaphore(%run_scoped3A_28 : memref<!tpu.dma_semaphore, #tpu.memory_space<semaphore_mem>>) src(%dma_wait3A_37 : memref<632x64xf32, #tpu.memory_space<vmem_shared>>) dst(%dma_wait3A_35 : memref<632x64xf32, #tpu.memory_space<hbm>>)
      tpu.yield
    }) : () -> ()
    return
  }
}

#map = affine_map<(d0, d1) -> (0, 0)>
#map1 = affine_map<(d0, d1) -> (0, 0, 0)>
module attributes {stable_mosaic.version = 14 : i64} {
  func.func @agg(%arg0: i32, %arg1: i32, %arg2: memref<10000x64xf32, #tpu.memory_space<hbm>>, %arg3: memref<2x2500x128xi32, #tpu.memory_space<hbm>>, %arg4: memref<632x64xf32, #tpu.memory_space<hbm>>, %arg5: memref<2x10112x64xf32, #tpu.memory_space<hbm>>, %arg6: memref<79x128xi32, #tpu.memory_space<vmem>>, %arg7: memref<79x128xi32, #tpu.memory_space<vmem>>, %arg8: memref<128x64xf32, #tpu.memory_space<vmem>>, %arg9: memref<128x64xf32, #tpu.memory_space<vmem>>, %arg10: memref<10000x64xf32, #tpu.memory_space<vmem_shared>>, %arg11: memref<10112x64xf32, #tpu.memory_space<vmem_shared>>, %arg12: memref<!tpu.dma_semaphore, #tpu.memory_space<semaphore_mem>>, %arg13: memref<!tpu.dma_semaphore, #tpu.memory_space<semaphore_mem>>) attributes {dimension_semantics = [#tpu.dimension_semantics<core_parallel>, #tpu.dimension_semantics<subcore_parallel>], iteration_bounds = array<i64: 2, 16>, scalar_prefetch = 0 : i64, scratch_operands = 8 : i64, tpu.core_type = #tpu.core_type<sc_vector_subcore>, window_params = [{transform_indices = #map}, {transform_indices = #map1}, {transform_indices = #map}, {transform_indices = #map1}]} {
    %mul3A = arith.constant 16 : i32
    %mul3A_0 = arith.muli %arg0, %mul3A : i32
    %add3A = arith.addi %mul3A_0, %arg1 : i32
    %mul3A_1 = arith.constant 632 : i32
    %mul3A_2 = arith.muli %arg1, %mul3A_1 : i32
    "tpu.region"() ({
      %run_scoped3A_28 = tpu.sem_alloc : memref<!tpu.dma_semaphore, #tpu.memory_space<semaphore_mem>>
      %dma_start3A_29 = arith.constant 0 : i32
      %dma_start3A_30 = tpu.memref_slice %arg11[%mul3A_2, %dma_start3A_29] : memref<10112x64xf32, #tpu.memory_space<vmem_shared>> -> memref<632x64xf32, #tpu.memory_space<vmem_shared>>
      tpu.enqueue_dma source(%arg4 : memref<632x64xf32, #tpu.memory_space<hbm>>) target(%dma_start3A_30 : memref<632x64xf32, #tpu.memory_space<vmem_shared>>) target_semaphore(%run_scoped3A_28 : memref<!tpu.dma_semaphore, #tpu.memory_space<semaphore_mem>>)
      %dma_wait3A = arith.constant 0 : i32
      %dma_wait3A_31 = tpu.memref_slice %arg11[%mul3A_2, %dma_wait3A] : memref<10112x64xf32, #tpu.memory_space<vmem_shared>> -> memref<632x64xf32, #tpu.memory_space<vmem_shared>>
      tpu.wait_dma2 semaphore(%run_scoped3A_28 : memref<!tpu.dma_semaphore, #tpu.memory_space<semaphore_mem>>) src(%arg4 : memref<632x64xf32, #tpu.memory_space<hbm>>) dst(%dma_wait3A_31 : memref<632x64xf32, #tpu.memory_space<vmem_shared>>)
      tpu.yield
    }) : () -> ()
    %mul3A_3 = arith.constant 625 : i32
    %mul3A_4 = arith.muli %arg1, %mul3A_3 : i32
    %mul3A_5 = arith.constant 625 : i32
    %mul3A_6 = arith.muli %arg1, %mul3A_5 : i32
    "tpu.region"() ({
      %run_scoped3A_28 = tpu.sem_alloc : memref<!tpu.dma_semaphore, #tpu.memory_space<semaphore_mem>>
      %dma_start3A_29 = arith.constant 0 : i32
      %dma_start3A_30 = tpu.memref_slice %arg10[%mul3A_6, %dma_start3A_29] : memref<10000x64xf32, #tpu.memory_space<vmem_shared>> -> memref<625x64xf32, #tpu.memory_space<vmem_shared>>
      %dma_start3A_31 = arith.constant 0 : i32
      %dma_start3A_32 = tpu.memref_slice %arg2[%mul3A_4, %dma_start3A_31] : memref<10000x64xf32, #tpu.memory_space<hbm>> -> memref<625x64xf32, #tpu.memory_space<hbm>>
      tpu.enqueue_dma source(%dma_start3A_32 : memref<625x64xf32, #tpu.memory_space<hbm>>) target(%dma_start3A_30 : memref<625x64xf32, #tpu.memory_space<vmem_shared>>) target_semaphore(%run_scoped3A_28 : memref<!tpu.dma_semaphore, #tpu.memory_space<semaphore_mem>>)
      %dma_wait3A = arith.constant 0 : i32
      %dma_wait3A_33 = tpu.memref_slice %arg10[%mul3A_6, %dma_wait3A] : memref<10000x64xf32, #tpu.memory_space<vmem_shared>> -> memref<625x64xf32, #tpu.memory_space<vmem_shared>>
      %dma_wait3A_34 = arith.constant 0 : i32
      %dma_wait3A_35 = tpu.memref_slice %arg2[%mul3A_4, %dma_wait3A_34] : memref<10000x64xf32, #tpu.memory_space<hbm>> -> memref<625x64xf32, #tpu.memory_space<hbm>>
      tpu.wait_dma2 semaphore(%run_scoped3A_28 : memref<!tpu.dma_semaphore, #tpu.memory_space<semaphore_mem>>) src(%dma_wait3A_35 : memref<625x64xf32, #tpu.memory_space<hbm>>) dst(%dma_wait3A_33 : memref<625x64xf32, #tpu.memory_space<vmem_shared>>)
      tpu.yield
    }) : () -> ()
    %mul3A_7 = arith.constant 78 : i32
    %mul3A_8 = arith.muli %add3A, %mul3A_7 : i32
    %min3A = arith.constant 4 : i32
    %min3A_9 = arith.minsi %add3A, %min3A : i32
    %add3A_10 = arith.addi %mul3A_8, %min3A_9 : i32
    %lt3A = arith.constant 4 : i32
    %lt3A_11 = arith.cmpi slt, %add3A, %lt3A : i32
    %run_scoped3A = arith.constant 0 : i32
    "tpu.region"() ({
      %run_scoped3A_28 = tpu.sem_alloc : memref<!tpu.dma_semaphore, #tpu.memory_space<semaphore_mem>>
      %dma_start3A_29 = arith.constant 0 : i32
      %dma_start3A_30 = arith.constant 0 : i32
      %dma_start3A_31 = tpu.memref_slice %arg6[%dma_start3A_29, %dma_start3A_30] : memref<79x128xi32, #tpu.memory_space<vmem>> -> memref<78x128xi32, #tpu.memory_space<vmem>>
      %dma_start3A_32 = arith.constant 0 : i32
      %dma_start3A_33 = tpu.memref_slice %arg3[%run_scoped3A, %add3A_10, %dma_start3A_32] : memref<2x2500x128xi32, #tpu.memory_space<hbm>> -> memref<1x78x128xi32, #tpu.memory_space<hbm>>
      %dma_start3A_34 = tpu.memref_squeeze %dma_start3A_33 : memref<1x78x128xi32, #tpu.memory_space<hbm>> -> memref<78x128xi32, #tpu.memory_space<hbm>>
      %dma_start3A_35 = arith.constant 0 : i32
      %dma_start3A_36 = arith.constant 0 : i32
      %dma_start3A_37 = tpu.memref_slice %arg6[%dma_start3A_35, %dma_start3A_36] : memref<79x128xi32, #tpu.memory_space<vmem>> -> memref<78x128xi32, #tpu.memory_space<vmem>>
      %dma_start3A_38 = arith.constant 0 : i32
      %dma_start3A_39 = tpu.memref_slice %arg3[%run_scoped3A, %add3A_10, %dma_start3A_38] : memref<2x2500x128xi32, #tpu.memory_space<hbm>> -> memref<1x78x128xi32, #tpu.memory_space<hbm>>
      %dma_start3A_40 = tpu.memref_squeeze %dma_start3A_39 : memref<1x78x128xi32, #tpu.memory_space<hbm>> -> memref<78x128xi32, #tpu.memory_space<hbm>>
      tpu.enqueue_dma source(%dma_start3A_40 : memref<78x128xi32, #tpu.memory_space<hbm>>) target(%dma_start3A_37 : memref<78x128xi32, #tpu.memory_space<vmem>>) target_semaphore(%run_scoped3A_28 : memref<!tpu.dma_semaphore, #tpu.memory_space<semaphore_mem>>)
      %dma_wait3A = arith.constant 0 : i32
      %dma_wait3A_41 = arith.constant 0 : i32
      %dma_wait3A_42 = tpu.memref_slice %arg6[%dma_wait3A, %dma_wait3A_41] : memref<79x128xi32, #tpu.memory_space<vmem>> -> memref<78x128xi32, #tpu.memory_space<vmem>>
      %dma_wait3A_43 = arith.constant 0 : i32
      %dma_wait3A_44 = tpu.memref_slice %arg3[%run_scoped3A, %add3A_10, %dma_wait3A_43] : memref<2x2500x128xi32, #tpu.memory_space<hbm>> -> memref<1x78x128xi32, #tpu.memory_space<hbm>>
      %dma_wait3A_45 = tpu.memref_squeeze %dma_wait3A_44 : memref<1x78x128xi32, #tpu.memory_space<hbm>> -> memref<78x128xi32, #tpu.memory_space<hbm>>
      %dma_wait3A_46 = arith.constant 0 : i32
      %dma_wait3A_47 = arith.constant 0 : i32
      %dma_wait3A_48 = tpu.memref_slice %arg6[%dma_wait3A_46, %dma_wait3A_47] : memref<79x128xi32, #tpu.memory_space<vmem>> -> memref<78x128xi32, #tpu.memory_space<vmem>>
      %dma_wait3A_49 = arith.constant 0 : i32
      %dma_wait3A_50 = tpu.memref_slice %arg3[%run_scoped3A, %add3A_10, %dma_wait3A_49] : memref<2x2500x128xi32, #tpu.memory_space<hbm>> -> memref<1x78x128xi32, #tpu.memory_space<hbm>>
      %dma_wait3A_51 = tpu.memref_squeeze %dma_wait3A_50 : memref<1x78x128xi32, #tpu.memory_space<hbm>> -> memref<78x128xi32, #tpu.memory_space<hbm>>
      tpu.wait_dma2 semaphore(%run_scoped3A_28 : memref<!tpu.dma_semaphore, #tpu.memory_space<semaphore_mem>>) src(%dma_wait3A_51 : memref<78x128xi32, #tpu.memory_space<hbm>>) dst(%dma_wait3A_48 : memref<78x128xi32, #tpu.memory_space<vmem>>)
      tpu.yield
    }) : () -> ()
    %run_scoped3A_12 = arith.constant 1 : i32
    "tpu.region"() ({
      %run_scoped3A_28 = tpu.sem_alloc : memref<!tpu.dma_semaphore, #tpu.memory_space<semaphore_mem>>
      %dma_start3A_29 = arith.constant 0 : i32
      %dma_start3A_30 = arith.constant 0 : i32
      %dma_start3A_31 = tpu.memref_slice %arg7[%dma_start3A_29, %dma_start3A_30] : memref<79x128xi32, #tpu.memory_space<vmem>> -> memref<78x128xi32, #tpu.memory_space<vmem>>
      %dma_start3A_32 = arith.constant 0 : i32
      %dma_start3A_33 = tpu.memref_slice %arg3[%run_scoped3A_12, %add3A_10, %dma_start3A_32] : memref<2x2500x128xi32, #tpu.memory_space<hbm>> -> memref<1x78x128xi32, #tpu.memory_space<hbm>>
      %dma_start3A_34 = tpu.memref_squeeze %dma_start3A_33 : memref<1x78x128xi32, #tpu.memory_space<hbm>> -> memref<78x128xi32, #tpu.memory_space<hbm>>
      %dma_start3A_35 = arith.constant 0 : i32
      %dma_start3A_36 = arith.constant 0 : i32
      %dma_start3A_37 = tpu.memref_slice %arg7[%dma_start3A_35, %dma_start3A_36] : memref<79x128xi32, #tpu.memory_space<vmem>> -> memref<78x128xi32, #tpu.memory_space<vmem>>
      %dma_start3A_38 = arith.constant 0 : i32
      %dma_start3A_39 = tpu.memref_slice %arg3[%run_scoped3A_12, %add3A_10, %dma_start3A_38] : memref<2x2500x128xi32, #tpu.memory_space<hbm>> -> memref<1x78x128xi32, #tpu.memory_space<hbm>>
      %dma_start3A_40 = tpu.memref_squeeze %dma_start3A_39 : memref<1x78x128xi32, #tpu.memory_space<hbm>> -> memref<78x128xi32, #tpu.memory_space<hbm>>
      tpu.enqueue_dma source(%dma_start3A_40 : memref<78x128xi32, #tpu.memory_space<hbm>>) target(%dma_start3A_37 : memref<78x128xi32, #tpu.memory_space<vmem>>) target_semaphore(%run_scoped3A_28 : memref<!tpu.dma_semaphore, #tpu.memory_space<semaphore_mem>>)
      %dma_wait3A = arith.constant 0 : i32
      %dma_wait3A_41 = arith.constant 0 : i32
      %dma_wait3A_42 = tpu.memref_slice %arg7[%dma_wait3A, %dma_wait3A_41] : memref<79x128xi32, #tpu.memory_space<vmem>> -> memref<78x128xi32, #tpu.memory_space<vmem>>
      %dma_wait3A_43 = arith.constant 0 : i32
      %dma_wait3A_44 = tpu.memref_slice %arg3[%run_scoped3A_12, %add3A_10, %dma_wait3A_43] : memref<2x2500x128xi32, #tpu.memory_space<hbm>> -> memref<1x78x128xi32, #tpu.memory_space<hbm>>
      %dma_wait3A_45 = tpu.memref_squeeze %dma_wait3A_44 : memref<1x78x128xi32, #tpu.memory_space<hbm>> -> memref<78x128xi32, #tpu.memory_space<hbm>>
      %dma_wait3A_46 = arith.constant 0 : i32
      %dma_wait3A_47 = arith.constant 0 : i32
      %dma_wait3A_48 = tpu.memref_slice %arg7[%dma_wait3A_46, %dma_wait3A_47] : memref<79x128xi32, #tpu.memory_space<vmem>> -> memref<78x128xi32, #tpu.memory_space<vmem>>
      %dma_wait3A_49 = arith.constant 0 : i32
      %dma_wait3A_50 = tpu.memref_slice %arg3[%run_scoped3A_12, %add3A_10, %dma_wait3A_49] : memref<2x2500x128xi32, #tpu.memory_space<hbm>> -> memref<1x78x128xi32, #tpu.memory_space<hbm>>
      %dma_wait3A_51 = tpu.memref_squeeze %dma_wait3A_50 : memref<1x78x128xi32, #tpu.memory_space<hbm>> -> memref<78x128xi32, #tpu.memory_space<hbm>>
      tpu.wait_dma2 semaphore(%run_scoped3A_28 : memref<!tpu.dma_semaphore, #tpu.memory_space<semaphore_mem>>) src(%dma_wait3A_51 : memref<78x128xi32, #tpu.memory_space<hbm>>) dst(%dma_wait3A_48 : memref<78x128xi32, #tpu.memory_space<vmem>>)
      tpu.yield
    }) : () -> ()
    %convert_element_type3A = arith.extui %lt3A_11 : i1 to i32
    %cond3A = arith.constant 0 : i32
    %cond3A_13 = arith.cmpi ne, %convert_element_type3A, %cond3A : i32
    scf.if %cond3A_13 {
      %add3A_28 = arith.constant 78 : i32
      %add3A_29 = arith.addi %add3A_10, %add3A_28 : i32
      %run_scoped3A_30 = arith.constant 0 : i32
      "tpu.region"() ({
        %run_scoped3A_34 = tpu.sem_alloc : memref<!tpu.dma_semaphore, #tpu.memory_space<semaphore_mem>>
        %dma_start3A_35 = arith.constant 78 : i32
        %dma_start3A_36 = arith.constant 0 : i32
        %dma_start3A_37 = tpu.memref_slice %arg6[%dma_start3A_35, %dma_start3A_36] : memref<79x128xi32, #tpu.memory_space<vmem>> -> memref<1x128xi32, #tpu.memory_space<vmem>>
        %dma_start3A_38 = arith.constant 0 : i32
        %dma_start3A_39 = tpu.memref_slice %arg3[%run_scoped3A_30, %add3A_29, %dma_start3A_38] : memref<2x2500x128xi32, #tpu.memory_space<hbm>> -> memref<1x1x128xi32, #tpu.memory_space<hbm>>
        %dma_start3A_40 = tpu.memref_squeeze %dma_start3A_39 : memref<1x1x128xi32, #tpu.memory_space<hbm>> -> memref<1x128xi32, #tpu.memory_space<hbm>>
        %dma_start3A_41 = arith.constant 78 : i32
        %dma_start3A_42 = arith.constant 0 : i32
        %dma_start3A_43 = tpu.memref_slice %arg6[%dma_start3A_41, %dma_start3A_42] : memref<79x128xi32, #tpu.memory_space<vmem>> -> memref<1x128xi32, #tpu.memory_space<vmem>>
        %dma_start3A_44 = arith.constant 0 : i32
        %dma_start3A_45 = tpu.memref_slice %arg3[%run_scoped3A_30, %add3A_29, %dma_start3A_44] : memref<2x2500x128xi32, #tpu.memory_space<hbm>> -> memref<1x1x128xi32, #tpu.memory_space<hbm>>
        %dma_start3A_46 = tpu.memref_squeeze %dma_start3A_45 : memref<1x1x128xi32, #tpu.memory_space<hbm>> -> memref<1x128xi32, #tpu.memory_space<hbm>>
        tpu.enqueue_dma source(%dma_start3A_46 : memref<1x128xi32, #tpu.memory_space<hbm>>) target(%dma_start3A_43 : memref<1x128xi32, #tpu.memory_space<vmem>>) target_semaphore(%run_scoped3A_34 : memref<!tpu.dma_semaphore, #tpu.memory_space<semaphore_mem>>)
        %dma_wait3A = arith.constant 78 : i32
        %dma_wait3A_47 = arith.constant 0 : i32
        %dma_wait3A_48 = tpu.memref_slice %arg6[%dma_wait3A, %dma_wait3A_47] : memref<79x128xi32, #tpu.memory_space<vmem>> -> memref<1x128xi32, #tpu.memory_space<vmem>>
        %dma_wait3A_49 = arith.constant 0 : i32
        %dma_wait3A_50 = tpu.memref_slice %arg3[%run_scoped3A_30, %add3A_29, %dma_wait3A_49] : memref<2x2500x128xi32, #tpu.memory_space<hbm>> -> memref<1x1x128xi32, #tpu.memory_space<hbm>>
        %dma_wait3A_51 = tpu.memref_squeeze %dma_wait3A_50 : memref<1x1x128xi32, #tpu.memory_space<hbm>> -> memref<1x128xi32, #tpu.memory_space<hbm>>
        %dma_wait3A_52 = arith.constant 78 : i32
        %dma_wait3A_53 = arith.constant 0 : i32
        %dma_wait3A_54 = tpu.memref_slice %arg6[%dma_wait3A_52, %dma_wait3A_53] : memref<79x128xi32, #tpu.memory_space<vmem>> -> memref<1x128xi32, #tpu.memory_space<vmem>>
        %dma_wait3A_55 = arith.constant 0 : i32
        %dma_wait3A_56 = tpu.memref_slice %arg3[%run_scoped3A_30, %add3A_29, %dma_wait3A_55] : memref<2x2500x128xi32, #tpu.memory_space<hbm>> -> memref<1x1x128xi32, #tpu.memory_space<hbm>>
        %dma_wait3A_57 = tpu.memref_squeeze %dma_wait3A_56 : memref<1x1x128xi32, #tpu.memory_space<hbm>> -> memref<1x128xi32, #tpu.memory_space<hbm>>
        tpu.wait_dma2 semaphore(%run_scoped3A_34 : memref<!tpu.dma_semaphore, #tpu.memory_space<semaphore_mem>>) src(%dma_wait3A_57 : memref<1x128xi32, #tpu.memory_space<hbm>>) dst(%dma_wait3A_54 : memref<1x128xi32, #tpu.memory_space<vmem>>)
        tpu.yield
      }) : () -> ()
      %add3A_31 = arith.constant 78 : i32
      %add3A_32 = arith.addi %add3A_10, %add3A_31 : i32
      %run_scoped3A_33 = arith.constant 1 : i32
      "tpu.region"() ({
        %run_scoped3A_34 = tpu.sem_alloc : memref<!tpu.dma_semaphore, #tpu.memory_space<semaphore_mem>>
        %dma_start3A_35 = arith.constant 78 : i32
        %dma_start3A_36 = arith.constant 0 : i32
        %dma_start3A_37 = tpu.memref_slice %arg7[%dma_start3A_35, %dma_start3A_36] : memref<79x128xi32, #tpu.memory_space<vmem>> -> memref<1x128xi32, #tpu.memory_space<vmem>>
        %dma_start3A_38 = arith.constant 0 : i32
        %dma_start3A_39 = tpu.memref_slice %arg3[%run_scoped3A_33, %add3A_32, %dma_start3A_38] : memref<2x2500x128xi32, #tpu.memory_space<hbm>> -> memref<1x1x128xi32, #tpu.memory_space<hbm>>
        %dma_start3A_40 = tpu.memref_squeeze %dma_start3A_39 : memref<1x1x128xi32, #tpu.memory_space<hbm>> -> memref<1x128xi32, #tpu.memory_space<hbm>>
        %dma_start3A_41 = arith.constant 78 : i32
        %dma_start3A_42 = arith.constant 0 : i32
        %dma_start3A_43 = tpu.memref_slice %arg7[%dma_start3A_41, %dma_start3A_42] : memref<79x128xi32, #tpu.memory_space<vmem>> -> memref<1x128xi32, #tpu.memory_space<vmem>>
        %dma_start3A_44 = arith.constant 0 : i32
        %dma_start3A_45 = tpu.memref_slice %arg3[%run_scoped3A_33, %add3A_32, %dma_start3A_44] : memref<2x2500x128xi32, #tpu.memory_space<hbm>> -> memref<1x1x128xi32, #tpu.memory_space<hbm>>
        %dma_start3A_46 = tpu.memref_squeeze %dma_start3A_45 : memref<1x1x128xi32, #tpu.memory_space<hbm>> -> memref<1x128xi32, #tpu.memory_space<hbm>>
        tpu.enqueue_dma source(%dma_start3A_46 : memref<1x128xi32, #tpu.memory_space<hbm>>) target(%dma_start3A_43 : memref<1x128xi32, #tpu.memory_space<vmem>>) target_semaphore(%run_scoped3A_34 : memref<!tpu.dma_semaphore, #tpu.memory_space<semaphore_mem>>)
        %dma_wait3A = arith.constant 78 : i32
        %dma_wait3A_47 = arith.constant 0 : i32
        %dma_wait3A_48 = tpu.memref_slice %arg7[%dma_wait3A, %dma_wait3A_47] : memref<79x128xi32, #tpu.memory_space<vmem>> -> memref<1x128xi32, #tpu.memory_space<vmem>>
        %dma_wait3A_49 = arith.constant 0 : i32
        %dma_wait3A_50 = tpu.memref_slice %arg3[%run_scoped3A_33, %add3A_32, %dma_wait3A_49] : memref<2x2500x128xi32, #tpu.memory_space<hbm>> -> memref<1x1x128xi32, #tpu.memory_space<hbm>>
        %dma_wait3A_51 = tpu.memref_squeeze %dma_wait3A_50 : memref<1x1x128xi32, #tpu.memory_space<hbm>> -> memref<1x128xi32, #tpu.memory_space<hbm>>
        %dma_wait3A_52 = arith.constant 78 : i32
        %dma_wait3A_53 = arith.constant 0 : i32
        %dma_wait3A_54 = tpu.memref_slice %arg7[%dma_wait3A_52, %dma_wait3A_53] : memref<79x128xi32, #tpu.memory_space<vmem>> -> memref<1x128xi32, #tpu.memory_space<vmem>>
        %dma_wait3A_55 = arith.constant 0 : i32
        %dma_wait3A_56 = tpu.memref_slice %arg3[%run_scoped3A_33, %add3A_32, %dma_wait3A_55] : memref<2x2500x128xi32, #tpu.memory_space<hbm>> -> memref<1x1x128xi32, #tpu.memory_space<hbm>>
        %dma_wait3A_57 = tpu.memref_squeeze %dma_wait3A_56 : memref<1x1x128xi32, #tpu.memory_space<hbm>> -> memref<1x128xi32, #tpu.memory_space<hbm>>
        tpu.wait_dma2 semaphore(%run_scoped3A_34 : memref<!tpu.dma_semaphore, #tpu.memory_space<semaphore_mem>>) src(%dma_wait3A_57 : memref<1x128xi32, #tpu.memory_space<hbm>>) dst(%dma_wait3A_54 : memref<1x128xi32, #tpu.memory_space<vmem>>)
        tpu.yield
      }) : () -> ()
    } else {
    }
    %barrier3A = arith.constant 0 : index
    tpu.barrier barrier_id(%barrier3A)
    %dma_start3A = arith.constant 0 : i32
    %dma_start3A_14 = arith.constant 0 : i32
    %dma_start3A_15 = tpu.memref_slice %arg6[%dma_start3A, %dma_start3A_14] : memref<79x128xi32, #tpu.memory_space<vmem>> -> memref<1x128xi32, #tpu.memory_space<vmem>>
    %dma_start3A_16 = tpu.memref_squeeze %dma_start3A_15 : memref<1x128xi32, #tpu.memory_space<vmem>> -> memref<128xi32, #tpu.memory_space<vmem>>
    %dma_start3A_17 = arith.constant 0 : i32
    %dma_start3A_18 = arith.constant 0 : i32
    %dma_start3A_19 = tpu.memref_slice %arg10[%dma_start3A_17, %dma_start3A_18] : memref<10000x64xf32, #tpu.memory_space<vmem_shared>> -> memref<10000x64xf32, #tpu.memory_space<vmem_shared>>
    tpu.enqueue_indirect_dma source(%dma_start3A_19 : memref<10000x64xf32, #tpu.memory_space<vmem_shared>>) target(%arg8 : memref<128x64xf32, #tpu.memory_space<vmem>>) offsets(%dma_start3A_16 : memref<128xi32, #tpu.memory_space<vmem>>) semaphore(%arg12 : memref<!tpu.dma_semaphore, #tpu.memory_space<semaphore_mem>>)
    %scan3A = arith.constant 0 : i32
    %scan3A_20 = arith.constant 39 : i32
    %scan3A_21 = arith.addi %scan3A, %scan3A_20 : i32
    %scan3A_22 = arith.constant 1 : i32
    scf.for %scan3A_28 = %scan3A to %scan3A_21 step %scan3A_22  : i32 {
      %mul3A_29 = arith.constant 2 : i32
      %mul3A_30 = arith.muli %mul3A_29, %scan3A_28 : i32
      %add3A_31 = arith.constant 1 : i32
      %add3A_32 = arith.addi %mul3A_30, %add3A_31 : i32
      %dma_start3A_33 = arith.constant 0 : i32
      %dma_start3A_34 = tpu.memref_slice %arg6[%add3A_32, %dma_start3A_33] : memref<79x128xi32, #tpu.memory_space<vmem>> -> memref<1x128xi32, #tpu.memory_space<vmem>>
      %dma_start3A_35 = tpu.memref_squeeze %dma_start3A_34 : memref<1x128xi32, #tpu.memory_space<vmem>> -> memref<128xi32, #tpu.memory_space<vmem>>
      %dma_start3A_36 = arith.constant 0 : i32
      %dma_start3A_37 = arith.constant 0 : i32
      %dma_start3A_38 = tpu.memref_slice %arg10[%dma_start3A_36, %dma_start3A_37] : memref<10000x64xf32, #tpu.memory_space<vmem_shared>> -> memref<10000x64xf32, #tpu.memory_space<vmem_shared>>
      tpu.enqueue_indirect_dma source(%dma_start3A_38 : memref<10000x64xf32, #tpu.memory_space<vmem_shared>>) target(%arg9 : memref<128x64xf32, #tpu.memory_space<vmem>>) offsets(%dma_start3A_35 : memref<128xi32, #tpu.memory_space<vmem>>) semaphore(%arg13 : memref<!tpu.dma_semaphore, #tpu.memory_space<semaphore_mem>>)
      %dma_wait3A = arith.constant 0 : i32
      %dma_wait3A_39 = tpu.memref_slice %arg6[%mul3A_30, %dma_wait3A] : memref<79x128xi32, #tpu.memory_space<vmem>> -> memref<1x128xi32, #tpu.memory_space<vmem>>
      %dma_wait3A_40 = tpu.memref_squeeze %dma_wait3A_39 : memref<1x128xi32, #tpu.memory_space<vmem>> -> memref<128xi32, #tpu.memory_space<vmem>>
      %dma_wait3A_41 = arith.constant 0 : i32
      %dma_wait3A_42 = arith.constant 0 : i32
      %dma_wait3A_43 = tpu.memref_slice %arg10[%dma_wait3A_41, %dma_wait3A_42] : memref<10000x64xf32, #tpu.memory_space<vmem_shared>> -> memref<10000x64xf32, #tpu.memory_space<vmem_shared>>
      tpu.wait_indirect_dma semaphore(%arg12 : memref<!tpu.dma_semaphore, #tpu.memory_space<semaphore_mem>>) src(%dma_wait3A_43 : memref<10000x64xf32, #tpu.memory_space<vmem_shared>>) dst(%arg8 : memref<128x64xf32, #tpu.memory_space<vmem>>)
      "tpu.region"() ({
        %run_scoped3A_59 = tpu.sem_alloc : memref<!tpu.dma_semaphore, #tpu.memory_space<semaphore_mem>>
        %dma_start3A_60 = arith.constant 0 : i32
        %dma_start3A_61 = tpu.memref_slice %arg7[%mul3A_30, %dma_start3A_60] : memref<79x128xi32, #tpu.memory_space<vmem>> -> memref<1x128xi32, #tpu.memory_space<vmem>>
        %dma_start3A_62 = tpu.memref_squeeze %dma_start3A_61 : memref<1x128xi32, #tpu.memory_space<vmem>> -> memref<128xi32, #tpu.memory_space<vmem>>
        %dma_start3A_63 = arith.constant 0 : i32
        %dma_start3A_64 = arith.constant 0 : i32
        %dma_start3A_65 = tpu.memref_slice %arg11[%dma_start3A_63, %dma_start3A_64] : memref<10112x64xf32, #tpu.memory_space<vmem_shared>> -> memref<10112x64xf32, #tpu.memory_space<vmem_shared>>
        tpu.enqueue_indirect_dma source(%arg8 : memref<128x64xf32, #tpu.memory_space<vmem>>) target(%dma_start3A_65 : memref<10112x64xf32, #tpu.memory_space<vmem_shared>>) offsets(%dma_start3A_62 : memref<128xi32, #tpu.memory_space<vmem>>) semaphore(%run_scoped3A_59 : memref<!tpu.dma_semaphore, #tpu.memory_space<semaphore_mem>>) {add = true}
        %dma_wait3A_66 = arith.constant 0 : i32
        %dma_wait3A_67 = tpu.memref_slice %arg7[%mul3A_30, %dma_wait3A_66] : memref<79x128xi32, #tpu.memory_space<vmem>> -> memref<1x128xi32, #tpu.memory_space<vmem>>
        %dma_wait3A_68 = tpu.memref_squeeze %dma_wait3A_67 : memref<1x128xi32, #tpu.memory_space<vmem>> -> memref<128xi32, #tpu.memory_space<vmem>>
        %dma_wait3A_69 = arith.constant 0 : i32
        %dma_wait3A_70 = arith.constant 0 : i32
        %dma_wait3A_71 = tpu.memref_slice %arg11[%dma_wait3A_69, %dma_wait3A_70] : memref<10112x64xf32, #tpu.memory_space<vmem_shared>> -> memref<10112x64xf32, #tpu.memory_space<vmem_shared>>
        tpu.wait_indirect_dma semaphore(%run_scoped3A_59 : memref<!tpu.dma_semaphore, #tpu.memory_space<semaphore_mem>>) src(%arg8 : memref<128x64xf32, #tpu.memory_space<vmem>>) dst(%dma_wait3A_71 : memref<10112x64xf32, #tpu.memory_space<vmem_shared>>)
        tpu.yield
      }) : () -> ()
      %add3A_44 = arith.constant 2 : i32
      %add3A_45 = arith.addi %mul3A_30, %add3A_44 : i32
      %lt3A_46 = arith.constant 78 : i32
      %lt3A_47 = arith.cmpi slt, %add3A_45, %lt3A_46 : i32
      %convert_element_type3A_48 = arith.extui %lt3A_47 : i1 to i32
      %cond3A_49 = arith.constant 0 : i32
      %cond3A_50 = arith.cmpi ne, %convert_element_type3A_48, %cond3A_49 : i32
      scf.if %cond3A_50 {
        %add3A_59 = arith.constant 2 : i32
        %add3A_60 = arith.addi %mul3A_30, %add3A_59 : i32
        %dma_start3A_61 = arith.constant 0 : i32
        %dma_start3A_62 = tpu.memref_slice %arg6[%add3A_60, %dma_start3A_61] : memref<79x128xi32, #tpu.memory_space<vmem>> -> memref<1x128xi32, #tpu.memory_space<vmem>>
        %dma_start3A_63 = tpu.memref_squeeze %dma_start3A_62 : memref<1x128xi32, #tpu.memory_space<vmem>> -> memref<128xi32, #tpu.memory_space<vmem>>
        %dma_start3A_64 = arith.constant 0 : i32
        %dma_start3A_65 = arith.constant 0 : i32
        %dma_start3A_66 = tpu.memref_slice %arg10[%dma_start3A_64, %dma_start3A_65] : memref<10000x64xf32, #tpu.memory_space<vmem_shared>> -> memref<10000x64xf32, #tpu.memory_space<vmem_shared>>
        tpu.enqueue_indirect_dma source(%dma_start3A_66 : memref<10000x64xf32, #tpu.memory_space<vmem_shared>>) target(%arg8 : memref<128x64xf32, #tpu.memory_space<vmem>>) offsets(%dma_start3A_63 : memref<128xi32, #tpu.memory_space<vmem>>) semaphore(%arg12 : memref<!tpu.dma_semaphore, #tpu.memory_space<semaphore_mem>>)
      } else {
      }
      %dma_wait3A_51 = arith.constant 0 : i32
      %dma_wait3A_52 = tpu.memref_slice %arg6[%add3A_32, %dma_wait3A_51] : memref<79x128xi32, #tpu.memory_space<vmem>> -> memref<1x128xi32, #tpu.memory_space<vmem>>
      %dma_wait3A_53 = tpu.memref_squeeze %dma_wait3A_52 : memref<1x128xi32, #tpu.memory_space<vmem>> -> memref<128xi32, #tpu.memory_space<vmem>>
      %dma_wait3A_54 = arith.constant 0 : i32
      %dma_wait3A_55 = arith.constant 0 : i32
      %dma_wait3A_56 = tpu.memref_slice %arg10[%dma_wait3A_54, %dma_wait3A_55] : memref<10000x64xf32, #tpu.memory_space<vmem_shared>> -> memref<10000x64xf32, #tpu.memory_space<vmem_shared>>
      tpu.wait_indirect_dma semaphore(%arg13 : memref<!tpu.dma_semaphore, #tpu.memory_space<semaphore_mem>>) src(%dma_wait3A_56 : memref<10000x64xf32, #tpu.memory_space<vmem_shared>>) dst(%arg9 : memref<128x64xf32, #tpu.memory_space<vmem>>)
      %add3A_57 = arith.constant 1 : i32
      %add3A_58 = arith.addi %mul3A_30, %add3A_57 : i32
      "tpu.region"() ({
        %run_scoped3A_59 = tpu.sem_alloc : memref<!tpu.dma_semaphore, #tpu.memory_space<semaphore_mem>>
        %dma_start3A_60 = arith.constant 0 : i32
        %dma_start3A_61 = tpu.memref_slice %arg7[%add3A_58, %dma_start3A_60] : memref<79x128xi32, #tpu.memory_space<vmem>> -> memref<1x128xi32, #tpu.memory_space<vmem>>
        %dma_start3A_62 = tpu.memref_squeeze %dma_start3A_61 : memref<1x128xi32, #tpu.memory_space<vmem>> -> memref<128xi32, #tpu.memory_space<vmem>>
        %dma_start3A_63 = arith.constant 0 : i32
        %dma_start3A_64 = arith.constant 0 : i32
        %dma_start3A_65 = tpu.memref_slice %arg11[%dma_start3A_63, %dma_start3A_64] : memref<10112x64xf32, #tpu.memory_space<vmem_shared>> -> memref<10112x64xf32, #tpu.memory_space<vmem_shared>>
        tpu.enqueue_indirect_dma source(%arg9 : memref<128x64xf32, #tpu.memory_space<vmem>>) target(%dma_start3A_65 : memref<10112x64xf32, #tpu.memory_space<vmem_shared>>) offsets(%dma_start3A_62 : memref<128xi32, #tpu.memory_space<vmem>>) semaphore(%run_scoped3A_59 : memref<!tpu.dma_semaphore, #tpu.memory_space<semaphore_mem>>) {add = true}
        %dma_wait3A_66 = arith.constant 0 : i32
        %dma_wait3A_67 = tpu.memref_slice %arg7[%add3A_58, %dma_wait3A_66] : memref<79x128xi32, #tpu.memory_space<vmem>> -> memref<1x128xi32, #tpu.memory_space<vmem>>
        %dma_wait3A_68 = tpu.memref_squeeze %dma_wait3A_67 : memref<1x128xi32, #tpu.memory_space<vmem>> -> memref<128xi32, #tpu.memory_space<vmem>>
        %dma_wait3A_69 = arith.constant 0 : i32
        %dma_wait3A_70 = arith.constant 0 : i32
        %dma_wait3A_71 = tpu.memref_slice %arg11[%dma_wait3A_69, %dma_wait3A_70] : memref<10112x64xf32, #tpu.memory_space<vmem_shared>> -> memref<10112x64xf32, #tpu.memory_space<vmem_shared>>
        tpu.wait_indirect_dma semaphore(%run_scoped3A_59 : memref<!tpu.dma_semaphore, #tpu.memory_space<semaphore_mem>>) src(%arg9 : memref<128x64xf32, #tpu.memory_space<vmem>>) dst(%dma_wait3A_71 : memref<10112x64xf32, #tpu.memory_space<vmem_shared>>)
        tpu.yield
      }) : () -> ()
    }
    %scan3A_23 = arith.constant 39 : i32
    %convert_element_type3A_24 = arith.extui %lt3A_11 : i1 to i32
    %cond3A_25 = arith.constant 0 : i32
    %cond3A_26 = arith.cmpi ne, %convert_element_type3A_24, %cond3A_25 : i32
    scf.if %cond3A_26 {
      %dma_start3A_28 = arith.constant 78 : i32
      %dma_start3A_29 = arith.constant 0 : i32
      %dma_start3A_30 = tpu.memref_slice %arg6[%dma_start3A_28, %dma_start3A_29] : memref<79x128xi32, #tpu.memory_space<vmem>> -> memref<1x128xi32, #tpu.memory_space<vmem>>
      %dma_start3A_31 = tpu.memref_squeeze %dma_start3A_30 : memref<1x128xi32, #tpu.memory_space<vmem>> -> memref<128xi32, #tpu.memory_space<vmem>>
      %dma_start3A_32 = arith.constant 0 : i32
      %dma_start3A_33 = arith.constant 0 : i32
      %dma_start3A_34 = tpu.memref_slice %arg10[%dma_start3A_32, %dma_start3A_33] : memref<10000x64xf32, #tpu.memory_space<vmem_shared>> -> memref<10000x64xf32, #tpu.memory_space<vmem_shared>>
      tpu.enqueue_indirect_dma source(%dma_start3A_34 : memref<10000x64xf32, #tpu.memory_space<vmem_shared>>) target(%arg8 : memref<128x64xf32, #tpu.memory_space<vmem>>) offsets(%dma_start3A_31 : memref<128xi32, #tpu.memory_space<vmem>>) semaphore(%arg12 : memref<!tpu.dma_semaphore, #tpu.memory_space<semaphore_mem>>)
      %dma_wait3A = arith.constant 78 : i32
      %dma_wait3A_35 = arith.constant 0 : i32
      %dma_wait3A_36 = tpu.memref_slice %arg6[%dma_wait3A, %dma_wait3A_35] : memref<79x128xi32, #tpu.memory_space<vmem>> -> memref<1x128xi32, #tpu.memory_space<vmem>>
      %dma_wait3A_37 = tpu.memref_squeeze %dma_wait3A_36 : memref<1x128xi32, #tpu.memory_space<vmem>> -> memref<128xi32, #tpu.memory_space<vmem>>
      %dma_wait3A_38 = arith.constant 0 : i32
      %dma_wait3A_39 = arith.constant 0 : i32
      %dma_wait3A_40 = tpu.memref_slice %arg10[%dma_wait3A_38, %dma_wait3A_39] : memref<10000x64xf32, #tpu.memory_space<vmem_shared>> -> memref<10000x64xf32, #tpu.memory_space<vmem_shared>>
      tpu.wait_indirect_dma semaphore(%arg12 : memref<!tpu.dma_semaphore, #tpu.memory_space<semaphore_mem>>) src(%dma_wait3A_40 : memref<10000x64xf32, #tpu.memory_space<vmem_shared>>) dst(%arg8 : memref<128x64xf32, #tpu.memory_space<vmem>>)
      %run_scoped3A_41 = arith.constant 78 : i32
      "tpu.region"() ({
        %run_scoped3A_42 = tpu.sem_alloc : memref<!tpu.dma_semaphore, #tpu.memory_space<semaphore_mem>>
        %dma_start3A_43 = arith.constant 0 : i32
        %dma_start3A_44 = tpu.memref_slice %arg7[%run_scoped3A_41, %dma_start3A_43] : memref<79x128xi32, #tpu.memory_space<vmem>> -> memref<1x128xi32, #tpu.memory_space<vmem>>
        %dma_start3A_45 = tpu.memref_squeeze %dma_start3A_44 : memref<1x128xi32, #tpu.memory_space<vmem>> -> memref<128xi32, #tpu.memory_space<vmem>>
        %dma_start3A_46 = arith.constant 0 : i32
        %dma_start3A_47 = arith.constant 0 : i32
        %dma_start3A_48 = tpu.memref_slice %arg11[%dma_start3A_46, %dma_start3A_47] : memref<10112x64xf32, #tpu.memory_space<vmem_shared>> -> memref<10112x64xf32, #tpu.memory_space<vmem_shared>>
        tpu.enqueue_indirect_dma source(%arg8 : memref<128x64xf32, #tpu.memory_space<vmem>>) target(%dma_start3A_48 : memref<10112x64xf32, #tpu.memory_space<vmem_shared>>) offsets(%dma_start3A_45 : memref<128xi32, #tpu.memory_space<vmem>>) semaphore(%run_scoped3A_42 : memref<!tpu.dma_semaphore, #tpu.memory_space<semaphore_mem>>) {add = true}
        %dma_wait3A_49 = arith.constant 0 : i32
        %dma_wait3A_50 = tpu.memref_slice %arg7[%run_scoped3A_41, %dma_wait3A_49] : memref<79x128xi32, #tpu.memory_space<vmem>> -> memref<1x128xi32, #tpu.memory_space<vmem>>
        %dma_wait3A_51 = tpu.memref_squeeze %dma_wait3A_50 : memref<1x128xi32, #tpu.memory_space<vmem>> -> memref<128xi32, #tpu.memory_space<vmem>>
        %dma_wait3A_52 = arith.constant 0 : i32
        %dma_wait3A_53 = arith.constant 0 : i32
        %dma_wait3A_54 = tpu.memref_slice %arg11[%dma_wait3A_52, %dma_wait3A_53] : memref<10112x64xf32, #tpu.memory_space<vmem_shared>> -> memref<10112x64xf32, #tpu.memory_space<vmem_shared>>
        tpu.wait_indirect_dma semaphore(%run_scoped3A_42 : memref<!tpu.dma_semaphore, #tpu.memory_space<semaphore_mem>>) src(%arg8 : memref<128x64xf32, #tpu.memory_space<vmem>>) dst(%dma_wait3A_54 : memref<10112x64xf32, #tpu.memory_space<vmem_shared>>)
        tpu.yield
      }) : () -> ()
    } else {
    }
    %barrier3A_27 = arith.constant 0 : index
    tpu.barrier barrier_id(%barrier3A_27)
    "tpu.region"() ({
      %run_scoped3A_28 = tpu.sem_alloc : memref<!tpu.dma_semaphore, #tpu.memory_space<semaphore_mem>>
      %dma_start3A_29 = arith.constant 0 : i32
      %dma_start3A_30 = tpu.memref_slice %arg5[%arg0, %mul3A_2, %dma_start3A_29] : memref<2x10112x64xf32, #tpu.memory_space<hbm>> -> memref<1x632x64xf32, #tpu.memory_space<hbm>>
      %dma_start3A_31 = tpu.memref_squeeze %dma_start3A_30 : memref<1x632x64xf32, #tpu.memory_space<hbm>> -> memref<632x64xf32, #tpu.memory_space<hbm>>
      %dma_start3A_32 = arith.constant 0 : i32
      %dma_start3A_33 = tpu.memref_slice %arg11[%mul3A_2, %dma_start3A_32] : memref<10112x64xf32, #tpu.memory_space<vmem_shared>> -> memref<632x64xf32, #tpu.memory_space<vmem_shared>>
      tpu.enqueue_dma source(%dma_start3A_33 : memref<632x64xf32, #tpu.memory_space<vmem_shared>>) target(%dma_start3A_31 : memref<632x64xf32, #tpu.memory_space<hbm>>) target_semaphore(%run_scoped3A_28 : memref<!tpu.dma_semaphore, #tpu.memory_space<semaphore_mem>>)
      %dma_wait3A = arith.constant 0 : i32
      %dma_wait3A_34 = tpu.memref_slice %arg5[%arg0, %mul3A_2, %dma_wait3A] : memref<2x10112x64xf32, #tpu.memory_space<hbm>> -> memref<1x632x64xf32, #tpu.memory_space<hbm>>
      %dma_wait3A_35 = tpu.memref_squeeze %dma_wait3A_34 : memref<1x632x64xf32, #tpu.memory_space<hbm>> -> memref<632x64xf32, #tpu.memory_space<hbm>>
      %dma_wait3A_36 = arith.constant 0 : i32
      %dma_wait3A_37 = tpu.memref_slice %arg11[%mul3A_2, %dma_wait3A_36] : memref<10112x64xf32, #tpu.memory_space<vmem_shared>> -> memref<632x64xf32, #tpu.memory_space<vmem_shared>>
      tpu.wait_dma2 semaphore(%run_scoped3A_28 : memref<!tpu.dma_semaphore, #tpu.memory_space<semaphore_mem>>) src(%dma_wait3A_37 : memref<632x64xf32, #tpu.memory_space<vmem_shared>>) dst(%dma_wait3A_35 : memref<632x64xf32, #tpu.memory_space<hbm>>)
      tpu.yield
    }) : () -> ()
    return
  }
}

#map = affine_map<(d0, d1) -> (0, 0)>
#map1 = affine_map<(d0, d1) -> (0, 0, 0)>
module attributes {stable_mosaic.version = 14 : i64} {
  func.func @agg(%arg0: i32, %arg1: i32, %arg2: memref<10000x128xf32, #tpu.memory_space<hbm>>, %arg3: memref<2x2500x128xi32, #tpu.memory_space<hbm>>, %arg4: memref<632x64xf32, #tpu.memory_space<hbm>>, %arg5: memref<2x10112x64xf32, #tpu.memory_space<hbm>>, %arg6: memref<79x128xi32, #tpu.memory_space<vmem>>, %arg7: memref<79x128xi32, #tpu.memory_space<vmem>>, %arg8: memref<128x64xf32, #tpu.memory_space<vmem>>, %arg9: memref<128x64xf32, #tpu.memory_space<vmem>>, %arg10: memref<10000x64xf32, #tpu.memory_space<vmem_shared>>, %arg11: memref<10112x64xf32, #tpu.memory_space<vmem_shared>>, %arg12: memref<!tpu.dma_semaphore, #tpu.memory_space<semaphore_mem>>, %arg13: memref<!tpu.dma_semaphore, #tpu.memory_space<semaphore_mem>>) attributes {dimension_semantics = [#tpu.dimension_semantics<core_parallel>, #tpu.dimension_semantics<subcore_parallel>], iteration_bounds = array<i64: 2, 16>, scalar_prefetch = 0 : i64, scratch_operands = 8 : i64, tpu.core_type = #tpu.core_type<sc_vector_subcore>, window_params = [{transform_indices = #map}, {transform_indices = #map1}, {transform_indices = #map}, {transform_indices = #map1}]} {
    %mul3A = arith.constant 16 : i32
    %mul3A_0 = arith.muli %arg0, %mul3A : i32
    %add3A = arith.addi %mul3A_0, %arg1 : i32
    %mul3A_1 = arith.constant 632 : i32
    %mul3A_2 = arith.muli %arg1, %mul3A_1 : i32
    "tpu.region"() ({
      %run_scoped3A_28 = tpu.sem_alloc : memref<!tpu.dma_semaphore, #tpu.memory_space<semaphore_mem>>
      %dma_start3A_29 = arith.constant 0 : i32
      %dma_start3A_30 = tpu.memref_slice %arg11[%mul3A_2, %dma_start3A_29] : memref<10112x64xf32, #tpu.memory_space<vmem_shared>> -> memref<632x64xf32, #tpu.memory_space<vmem_shared>>
      tpu.enqueue_dma source(%arg4 : memref<632x64xf32, #tpu.memory_space<hbm>>) target(%dma_start3A_30 : memref<632x64xf32, #tpu.memory_space<vmem_shared>>) target_semaphore(%run_scoped3A_28 : memref<!tpu.dma_semaphore, #tpu.memory_space<semaphore_mem>>)
      %dma_wait3A = arith.constant 0 : i32
      %dma_wait3A_31 = tpu.memref_slice %arg11[%mul3A_2, %dma_wait3A] : memref<10112x64xf32, #tpu.memory_space<vmem_shared>> -> memref<632x64xf32, #tpu.memory_space<vmem_shared>>
      tpu.wait_dma2 semaphore(%run_scoped3A_28 : memref<!tpu.dma_semaphore, #tpu.memory_space<semaphore_mem>>) src(%arg4 : memref<632x64xf32, #tpu.memory_space<hbm>>) dst(%dma_wait3A_31 : memref<632x64xf32, #tpu.memory_space<vmem_shared>>)
      tpu.yield
    }) : () -> ()
    %mul3A_3 = arith.constant 625 : i32
    %mul3A_4 = arith.muli %arg1, %mul3A_3 : i32
    %mul3A_5 = arith.constant 625 : i32
    %mul3A_6 = arith.muli %arg1, %mul3A_5 : i32
    "tpu.region"() ({
      %run_scoped3A_28 = tpu.sem_alloc : memref<!tpu.dma_semaphore, #tpu.memory_space<semaphore_mem>>
      %dma_start3A_29 = arith.constant 0 : i32
      %dma_start3A_30 = tpu.memref_slice %arg10[%mul3A_6, %dma_start3A_29] : memref<10000x64xf32, #tpu.memory_space<vmem_shared>> -> memref<625x64xf32, #tpu.memory_space<vmem_shared>>
      %dma_start3A_31 = arith.constant 0 : i32
      %dma_start3A_32 = tpu.memref_slice %arg2[%mul3A_4, %dma_start3A_31] : memref<10000x128xf32, #tpu.memory_space<hbm>> -> memref<625x64xf32, #tpu.memory_space<hbm>>
      tpu.enqueue_dma source(%dma_start3A_32 : memref<625x64xf32, #tpu.memory_space<hbm>>) target(%dma_start3A_30 : memref<625x64xf32, #tpu.memory_space<vmem_shared>>) target_semaphore(%run_scoped3A_28 : memref<!tpu.dma_semaphore, #tpu.memory_space<semaphore_mem>>)
      %dma_wait3A = arith.constant 0 : i32
      %dma_wait3A_33 = tpu.memref_slice %arg10[%mul3A_6, %dma_wait3A] : memref<10000x64xf32, #tpu.memory_space<vmem_shared>> -> memref<625x64xf32, #tpu.memory_space<vmem_shared>>
      %dma_wait3A_34 = arith.constant 0 : i32
      %dma_wait3A_35 = tpu.memref_slice %arg2[%mul3A_4, %dma_wait3A_34] : memref<10000x128xf32, #tpu.memory_space<hbm>> -> memref<625x64xf32, #tpu.memory_space<hbm>>
      tpu.wait_dma2 semaphore(%run_scoped3A_28 : memref<!tpu.dma_semaphore, #tpu.memory_space<semaphore_mem>>) src(%dma_wait3A_35 : memref<625x64xf32, #tpu.memory_space<hbm>>) dst(%dma_wait3A_33 : memref<625x64xf32, #tpu.memory_space<vmem_shared>>)
      tpu.yield
    }) : () -> ()
    %mul3A_7 = arith.constant 78 : i32
    %mul3A_8 = arith.muli %add3A, %mul3A_7 : i32
    %min3A = arith.constant 4 : i32
    %min3A_9 = arith.minsi %add3A, %min3A : i32
    %add3A_10 = arith.addi %mul3A_8, %min3A_9 : i32
    %lt3A = arith.constant 4 : i32
    %lt3A_11 = arith.cmpi slt, %add3A, %lt3A : i32
    %run_scoped3A = arith.constant 0 : i32
    "tpu.region"() ({
      %run_scoped3A_28 = tpu.sem_alloc : memref<!tpu.dma_semaphore, #tpu.memory_space<semaphore_mem>>
      %dma_start3A_29 = arith.constant 0 : i32
      %dma_start3A_30 = arith.constant 0 : i32
      %dma_start3A_31 = tpu.memref_slice %arg6[%dma_start3A_29, %dma_start3A_30] : memref<79x128xi32, #tpu.memory_space<vmem>> -> memref<78x128xi32, #tpu.memory_space<vmem>>
      %dma_start3A_32 = arith.constant 0 : i32
      %dma_start3A_33 = tpu.memref_slice %arg3[%run_scoped3A, %add3A_10, %dma_start3A_32] : memref<2x2500x128xi32, #tpu.memory_space<hbm>> -> memref<1x78x128xi32, #tpu.memory_space<hbm>>
      %dma_start3A_34 = tpu.memref_squeeze %dma_start3A_33 : memref<1x78x128xi32, #tpu.memory_space<hbm>> -> memref<78x128xi32, #tpu.memory_space<hbm>>
      %dma_start3A_35 = arith.constant 0 : i32
      %dma_start3A_36 = arith.constant 0 : i32
      %dma_start3A_37 = tpu.memref_slice %arg6[%dma_start3A_35, %dma_start3A_36] : memref<79x128xi32, #tpu.memory_space<vmem>> -> memref<78x128xi32, #tpu.memory_space<vmem>>
      %dma_start3A_38 = arith.constant 0 : i32
      %dma_start3A_39 = tpu.memref_slice %arg3[%run_scoped3A, %add3A_10, %dma_start3A_38] : memref<2x2500x128xi32, #tpu.memory_space<hbm>> -> memref<1x78x128xi32, #tpu.memory_space<hbm>>
      %dma_start3A_40 = tpu.memref_squeeze %dma_start3A_39 : memref<1x78x128xi32, #tpu.memory_space<hbm>> -> memref<78x128xi32, #tpu.memory_space<hbm>>
      tpu.enqueue_dma source(%dma_start3A_40 : memref<78x128xi32, #tpu.memory_space<hbm>>) target(%dma_start3A_37 : memref<78x128xi32, #tpu.memory_space<vmem>>) target_semaphore(%run_scoped3A_28 : memref<!tpu.dma_semaphore, #tpu.memory_space<semaphore_mem>>)
      %dma_wait3A = arith.constant 0 : i32
      %dma_wait3A_41 = arith.constant 0 : i32
      %dma_wait3A_42 = tpu.memref_slice %arg6[%dma_wait3A, %dma_wait3A_41] : memref<79x128xi32, #tpu.memory_space<vmem>> -> memref<78x128xi32, #tpu.memory_space<vmem>>
      %dma_wait3A_43 = arith.constant 0 : i32
      %dma_wait3A_44 = tpu.memref_slice %arg3[%run_scoped3A, %add3A_10, %dma_wait3A_43] : memref<2x2500x128xi32, #tpu.memory_space<hbm>> -> memref<1x78x128xi32, #tpu.memory_space<hbm>>
      %dma_wait3A_45 = tpu.memref_squeeze %dma_wait3A_44 : memref<1x78x128xi32, #tpu.memory_space<hbm>> -> memref<78x128xi32, #tpu.memory_space<hbm>>
      %dma_wait3A_46 = arith.constant 0 : i32
      %dma_wait3A_47 = arith.constant 0 : i32
      %dma_wait3A_48 = tpu.memref_slice %arg6[%dma_wait3A_46, %dma_wait3A_47] : memref<79x128xi32, #tpu.memory_space<vmem>> -> memref<78x128xi32, #tpu.memory_space<vmem>>
      %dma_wait3A_49 = arith.constant 0 : i32
      %dma_wait3A_50 = tpu.memref_slice %arg3[%run_scoped3A, %add3A_10, %dma_wait3A_49] : memref<2x2500x128xi32, #tpu.memory_space<hbm>> -> memref<1x78x128xi32, #tpu.memory_space<hbm>>
      %dma_wait3A_51 = tpu.memref_squeeze %dma_wait3A_50 : memref<1x78x128xi32, #tpu.memory_space<hbm>> -> memref<78x128xi32, #tpu.memory_space<hbm>>
      tpu.wait_dma2 semaphore(%run_scoped3A_28 : memref<!tpu.dma_semaphore, #tpu.memory_space<semaphore_mem>>) src(%dma_wait3A_51 : memref<78x128xi32, #tpu.memory_space<hbm>>) dst(%dma_wait3A_48 : memref<78x128xi32, #tpu.memory_space<vmem>>)
      tpu.yield
    }) : () -> ()
    %run_scoped3A_12 = arith.constant 1 : i32
    "tpu.region"() ({
      %run_scoped3A_28 = tpu.sem_alloc : memref<!tpu.dma_semaphore, #tpu.memory_space<semaphore_mem>>
      %dma_start3A_29 = arith.constant 0 : i32
      %dma_start3A_30 = arith.constant 0 : i32
      %dma_start3A_31 = tpu.memref_slice %arg7[%dma_start3A_29, %dma_start3A_30] : memref<79x128xi32, #tpu.memory_space<vmem>> -> memref<78x128xi32, #tpu.memory_space<vmem>>
      %dma_start3A_32 = arith.constant 0 : i32
      %dma_start3A_33 = tpu.memref_slice %arg3[%run_scoped3A_12, %add3A_10, %dma_start3A_32] : memref<2x2500x128xi32, #tpu.memory_space<hbm>> -> memref<1x78x128xi32, #tpu.memory_space<hbm>>
      %dma_start3A_34 = tpu.memref_squeeze %dma_start3A_33 : memref<1x78x128xi32, #tpu.memory_space<hbm>> -> memref<78x128xi32, #tpu.memory_space<hbm>>
      %dma_start3A_35 = arith.constant 0 : i32
      %dma_start3A_36 = arith.constant 0 : i32
      %dma_start3A_37 = tpu.memref_slice %arg7[%dma_start3A_35, %dma_start3A_36] : memref<79x128xi32, #tpu.memory_space<vmem>> -> memref<78x128xi32, #tpu.memory_space<vmem>>
      %dma_start3A_38 = arith.constant 0 : i32
      %dma_start3A_39 = tpu.memref_slice %arg3[%run_scoped3A_12, %add3A_10, %dma_start3A_38] : memref<2x2500x128xi32, #tpu.memory_space<hbm>> -> memref<1x78x128xi32, #tpu.memory_space<hbm>>
      %dma_start3A_40 = tpu.memref_squeeze %dma_start3A_39 : memref<1x78x128xi32, #tpu.memory_space<hbm>> -> memref<78x128xi32, #tpu.memory_space<hbm>>
      tpu.enqueue_dma source(%dma_start3A_40 : memref<78x128xi32, #tpu.memory_space<hbm>>) target(%dma_start3A_37 : memref<78x128xi32, #tpu.memory_space<vmem>>) target_semaphore(%run_scoped3A_28 : memref<!tpu.dma_semaphore, #tpu.memory_space<semaphore_mem>>)
      %dma_wait3A = arith.constant 0 : i32
      %dma_wait3A_41 = arith.constant 0 : i32
      %dma_wait3A_42 = tpu.memref_slice %arg7[%dma_wait3A, %dma_wait3A_41] : memref<79x128xi32, #tpu.memory_space<vmem>> -> memref<78x128xi32, #tpu.memory_space<vmem>>
      %dma_wait3A_43 = arith.constant 0 : i32
      %dma_wait3A_44 = tpu.memref_slice %arg3[%run_scoped3A_12, %add3A_10, %dma_wait3A_43] : memref<2x2500x128xi32, #tpu.memory_space<hbm>> -> memref<1x78x128xi32, #tpu.memory_space<hbm>>
      %dma_wait3A_45 = tpu.memref_squeeze %dma_wait3A_44 : memref<1x78x128xi32, #tpu.memory_space<hbm>> -> memref<78x128xi32, #tpu.memory_space<hbm>>
      %dma_wait3A_46 = arith.constant 0 : i32
      %dma_wait3A_47 = arith.constant 0 : i32
      %dma_wait3A_48 = tpu.memref_slice %arg7[%dma_wait3A_46, %dma_wait3A_47] : memref<79x128xi32, #tpu.memory_space<vmem>> -> memref<78x128xi32, #tpu.memory_space<vmem>>
      %dma_wait3A_49 = arith.constant 0 : i32
      %dma_wait3A_50 = tpu.memref_slice %arg3[%run_scoped3A_12, %add3A_10, %dma_wait3A_49] : memref<2x2500x128xi32, #tpu.memory_space<hbm>> -> memref<1x78x128xi32, #tpu.memory_space<hbm>>
      %dma_wait3A_51 = tpu.memref_squeeze %dma_wait3A_50 : memref<1x78x128xi32, #tpu.memory_space<hbm>> -> memref<78x128xi32, #tpu.memory_space<hbm>>
      tpu.wait_dma2 semaphore(%run_scoped3A_28 : memref<!tpu.dma_semaphore, #tpu.memory_space<semaphore_mem>>) src(%dma_wait3A_51 : memref<78x128xi32, #tpu.memory_space<hbm>>) dst(%dma_wait3A_48 : memref<78x128xi32, #tpu.memory_space<vmem>>)
      tpu.yield
    }) : () -> ()
    %convert_element_type3A = arith.extui %lt3A_11 : i1 to i32
    %cond3A = arith.constant 0 : i32
    %cond3A_13 = arith.cmpi ne, %convert_element_type3A, %cond3A : i32
    scf.if %cond3A_13 {
      %add3A_28 = arith.constant 78 : i32
      %add3A_29 = arith.addi %add3A_10, %add3A_28 : i32
      %run_scoped3A_30 = arith.constant 0 : i32
      "tpu.region"() ({
        %run_scoped3A_34 = tpu.sem_alloc : memref<!tpu.dma_semaphore, #tpu.memory_space<semaphore_mem>>
        %dma_start3A_35 = arith.constant 78 : i32
        %dma_start3A_36 = arith.constant 0 : i32
        %dma_start3A_37 = tpu.memref_slice %arg6[%dma_start3A_35, %dma_start3A_36] : memref<79x128xi32, #tpu.memory_space<vmem>> -> memref<1x128xi32, #tpu.memory_space<vmem>>
        %dma_start3A_38 = arith.constant 0 : i32
        %dma_start3A_39 = tpu.memref_slice %arg3[%run_scoped3A_30, %add3A_29, %dma_start3A_38] : memref<2x2500x128xi32, #tpu.memory_space<hbm>> -> memref<1x1x128xi32, #tpu.memory_space<hbm>>
        %dma_start3A_40 = tpu.memref_squeeze %dma_start3A_39 : memref<1x1x128xi32, #tpu.memory_space<hbm>> -> memref<1x128xi32, #tpu.memory_space<hbm>>
        %dma_start3A_41 = arith.constant 78 : i32
        %dma_start3A_42 = arith.constant 0 : i32
        %dma_start3A_43 = tpu.memref_slice %arg6[%dma_start3A_41, %dma_start3A_42] : memref<79x128xi32, #tpu.memory_space<vmem>> -> memref<1x128xi32, #tpu.memory_space<vmem>>
        %dma_start3A_44 = arith.constant 0 : i32
        %dma_start3A_45 = tpu.memref_slice %arg3[%run_scoped3A_30, %add3A_29, %dma_start3A_44] : memref<2x2500x128xi32, #tpu.memory_space<hbm>> -> memref<1x1x128xi32, #tpu.memory_space<hbm>>
        %dma_start3A_46 = tpu.memref_squeeze %dma_start3A_45 : memref<1x1x128xi32, #tpu.memory_space<hbm>> -> memref<1x128xi32, #tpu.memory_space<hbm>>
        tpu.enqueue_dma source(%dma_start3A_46 : memref<1x128xi32, #tpu.memory_space<hbm>>) target(%dma_start3A_43 : memref<1x128xi32, #tpu.memory_space<vmem>>) target_semaphore(%run_scoped3A_34 : memref<!tpu.dma_semaphore, #tpu.memory_space<semaphore_mem>>)
        %dma_wait3A = arith.constant 78 : i32
        %dma_wait3A_47 = arith.constant 0 : i32
        %dma_wait3A_48 = tpu.memref_slice %arg6[%dma_wait3A, %dma_wait3A_47] : memref<79x128xi32, #tpu.memory_space<vmem>> -> memref<1x128xi32, #tpu.memory_space<vmem>>
        %dma_wait3A_49 = arith.constant 0 : i32
        %dma_wait3A_50 = tpu.memref_slice %arg3[%run_scoped3A_30, %add3A_29, %dma_wait3A_49] : memref<2x2500x128xi32, #tpu.memory_space<hbm>> -> memref<1x1x128xi32, #tpu.memory_space<hbm>>
        %dma_wait3A_51 = tpu.memref_squeeze %dma_wait3A_50 : memref<1x1x128xi32, #tpu.memory_space<hbm>> -> memref<1x128xi32, #tpu.memory_space<hbm>>
        %dma_wait3A_52 = arith.constant 78 : i32
        %dma_wait3A_53 = arith.constant 0 : i32
        %dma_wait3A_54 = tpu.memref_slice %arg6[%dma_wait3A_52, %dma_wait3A_53] : memref<79x128xi32, #tpu.memory_space<vmem>> -> memref<1x128xi32, #tpu.memory_space<vmem>>
        %dma_wait3A_55 = arith.constant 0 : i32
        %dma_wait3A_56 = tpu.memref_slice %arg3[%run_scoped3A_30, %add3A_29, %dma_wait3A_55] : memref<2x2500x128xi32, #tpu.memory_space<hbm>> -> memref<1x1x128xi32, #tpu.memory_space<hbm>>
        %dma_wait3A_57 = tpu.memref_squeeze %dma_wait3A_56 : memref<1x1x128xi32, #tpu.memory_space<hbm>> -> memref<1x128xi32, #tpu.memory_space<hbm>>
        tpu.wait_dma2 semaphore(%run_scoped3A_34 : memref<!tpu.dma_semaphore, #tpu.memory_space<semaphore_mem>>) src(%dma_wait3A_57 : memref<1x128xi32, #tpu.memory_space<hbm>>) dst(%dma_wait3A_54 : memref<1x128xi32, #tpu.memory_space<vmem>>)
        tpu.yield
      }) : () -> ()
      %add3A_31 = arith.constant 78 : i32
      %add3A_32 = arith.addi %add3A_10, %add3A_31 : i32
      %run_scoped3A_33 = arith.constant 1 : i32
      "tpu.region"() ({
        %run_scoped3A_34 = tpu.sem_alloc : memref<!tpu.dma_semaphore, #tpu.memory_space<semaphore_mem>>
        %dma_start3A_35 = arith.constant 78 : i32
        %dma_start3A_36 = arith.constant 0 : i32
        %dma_start3A_37 = tpu.memref_slice %arg7[%dma_start3A_35, %dma_start3A_36] : memref<79x128xi32, #tpu.memory_space<vmem>> -> memref<1x128xi32, #tpu.memory_space<vmem>>
        %dma_start3A_38 = arith.constant 0 : i32
        %dma_start3A_39 = tpu.memref_slice %arg3[%run_scoped3A_33, %add3A_32, %dma_start3A_38] : memref<2x2500x128xi32, #tpu.memory_space<hbm>> -> memref<1x1x128xi32, #tpu.memory_space<hbm>>
        %dma_start3A_40 = tpu.memref_squeeze %dma_start3A_39 : memref<1x1x128xi32, #tpu.memory_space<hbm>> -> memref<1x128xi32, #tpu.memory_space<hbm>>
        %dma_start3A_41 = arith.constant 78 : i32
        %dma_start3A_42 = arith.constant 0 : i32
        %dma_start3A_43 = tpu.memref_slice %arg7[%dma_start3A_41, %dma_start3A_42] : memref<79x128xi32, #tpu.memory_space<vmem>> -> memref<1x128xi32, #tpu.memory_space<vmem>>
        %dma_start3A_44 = arith.constant 0 : i32
        %dma_start3A_45 = tpu.memref_slice %arg3[%run_scoped3A_33, %add3A_32, %dma_start3A_44] : memref<2x2500x128xi32, #tpu.memory_space<hbm>> -> memref<1x1x128xi32, #tpu.memory_space<hbm>>
        %dma_start3A_46 = tpu.memref_squeeze %dma_start3A_45 : memref<1x1x128xi32, #tpu.memory_space<hbm>> -> memref<1x128xi32, #tpu.memory_space<hbm>>
        tpu.enqueue_dma source(%dma_start3A_46 : memref<1x128xi32, #tpu.memory_space<hbm>>) target(%dma_start3A_43 : memref<1x128xi32, #tpu.memory_space<vmem>>) target_semaphore(%run_scoped3A_34 : memref<!tpu.dma_semaphore, #tpu.memory_space<semaphore_mem>>)
        %dma_wait3A = arith.constant 78 : i32
        %dma_wait3A_47 = arith.constant 0 : i32
        %dma_wait3A_48 = tpu.memref_slice %arg7[%dma_wait3A, %dma_wait3A_47] : memref<79x128xi32, #tpu.memory_space<vmem>> -> memref<1x128xi32, #tpu.memory_space<vmem>>
        %dma_wait3A_49 = arith.constant 0 : i32
        %dma_wait3A_50 = tpu.memref_slice %arg3[%run_scoped3A_33, %add3A_32, %dma_wait3A_49] : memref<2x2500x128xi32, #tpu.memory_space<hbm>> -> memref<1x1x128xi32, #tpu.memory_space<hbm>>
        %dma_wait3A_51 = tpu.memref_squeeze %dma_wait3A_50 : memref<1x1x128xi32, #tpu.memory_space<hbm>> -> memref<1x128xi32, #tpu.memory_space<hbm>>
        %dma_wait3A_52 = arith.constant 78 : i32
        %dma_wait3A_53 = arith.constant 0 : i32
        %dma_wait3A_54 = tpu.memref_slice %arg7[%dma_wait3A_52, %dma_wait3A_53] : memref<79x128xi32, #tpu.memory_space<vmem>> -> memref<1x128xi32, #tpu.memory_space<vmem>>
        %dma_wait3A_55 = arith.constant 0 : i32
        %dma_wait3A_56 = tpu.memref_slice %arg3[%run_scoped3A_33, %add3A_32, %dma_wait3A_55] : memref<2x2500x128xi32, #tpu.memory_space<hbm>> -> memref<1x1x128xi32, #tpu.memory_space<hbm>>
        %dma_wait3A_57 = tpu.memref_squeeze %dma_wait3A_56 : memref<1x1x128xi32, #tpu.memory_space<hbm>> -> memref<1x128xi32, #tpu.memory_space<hbm>>
        tpu.wait_dma2 semaphore(%run_scoped3A_34 : memref<!tpu.dma_semaphore, #tpu.memory_space<semaphore_mem>>) src(%dma_wait3A_57 : memref<1x128xi32, #tpu.memory_space<hbm>>) dst(%dma_wait3A_54 : memref<1x128xi32, #tpu.memory_space<vmem>>)
        tpu.yield
      }) : () -> ()
    } else {
    }
    %barrier3A = arith.constant 0 : index
    tpu.barrier barrier_id(%barrier3A)
    %dma_start3A = arith.constant 0 : i32
    %dma_start3A_14 = arith.constant 0 : i32
    %dma_start3A_15 = tpu.memref_slice %arg6[%dma_start3A, %dma_start3A_14] : memref<79x128xi32, #tpu.memory_space<vmem>> -> memref<1x128xi32, #tpu.memory_space<vmem>>
    %dma_start3A_16 = tpu.memref_squeeze %dma_start3A_15 : memref<1x128xi32, #tpu.memory_space<vmem>> -> memref<128xi32, #tpu.memory_space<vmem>>
    %dma_start3A_17 = arith.constant 0 : i32
    %dma_start3A_18 = arith.constant 0 : i32
    %dma_start3A_19 = tpu.memref_slice %arg10[%dma_start3A_17, %dma_start3A_18] : memref<10000x64xf32, #tpu.memory_space<vmem_shared>> -> memref<10000x64xf32, #tpu.memory_space<vmem_shared>>
    tpu.enqueue_indirect_dma source(%dma_start3A_19 : memref<10000x64xf32, #tpu.memory_space<vmem_shared>>) target(%arg8 : memref<128x64xf32, #tpu.memory_space<vmem>>) offsets(%dma_start3A_16 : memref<128xi32, #tpu.memory_space<vmem>>) semaphore(%arg12 : memref<!tpu.dma_semaphore, #tpu.memory_space<semaphore_mem>>)
    %scan3A = arith.constant 0 : i32
    %scan3A_20 = arith.constant 39 : i32
    %scan3A_21 = arith.addi %scan3A, %scan3A_20 : i32
    %scan3A_22 = arith.constant 1 : i32
    scf.for %scan3A_28 = %scan3A to %scan3A_21 step %scan3A_22  : i32 {
      %mul3A_29 = arith.constant 2 : i32
      %mul3A_30 = arith.muli %mul3A_29, %scan3A_28 : i32
      %add3A_31 = arith.constant 1 : i32
      %add3A_32 = arith.addi %mul3A_30, %add3A_31 : i32
      %dma_start3A_33 = arith.constant 0 : i32
      %dma_start3A_34 = tpu.memref_slice %arg6[%add3A_32, %dma_start3A_33] : memref<79x128xi32, #tpu.memory_space<vmem>> -> memref<1x128xi32, #tpu.memory_space<vmem>>
      %dma_start3A_35 = tpu.memref_squeeze %dma_start3A_34 : memref<1x128xi32, #tpu.memory_space<vmem>> -> memref<128xi32, #tpu.memory_space<vmem>>
      %dma_start3A_36 = arith.constant 0 : i32
      %dma_start3A_37 = arith.constant 0 : i32
      %dma_start3A_38 = tpu.memref_slice %arg10[%dma_start3A_36, %dma_start3A_37] : memref<10000x64xf32, #tpu.memory_space<vmem_shared>> -> memref<10000x64xf32, #tpu.memory_space<vmem_shared>>
      tpu.enqueue_indirect_dma source(%dma_start3A_38 : memref<10000x64xf32, #tpu.memory_space<vmem_shared>>) target(%arg9 : memref<128x64xf32, #tpu.memory_space<vmem>>) offsets(%dma_start3A_35 : memref<128xi32, #tpu.memory_space<vmem>>) semaphore(%arg13 : memref<!tpu.dma_semaphore, #tpu.memory_space<semaphore_mem>>)
      %dma_wait3A = arith.constant 0 : i32
      %dma_wait3A_39 = tpu.memref_slice %arg6[%mul3A_30, %dma_wait3A] : memref<79x128xi32, #tpu.memory_space<vmem>> -> memref<1x128xi32, #tpu.memory_space<vmem>>
      %dma_wait3A_40 = tpu.memref_squeeze %dma_wait3A_39 : memref<1x128xi32, #tpu.memory_space<vmem>> -> memref<128xi32, #tpu.memory_space<vmem>>
      %dma_wait3A_41 = arith.constant 0 : i32
      %dma_wait3A_42 = arith.constant 0 : i32
      %dma_wait3A_43 = tpu.memref_slice %arg10[%dma_wait3A_41, %dma_wait3A_42] : memref<10000x64xf32, #tpu.memory_space<vmem_shared>> -> memref<10000x64xf32, #tpu.memory_space<vmem_shared>>
      tpu.wait_indirect_dma semaphore(%arg12 : memref<!tpu.dma_semaphore, #tpu.memory_space<semaphore_mem>>) src(%dma_wait3A_43 : memref<10000x64xf32, #tpu.memory_space<vmem_shared>>) dst(%arg8 : memref<128x64xf32, #tpu.memory_space<vmem>>)
      "tpu.region"() ({
        %run_scoped3A_59 = tpu.sem_alloc : memref<!tpu.dma_semaphore, #tpu.memory_space<semaphore_mem>>
        %dma_start3A_60 = arith.constant 0 : i32
        %dma_start3A_61 = tpu.memref_slice %arg7[%mul3A_30, %dma_start3A_60] : memref<79x128xi32, #tpu.memory_space<vmem>> -> memref<1x128xi32, #tpu.memory_space<vmem>>
        %dma_start3A_62 = tpu.memref_squeeze %dma_start3A_61 : memref<1x128xi32, #tpu.memory_space<vmem>> -> memref<128xi32, #tpu.memory_space<vmem>>
        %dma_start3A_63 = arith.constant 0 : i32
        %dma_start3A_64 = arith.constant 0 : i32
        %dma_start3A_65 = tpu.memref_slice %arg11[%dma_start3A_63, %dma_start3A_64] : memref<10112x64xf32, #tpu.memory_space<vmem_shared>> -> memref<10112x64xf32, #tpu.memory_space<vmem_shared>>
        tpu.enqueue_indirect_dma source(%arg8 : memref<128x64xf32, #tpu.memory_space<vmem>>) target(%dma_start3A_65 : memref<10112x64xf32, #tpu.memory_space<vmem_shared>>) offsets(%dma_start3A_62 : memref<128xi32, #tpu.memory_space<vmem>>) semaphore(%run_scoped3A_59 : memref<!tpu.dma_semaphore, #tpu.memory_space<semaphore_mem>>) {add = true}
        %dma_wait3A_66 = arith.constant 0 : i32
        %dma_wait3A_67 = tpu.memref_slice %arg7[%mul3A_30, %dma_wait3A_66] : memref<79x128xi32, #tpu.memory_space<vmem>> -> memref<1x128xi32, #tpu.memory_space<vmem>>
        %dma_wait3A_68 = tpu.memref_squeeze %dma_wait3A_67 : memref<1x128xi32, #tpu.memory_space<vmem>> -> memref<128xi32, #tpu.memory_space<vmem>>
        %dma_wait3A_69 = arith.constant 0 : i32
        %dma_wait3A_70 = arith.constant 0 : i32
        %dma_wait3A_71 = tpu.memref_slice %arg11[%dma_wait3A_69, %dma_wait3A_70] : memref<10112x64xf32, #tpu.memory_space<vmem_shared>> -> memref<10112x64xf32, #tpu.memory_space<vmem_shared>>
        tpu.wait_indirect_dma semaphore(%run_scoped3A_59 : memref<!tpu.dma_semaphore, #tpu.memory_space<semaphore_mem>>) src(%arg8 : memref<128x64xf32, #tpu.memory_space<vmem>>) dst(%dma_wait3A_71 : memref<10112x64xf32, #tpu.memory_space<vmem_shared>>)
        tpu.yield
      }) : () -> ()
      %add3A_44 = arith.constant 2 : i32
      %add3A_45 = arith.addi %mul3A_30, %add3A_44 : i32
      %lt3A_46 = arith.constant 78 : i32
      %lt3A_47 = arith.cmpi slt, %add3A_45, %lt3A_46 : i32
      %convert_element_type3A_48 = arith.extui %lt3A_47 : i1 to i32
      %cond3A_49 = arith.constant 0 : i32
      %cond3A_50 = arith.cmpi ne, %convert_element_type3A_48, %cond3A_49 : i32
      scf.if %cond3A_50 {
        %add3A_59 = arith.constant 2 : i32
        %add3A_60 = arith.addi %mul3A_30, %add3A_59 : i32
        %dma_start3A_61 = arith.constant 0 : i32
        %dma_start3A_62 = tpu.memref_slice %arg6[%add3A_60, %dma_start3A_61] : memref<79x128xi32, #tpu.memory_space<vmem>> -> memref<1x128xi32, #tpu.memory_space<vmem>>
        %dma_start3A_63 = tpu.memref_squeeze %dma_start3A_62 : memref<1x128xi32, #tpu.memory_space<vmem>> -> memref<128xi32, #tpu.memory_space<vmem>>
        %dma_start3A_64 = arith.constant 0 : i32
        %dma_start3A_65 = arith.constant 0 : i32
        %dma_start3A_66 = tpu.memref_slice %arg10[%dma_start3A_64, %dma_start3A_65] : memref<10000x64xf32, #tpu.memory_space<vmem_shared>> -> memref<10000x64xf32, #tpu.memory_space<vmem_shared>>
        tpu.enqueue_indirect_dma source(%dma_start3A_66 : memref<10000x64xf32, #tpu.memory_space<vmem_shared>>) target(%arg8 : memref<128x64xf32, #tpu.memory_space<vmem>>) offsets(%dma_start3A_63 : memref<128xi32, #tpu.memory_space<vmem>>) semaphore(%arg12 : memref<!tpu.dma_semaphore, #tpu.memory_space<semaphore_mem>>)
      } else {
      }
      %dma_wait3A_51 = arith.constant 0 : i32
      %dma_wait3A_52 = tpu.memref_slice %arg6[%add3A_32, %dma_wait3A_51] : memref<79x128xi32, #tpu.memory_space<vmem>> -> memref<1x128xi32, #tpu.memory_space<vmem>>
      %dma_wait3A_53 = tpu.memref_squeeze %dma_wait3A_52 : memref<1x128xi32, #tpu.memory_space<vmem>> -> memref<128xi32, #tpu.memory_space<vmem>>
      %dma_wait3A_54 = arith.constant 0 : i32
      %dma_wait3A_55 = arith.constant 0 : i32
      %dma_wait3A_56 = tpu.memref_slice %arg10[%dma_wait3A_54, %dma_wait3A_55] : memref<10000x64xf32, #tpu.memory_space<vmem_shared>> -> memref<10000x64xf32, #tpu.memory_space<vmem_shared>>
      tpu.wait_indirect_dma semaphore(%arg13 : memref<!tpu.dma_semaphore, #tpu.memory_space<semaphore_mem>>) src(%dma_wait3A_56 : memref<10000x64xf32, #tpu.memory_space<vmem_shared>>) dst(%arg9 : memref<128x64xf32, #tpu.memory_space<vmem>>)
      %add3A_57 = arith.constant 1 : i32
      %add3A_58 = arith.addi %mul3A_30, %add3A_57 : i32
      "tpu.region"() ({
        %run_scoped3A_59 = tpu.sem_alloc : memref<!tpu.dma_semaphore, #tpu.memory_space<semaphore_mem>>
        %dma_start3A_60 = arith.constant 0 : i32
        %dma_start3A_61 = tpu.memref_slice %arg7[%add3A_58, %dma_start3A_60] : memref<79x128xi32, #tpu.memory_space<vmem>> -> memref<1x128xi32, #tpu.memory_space<vmem>>
        %dma_start3A_62 = tpu.memref_squeeze %dma_start3A_61 : memref<1x128xi32, #tpu.memory_space<vmem>> -> memref<128xi32, #tpu.memory_space<vmem>>
        %dma_start3A_63 = arith.constant 0 : i32
        %dma_start3A_64 = arith.constant 0 : i32
        %dma_start3A_65 = tpu.memref_slice %arg11[%dma_start3A_63, %dma_start3A_64] : memref<10112x64xf32, #tpu.memory_space<vmem_shared>> -> memref<10112x64xf32, #tpu.memory_space<vmem_shared>>
        tpu.enqueue_indirect_dma source(%arg9 : memref<128x64xf32, #tpu.memory_space<vmem>>) target(%dma_start3A_65 : memref<10112x64xf32, #tpu.memory_space<vmem_shared>>) offsets(%dma_start3A_62 : memref<128xi32, #tpu.memory_space<vmem>>) semaphore(%run_scoped3A_59 : memref<!tpu.dma_semaphore, #tpu.memory_space<semaphore_mem>>) {add = true}
        %dma_wait3A_66 = arith.constant 0 : i32
        %dma_wait3A_67 = tpu.memref_slice %arg7[%add3A_58, %dma_wait3A_66] : memref<79x128xi32, #tpu.memory_space<vmem>> -> memref<1x128xi32, #tpu.memory_space<vmem>>
        %dma_wait3A_68 = tpu.memref_squeeze %dma_wait3A_67 : memref<1x128xi32, #tpu.memory_space<vmem>> -> memref<128xi32, #tpu.memory_space<vmem>>
        %dma_wait3A_69 = arith.constant 0 : i32
        %dma_wait3A_70 = arith.constant 0 : i32
        %dma_wait3A_71 = tpu.memref_slice %arg11[%dma_wait3A_69, %dma_wait3A_70] : memref<10112x64xf32, #tpu.memory_space<vmem_shared>> -> memref<10112x64xf32, #tpu.memory_space<vmem_shared>>
        tpu.wait_indirect_dma semaphore(%run_scoped3A_59 : memref<!tpu.dma_semaphore, #tpu.memory_space<semaphore_mem>>) src(%arg9 : memref<128x64xf32, #tpu.memory_space<vmem>>) dst(%dma_wait3A_71 : memref<10112x64xf32, #tpu.memory_space<vmem_shared>>)
        tpu.yield
      }) : () -> ()
    }
    %scan3A_23 = arith.constant 39 : i32
    %convert_element_type3A_24 = arith.extui %lt3A_11 : i1 to i32
    %cond3A_25 = arith.constant 0 : i32
    %cond3A_26 = arith.cmpi ne, %convert_element_type3A_24, %cond3A_25 : i32
    scf.if %cond3A_26 {
      %dma_start3A_28 = arith.constant 78 : i32
      %dma_start3A_29 = arith.constant 0 : i32
      %dma_start3A_30 = tpu.memref_slice %arg6[%dma_start3A_28, %dma_start3A_29] : memref<79x128xi32, #tpu.memory_space<vmem>> -> memref<1x128xi32, #tpu.memory_space<vmem>>
      %dma_start3A_31 = tpu.memref_squeeze %dma_start3A_30 : memref<1x128xi32, #tpu.memory_space<vmem>> -> memref<128xi32, #tpu.memory_space<vmem>>
      %dma_start3A_32 = arith.constant 0 : i32
      %dma_start3A_33 = arith.constant 0 : i32
      %dma_start3A_34 = tpu.memref_slice %arg10[%dma_start3A_32, %dma_start3A_33] : memref<10000x64xf32, #tpu.memory_space<vmem_shared>> -> memref<10000x64xf32, #tpu.memory_space<vmem_shared>>
      tpu.enqueue_indirect_dma source(%dma_start3A_34 : memref<10000x64xf32, #tpu.memory_space<vmem_shared>>) target(%arg8 : memref<128x64xf32, #tpu.memory_space<vmem>>) offsets(%dma_start3A_31 : memref<128xi32, #tpu.memory_space<vmem>>) semaphore(%arg12 : memref<!tpu.dma_semaphore, #tpu.memory_space<semaphore_mem>>)
      %dma_wait3A = arith.constant 78 : i32
      %dma_wait3A_35 = arith.constant 0 : i32
      %dma_wait3A_36 = tpu.memref_slice %arg6[%dma_wait3A, %dma_wait3A_35] : memref<79x128xi32, #tpu.memory_space<vmem>> -> memref<1x128xi32, #tpu.memory_space<vmem>>
      %dma_wait3A_37 = tpu.memref_squeeze %dma_wait3A_36 : memref<1x128xi32, #tpu.memory_space<vmem>> -> memref<128xi32, #tpu.memory_space<vmem>>
      %dma_wait3A_38 = arith.constant 0 : i32
      %dma_wait3A_39 = arith.constant 0 : i32
      %dma_wait3A_40 = tpu.memref_slice %arg10[%dma_wait3A_38, %dma_wait3A_39] : memref<10000x64xf32, #tpu.memory_space<vmem_shared>> -> memref<10000x64xf32, #tpu.memory_space<vmem_shared>>
      tpu.wait_indirect_dma semaphore(%arg12 : memref<!tpu.dma_semaphore, #tpu.memory_space<semaphore_mem>>) src(%dma_wait3A_40 : memref<10000x64xf32, #tpu.memory_space<vmem_shared>>) dst(%arg8 : memref<128x64xf32, #tpu.memory_space<vmem>>)
      %run_scoped3A_41 = arith.constant 78 : i32
      "tpu.region"() ({
        %run_scoped3A_42 = tpu.sem_alloc : memref<!tpu.dma_semaphore, #tpu.memory_space<semaphore_mem>>
        %dma_start3A_43 = arith.constant 0 : i32
        %dma_start3A_44 = tpu.memref_slice %arg7[%run_scoped3A_41, %dma_start3A_43] : memref<79x128xi32, #tpu.memory_space<vmem>> -> memref<1x128xi32, #tpu.memory_space<vmem>>
        %dma_start3A_45 = tpu.memref_squeeze %dma_start3A_44 : memref<1x128xi32, #tpu.memory_space<vmem>> -> memref<128xi32, #tpu.memory_space<vmem>>
        %dma_start3A_46 = arith.constant 0 : i32
        %dma_start3A_47 = arith.constant 0 : i32
        %dma_start3A_48 = tpu.memref_slice %arg11[%dma_start3A_46, %dma_start3A_47] : memref<10112x64xf32, #tpu.memory_space<vmem_shared>> -> memref<10112x64xf32, #tpu.memory_space<vmem_shared>>
        tpu.enqueue_indirect_dma source(%arg8 : memref<128x64xf32, #tpu.memory_space<vmem>>) target(%dma_start3A_48 : memref<10112x64xf32, #tpu.memory_space<vmem_shared>>) offsets(%dma_start3A_45 : memref<128xi32, #tpu.memory_space<vmem>>) semaphore(%run_scoped3A_42 : memref<!tpu.dma_semaphore, #tpu.memory_space<semaphore_mem>>) {add = true}
        %dma_wait3A_49 = arith.constant 0 : i32
        %dma_wait3A_50 = tpu.memref_slice %arg7[%run_scoped3A_41, %dma_wait3A_49] : memref<79x128xi32, #tpu.memory_space<vmem>> -> memref<1x128xi32, #tpu.memory_space<vmem>>
        %dma_wait3A_51 = tpu.memref_squeeze %dma_wait3A_50 : memref<1x128xi32, #tpu.memory_space<vmem>> -> memref<128xi32, #tpu.memory_space<vmem>>
        %dma_wait3A_52 = arith.constant 0 : i32
        %dma_wait3A_53 = arith.constant 0 : i32
        %dma_wait3A_54 = tpu.memref_slice %arg11[%dma_wait3A_52, %dma_wait3A_53] : memref<10112x64xf32, #tpu.memory_space<vmem_shared>> -> memref<10112x64xf32, #tpu.memory_space<vmem_shared>>
        tpu.wait_indirect_dma semaphore(%run_scoped3A_42 : memref<!tpu.dma_semaphore, #tpu.memory_space<semaphore_mem>>) src(%arg8 : memref<128x64xf32, #tpu.memory_space<vmem>>) dst(%dma_wait3A_54 : memref<10112x64xf32, #tpu.memory_space<vmem_shared>>)
        tpu.yield
      }) : () -> ()
    } else {
    }
    %barrier3A_27 = arith.constant 0 : index
    tpu.barrier barrier_id(%barrier3A_27)
    "tpu.region"() ({
      %run_scoped3A_28 = tpu.sem_alloc : memref<!tpu.dma_semaphore, #tpu.memory_space<semaphore_mem>>
      %dma_start3A_29 = arith.constant 0 : i32
      %dma_start3A_30 = tpu.memref_slice %arg5[%arg0, %mul3A_2, %dma_start3A_29] : memref<2x10112x64xf32, #tpu.memory_space<hbm>> -> memref<1x632x64xf32, #tpu.memory_space<hbm>>
      %dma_start3A_31 = tpu.memref_squeeze %dma_start3A_30 : memref<1x632x64xf32, #tpu.memory_space<hbm>> -> memref<632x64xf32, #tpu.memory_space<hbm>>
      %dma_start3A_32 = arith.constant 0 : i32
      %dma_start3A_33 = tpu.memref_slice %arg11[%mul3A_2, %dma_start3A_32] : memref<10112x64xf32, #tpu.memory_space<vmem_shared>> -> memref<632x64xf32, #tpu.memory_space<vmem_shared>>
      tpu.enqueue_dma source(%dma_start3A_33 : memref<632x64xf32, #tpu.memory_space<vmem_shared>>) target(%dma_start3A_31 : memref<632x64xf32, #tpu.memory_space<hbm>>) target_semaphore(%run_scoped3A_28 : memref<!tpu.dma_semaphore, #tpu.memory_space<semaphore_mem>>)
      %dma_wait3A = arith.constant 0 : i32
      %dma_wait3A_34 = tpu.memref_slice %arg5[%arg0, %mul3A_2, %dma_wait3A] : memref<2x10112x64xf32, #tpu.memory_space<hbm>> -> memref<1x632x64xf32, #tpu.memory_space<hbm>>
      %dma_wait3A_35 = tpu.memref_squeeze %dma_wait3A_34 : memref<1x632x64xf32, #tpu.memory_space<hbm>> -> memref<632x64xf32, #tpu.memory_space<hbm>>
      %dma_wait3A_36 = arith.constant 0 : i32
      %dma_wait3A_37 = tpu.memref_slice %arg11[%mul3A_2, %dma_wait3A_36] : memref<10112x64xf32, #tpu.memory_space<vmem_shared>> -> memref<632x64xf32, #tpu.memory_space<vmem_shared>>
      tpu.wait_dma2 semaphore(%run_scoped3A_28 : memref<!tpu.dma_semaphore, #tpu.memory_space<semaphore_mem>>) src(%dma_wait3A_37 : memref<632x64xf32, #tpu.memory_space<vmem_shared>>) dst(%dma_wait3A_35 : memref<632x64xf32, #tpu.memory_space<hbm>>)
      tpu.yield
    }) : () -> ()
    return
  }
}

#map = affine_map<(d0, d1) -> (0, 0)>
#map1 = affine_map<(d0, d1) -> (0, 0, 0)>
module attributes {stable_mosaic.version = 14 : i64} {
  func.func @agg(%arg0: i32, %arg1: i32, %arg2: memref<10000x64xf32, #tpu.memory_space<hbm>>, %arg3: memref<2x2500x128xi32, #tpu.memory_space<hbm>>, %arg4: memref<632x64xf32, #tpu.memory_space<hbm>>, %arg5: memref<2x10112x64xf32, #tpu.memory_space<hbm>>, %arg6: memref<79x128xi32, #tpu.memory_space<vmem>>, %arg7: memref<79x128xi32, #tpu.memory_space<vmem>>, %arg8: memref<128x64xf32, #tpu.memory_space<vmem>>, %arg9: memref<128x64xf32, #tpu.memory_space<vmem>>, %arg10: memref<10000x64xf32, #tpu.memory_space<vmem_shared>>, %arg11: memref<10112x64xf32, #tpu.memory_space<vmem_shared>>, %arg12: memref<!tpu.dma_semaphore, #tpu.memory_space<semaphore_mem>>, %arg13: memref<!tpu.dma_semaphore, #tpu.memory_space<semaphore_mem>>) attributes {dimension_semantics = [#tpu.dimension_semantics<core_parallel>, #tpu.dimension_semantics<subcore_parallel>], iteration_bounds = array<i64: 2, 16>, scalar_prefetch = 0 : i64, scratch_operands = 8 : i64, tpu.core_type = #tpu.core_type<sc_vector_subcore>, window_params = [{transform_indices = #map}, {transform_indices = #map1}, {transform_indices = #map}, {transform_indices = #map1}]} {
    %mul3A = arith.constant 16 : i32
    %mul3A_0 = arith.muli %arg0, %mul3A : i32
    %add3A = arith.addi %mul3A_0, %arg1 : i32
    %mul3A_1 = arith.constant 632 : i32
    %mul3A_2 = arith.muli %arg1, %mul3A_1 : i32
    "tpu.region"() ({
      %run_scoped3A_28 = tpu.sem_alloc : memref<!tpu.dma_semaphore, #tpu.memory_space<semaphore_mem>>
      %dma_start3A_29 = arith.constant 0 : i32
      %dma_start3A_30 = tpu.memref_slice %arg11[%mul3A_2, %dma_start3A_29] : memref<10112x64xf32, #tpu.memory_space<vmem_shared>> -> memref<632x64xf32, #tpu.memory_space<vmem_shared>>
      tpu.enqueue_dma source(%arg4 : memref<632x64xf32, #tpu.memory_space<hbm>>) target(%dma_start3A_30 : memref<632x64xf32, #tpu.memory_space<vmem_shared>>) target_semaphore(%run_scoped3A_28 : memref<!tpu.dma_semaphore, #tpu.memory_space<semaphore_mem>>)
      %dma_wait3A = arith.constant 0 : i32
      %dma_wait3A_31 = tpu.memref_slice %arg11[%mul3A_2, %dma_wait3A] : memref<10112x64xf32, #tpu.memory_space<vmem_shared>> -> memref<632x64xf32, #tpu.memory_space<vmem_shared>>
      tpu.wait_dma2 semaphore(%run_scoped3A_28 : memref<!tpu.dma_semaphore, #tpu.memory_space<semaphore_mem>>) src(%arg4 : memref<632x64xf32, #tpu.memory_space<hbm>>) dst(%dma_wait3A_31 : memref<632x64xf32, #tpu.memory_space<vmem_shared>>)
      tpu.yield
    }) : () -> ()
    %mul3A_3 = arith.constant 625 : i32
    %mul3A_4 = arith.muli %arg1, %mul3A_3 : i32
    %mul3A_5 = arith.constant 625 : i32
    %mul3A_6 = arith.muli %arg1, %mul3A_5 : i32
    "tpu.region"() ({
      %run_scoped3A_28 = tpu.sem_alloc : memref<!tpu.dma_semaphore, #tpu.memory_space<semaphore_mem>>
      %dma_start3A_29 = arith.constant 0 : i32
      %dma_start3A_30 = tpu.memref_slice %arg10[%mul3A_6, %dma_start3A_29] : memref<10000x64xf32, #tpu.memory_space<vmem_shared>> -> memref<625x64xf32, #tpu.memory_space<vmem_shared>>
      %dma_start3A_31 = arith.constant 0 : i32
      %dma_start3A_32 = tpu.memref_slice %arg2[%mul3A_4, %dma_start3A_31] : memref<10000x64xf32, #tpu.memory_space<hbm>> -> memref<625x64xf32, #tpu.memory_space<hbm>>
      tpu.enqueue_dma source(%dma_start3A_32 : memref<625x64xf32, #tpu.memory_space<hbm>>) target(%dma_start3A_30 : memref<625x64xf32, #tpu.memory_space<vmem_shared>>) target_semaphore(%run_scoped3A_28 : memref<!tpu.dma_semaphore, #tpu.memory_space<semaphore_mem>>)
      %dma_wait3A = arith.constant 0 : i32
      %dma_wait3A_33 = tpu.memref_slice %arg10[%mul3A_6, %dma_wait3A] : memref<10000x64xf32, #tpu.memory_space<vmem_shared>> -> memref<625x64xf32, #tpu.memory_space<vmem_shared>>
      %dma_wait3A_34 = arith.constant 0 : i32
      %dma_wait3A_35 = tpu.memref_slice %arg2[%mul3A_4, %dma_wait3A_34] : memref<10000x64xf32, #tpu.memory_space<hbm>> -> memref<625x64xf32, #tpu.memory_space<hbm>>
      tpu.wait_dma2 semaphore(%run_scoped3A_28 : memref<!tpu.dma_semaphore, #tpu.memory_space<semaphore_mem>>) src(%dma_wait3A_35 : memref<625x64xf32, #tpu.memory_space<hbm>>) dst(%dma_wait3A_33 : memref<625x64xf32, #tpu.memory_space<vmem_shared>>)
      tpu.yield
    }) : () -> ()
    %mul3A_7 = arith.constant 78 : i32
    %mul3A_8 = arith.muli %add3A, %mul3A_7 : i32
    %min3A = arith.constant 4 : i32
    %min3A_9 = arith.minsi %add3A, %min3A : i32
    %add3A_10 = arith.addi %mul3A_8, %min3A_9 : i32
    %lt3A = arith.constant 4 : i32
    %lt3A_11 = arith.cmpi slt, %add3A, %lt3A : i32
    %run_scoped3A = arith.constant 0 : i32
    "tpu.region"() ({
      %run_scoped3A_28 = tpu.sem_alloc : memref<!tpu.dma_semaphore, #tpu.memory_space<semaphore_mem>>
      %dma_start3A_29 = arith.constant 0 : i32
      %dma_start3A_30 = arith.constant 0 : i32
      %dma_start3A_31 = tpu.memref_slice %arg6[%dma_start3A_29, %dma_start3A_30] : memref<79x128xi32, #tpu.memory_space<vmem>> -> memref<78x128xi32, #tpu.memory_space<vmem>>
      %dma_start3A_32 = arith.constant 0 : i32
      %dma_start3A_33 = tpu.memref_slice %arg3[%run_scoped3A, %add3A_10, %dma_start3A_32] : memref<2x2500x128xi32, #tpu.memory_space<hbm>> -> memref<1x78x128xi32, #tpu.memory_space<hbm>>
      %dma_start3A_34 = tpu.memref_squeeze %dma_start3A_33 : memref<1x78x128xi32, #tpu.memory_space<hbm>> -> memref<78x128xi32, #tpu.memory_space<hbm>>
      %dma_start3A_35 = arith.constant 0 : i32
      %dma_start3A_36 = arith.constant 0 : i32
      %dma_start3A_37 = tpu.memref_slice %arg6[%dma_start3A_35, %dma_start3A_36] : memref<79x128xi32, #tpu.memory_space<vmem>> -> memref<78x128xi32, #tpu.memory_space<vmem>>
      %dma_start3A_38 = arith.constant 0 : i32
      %dma_start3A_39 = tpu.memref_slice %arg3[%run_scoped3A, %add3A_10, %dma_start3A_38] : memref<2x2500x128xi32, #tpu.memory_space<hbm>> -> memref<1x78x128xi32, #tpu.memory_space<hbm>>
      %dma_start3A_40 = tpu.memref_squeeze %dma_start3A_39 : memref<1x78x128xi32, #tpu.memory_space<hbm>> -> memref<78x128xi32, #tpu.memory_space<hbm>>
      tpu.enqueue_dma source(%dma_start3A_40 : memref<78x128xi32, #tpu.memory_space<hbm>>) target(%dma_start3A_37 : memref<78x128xi32, #tpu.memory_space<vmem>>) target_semaphore(%run_scoped3A_28 : memref<!tpu.dma_semaphore, #tpu.memory_space<semaphore_mem>>)
      %dma_wait3A = arith.constant 0 : i32
      %dma_wait3A_41 = arith.constant 0 : i32
      %dma_wait3A_42 = tpu.memref_slice %arg6[%dma_wait3A, %dma_wait3A_41] : memref<79x128xi32, #tpu.memory_space<vmem>> -> memref<78x128xi32, #tpu.memory_space<vmem>>
      %dma_wait3A_43 = arith.constant 0 : i32
      %dma_wait3A_44 = tpu.memref_slice %arg3[%run_scoped3A, %add3A_10, %dma_wait3A_43] : memref<2x2500x128xi32, #tpu.memory_space<hbm>> -> memref<1x78x128xi32, #tpu.memory_space<hbm>>
      %dma_wait3A_45 = tpu.memref_squeeze %dma_wait3A_44 : memref<1x78x128xi32, #tpu.memory_space<hbm>> -> memref<78x128xi32, #tpu.memory_space<hbm>>
      %dma_wait3A_46 = arith.constant 0 : i32
      %dma_wait3A_47 = arith.constant 0 : i32
      %dma_wait3A_48 = tpu.memref_slice %arg6[%dma_wait3A_46, %dma_wait3A_47] : memref<79x128xi32, #tpu.memory_space<vmem>> -> memref<78x128xi32, #tpu.memory_space<vmem>>
      %dma_wait3A_49 = arith.constant 0 : i32
      %dma_wait3A_50 = tpu.memref_slice %arg3[%run_scoped3A, %add3A_10, %dma_wait3A_49] : memref<2x2500x128xi32, #tpu.memory_space<hbm>> -> memref<1x78x128xi32, #tpu.memory_space<hbm>>
      %dma_wait3A_51 = tpu.memref_squeeze %dma_wait3A_50 : memref<1x78x128xi32, #tpu.memory_space<hbm>> -> memref<78x128xi32, #tpu.memory_space<hbm>>
      tpu.wait_dma2 semaphore(%run_scoped3A_28 : memref<!tpu.dma_semaphore, #tpu.memory_space<semaphore_mem>>) src(%dma_wait3A_51 : memref<78x128xi32, #tpu.memory_space<hbm>>) dst(%dma_wait3A_48 : memref<78x128xi32, #tpu.memory_space<vmem>>)
      tpu.yield
    }) : () -> ()
    %run_scoped3A_12 = arith.constant 1 : i32
    "tpu.region"() ({
      %run_scoped3A_28 = tpu.sem_alloc : memref<!tpu.dma_semaphore, #tpu.memory_space<semaphore_mem>>
      %dma_start3A_29 = arith.constant 0 : i32
      %dma_start3A_30 = arith.constant 0 : i32
      %dma_start3A_31 = tpu.memref_slice %arg7[%dma_start3A_29, %dma_start3A_30] : memref<79x128xi32, #tpu.memory_space<vmem>> -> memref<78x128xi32, #tpu.memory_space<vmem>>
      %dma_start3A_32 = arith.constant 0 : i32
      %dma_start3A_33 = tpu.memref_slice %arg3[%run_scoped3A_12, %add3A_10, %dma_start3A_32] : memref<2x2500x128xi32, #tpu.memory_space<hbm>> -> memref<1x78x128xi32, #tpu.memory_space<hbm>>
      %dma_start3A_34 = tpu.memref_squeeze %dma_start3A_33 : memref<1x78x128xi32, #tpu.memory_space<hbm>> -> memref<78x128xi32, #tpu.memory_space<hbm>>
      %dma_start3A_35 = arith.constant 0 : i32
      %dma_start3A_36 = arith.constant 0 : i32
      %dma_start3A_37 = tpu.memref_slice %arg7[%dma_start3A_35, %dma_start3A_36] : memref<79x128xi32, #tpu.memory_space<vmem>> -> memref<78x128xi32, #tpu.memory_space<vmem>>
      %dma_start3A_38 = arith.constant 0 : i32
      %dma_start3A_39 = tpu.memref_slice %arg3[%run_scoped3A_12, %add3A_10, %dma_start3A_38] : memref<2x2500x128xi32, #tpu.memory_space<hbm>> -> memref<1x78x128xi32, #tpu.memory_space<hbm>>
      %dma_start3A_40 = tpu.memref_squeeze %dma_start3A_39 : memref<1x78x128xi32, #tpu.memory_space<hbm>> -> memref<78x128xi32, #tpu.memory_space<hbm>>
      tpu.enqueue_dma source(%dma_start3A_40 : memref<78x128xi32, #tpu.memory_space<hbm>>) target(%dma_start3A_37 : memref<78x128xi32, #tpu.memory_space<vmem>>) target_semaphore(%run_scoped3A_28 : memref<!tpu.dma_semaphore, #tpu.memory_space<semaphore_mem>>)
      %dma_wait3A = arith.constant 0 : i32
      %dma_wait3A_41 = arith.constant 0 : i32
      %dma_wait3A_42 = tpu.memref_slice %arg7[%dma_wait3A, %dma_wait3A_41] : memref<79x128xi32, #tpu.memory_space<vmem>> -> memref<78x128xi32, #tpu.memory_space<vmem>>
      %dma_wait3A_43 = arith.constant 0 : i32
      %dma_wait3A_44 = tpu.memref_slice %arg3[%run_scoped3A_12, %add3A_10, %dma_wait3A_43] : memref<2x2500x128xi32, #tpu.memory_space<hbm>> -> memref<1x78x128xi32, #tpu.memory_space<hbm>>
      %dma_wait3A_45 = tpu.memref_squeeze %dma_wait3A_44 : memref<1x78x128xi32, #tpu.memory_space<hbm>> -> memref<78x128xi32, #tpu.memory_space<hbm>>
      %dma_wait3A_46 = arith.constant 0 : i32
      %dma_wait3A_47 = arith.constant 0 : i32
      %dma_wait3A_48 = tpu.memref_slice %arg7[%dma_wait3A_46, %dma_wait3A_47] : memref<79x128xi32, #tpu.memory_space<vmem>> -> memref<78x128xi32, #tpu.memory_space<vmem>>
      %dma_wait3A_49 = arith.constant 0 : i32
      %dma_wait3A_50 = tpu.memref_slice %arg3[%run_scoped3A_12, %add3A_10, %dma_wait3A_49] : memref<2x2500x128xi32, #tpu.memory_space<hbm>> -> memref<1x78x128xi32, #tpu.memory_space<hbm>>
      %dma_wait3A_51 = tpu.memref_squeeze %dma_wait3A_50 : memref<1x78x128xi32, #tpu.memory_space<hbm>> -> memref<78x128xi32, #tpu.memory_space<hbm>>
      tpu.wait_dma2 semaphore(%run_scoped3A_28 : memref<!tpu.dma_semaphore, #tpu.memory_space<semaphore_mem>>) src(%dma_wait3A_51 : memref<78x128xi32, #tpu.memory_space<hbm>>) dst(%dma_wait3A_48 : memref<78x128xi32, #tpu.memory_space<vmem>>)
      tpu.yield
    }) : () -> ()
    %convert_element_type3A = arith.extui %lt3A_11 : i1 to i32
    %cond3A = arith.constant 0 : i32
    %cond3A_13 = arith.cmpi ne, %convert_element_type3A, %cond3A : i32
    scf.if %cond3A_13 {
      %add3A_28 = arith.constant 78 : i32
      %add3A_29 = arith.addi %add3A_10, %add3A_28 : i32
      %run_scoped3A_30 = arith.constant 0 : i32
      "tpu.region"() ({
        %run_scoped3A_34 = tpu.sem_alloc : memref<!tpu.dma_semaphore, #tpu.memory_space<semaphore_mem>>
        %dma_start3A_35 = arith.constant 78 : i32
        %dma_start3A_36 = arith.constant 0 : i32
        %dma_start3A_37 = tpu.memref_slice %arg6[%dma_start3A_35, %dma_start3A_36] : memref<79x128xi32, #tpu.memory_space<vmem>> -> memref<1x128xi32, #tpu.memory_space<vmem>>
        %dma_start3A_38 = arith.constant 0 : i32
        %dma_start3A_39 = tpu.memref_slice %arg3[%run_scoped3A_30, %add3A_29, %dma_start3A_38] : memref<2x2500x128xi32, #tpu.memory_space<hbm>> -> memref<1x1x128xi32, #tpu.memory_space<hbm>>
        %dma_start3A_40 = tpu.memref_squeeze %dma_start3A_39 : memref<1x1x128xi32, #tpu.memory_space<hbm>> -> memref<1x128xi32, #tpu.memory_space<hbm>>
        %dma_start3A_41 = arith.constant 78 : i32
        %dma_start3A_42 = arith.constant 0 : i32
        %dma_start3A_43 = tpu.memref_slice %arg6[%dma_start3A_41, %dma_start3A_42] : memref<79x128xi32, #tpu.memory_space<vmem>> -> memref<1x128xi32, #tpu.memory_space<vmem>>
        %dma_start3A_44 = arith.constant 0 : i32
        %dma_start3A_45 = tpu.memref_slice %arg3[%run_scoped3A_30, %add3A_29, %dma_start3A_44] : memref<2x2500x128xi32, #tpu.memory_space<hbm>> -> memref<1x1x128xi32, #tpu.memory_space<hbm>>
        %dma_start3A_46 = tpu.memref_squeeze %dma_start3A_45 : memref<1x1x128xi32, #tpu.memory_space<hbm>> -> memref<1x128xi32, #tpu.memory_space<hbm>>
        tpu.enqueue_dma source(%dma_start3A_46 : memref<1x128xi32, #tpu.memory_space<hbm>>) target(%dma_start3A_43 : memref<1x128xi32, #tpu.memory_space<vmem>>) target_semaphore(%run_scoped3A_34 : memref<!tpu.dma_semaphore, #tpu.memory_space<semaphore_mem>>)
        %dma_wait3A = arith.constant 78 : i32
        %dma_wait3A_47 = arith.constant 0 : i32
        %dma_wait3A_48 = tpu.memref_slice %arg6[%dma_wait3A, %dma_wait3A_47] : memref<79x128xi32, #tpu.memory_space<vmem>> -> memref<1x128xi32, #tpu.memory_space<vmem>>
        %dma_wait3A_49 = arith.constant 0 : i32
        %dma_wait3A_50 = tpu.memref_slice %arg3[%run_scoped3A_30, %add3A_29, %dma_wait3A_49] : memref<2x2500x128xi32, #tpu.memory_space<hbm>> -> memref<1x1x128xi32, #tpu.memory_space<hbm>>
        %dma_wait3A_51 = tpu.memref_squeeze %dma_wait3A_50 : memref<1x1x128xi32, #tpu.memory_space<hbm>> -> memref<1x128xi32, #tpu.memory_space<hbm>>
        %dma_wait3A_52 = arith.constant 78 : i32
        %dma_wait3A_53 = arith.constant 0 : i32
        %dma_wait3A_54 = tpu.memref_slice %arg6[%dma_wait3A_52, %dma_wait3A_53] : memref<79x128xi32, #tpu.memory_space<vmem>> -> memref<1x128xi32, #tpu.memory_space<vmem>>
        %dma_wait3A_55 = arith.constant 0 : i32
        %dma_wait3A_56 = tpu.memref_slice %arg3[%run_scoped3A_30, %add3A_29, %dma_wait3A_55] : memref<2x2500x128xi32, #tpu.memory_space<hbm>> -> memref<1x1x128xi32, #tpu.memory_space<hbm>>
        %dma_wait3A_57 = tpu.memref_squeeze %dma_wait3A_56 : memref<1x1x128xi32, #tpu.memory_space<hbm>> -> memref<1x128xi32, #tpu.memory_space<hbm>>
        tpu.wait_dma2 semaphore(%run_scoped3A_34 : memref<!tpu.dma_semaphore, #tpu.memory_space<semaphore_mem>>) src(%dma_wait3A_57 : memref<1x128xi32, #tpu.memory_space<hbm>>) dst(%dma_wait3A_54 : memref<1x128xi32, #tpu.memory_space<vmem>>)
        tpu.yield
      }) : () -> ()
      %add3A_31 = arith.constant 78 : i32
      %add3A_32 = arith.addi %add3A_10, %add3A_31 : i32
      %run_scoped3A_33 = arith.constant 1 : i32
      "tpu.region"() ({
        %run_scoped3A_34 = tpu.sem_alloc : memref<!tpu.dma_semaphore, #tpu.memory_space<semaphore_mem>>
        %dma_start3A_35 = arith.constant 78 : i32
        %dma_start3A_36 = arith.constant 0 : i32
        %dma_start3A_37 = tpu.memref_slice %arg7[%dma_start3A_35, %dma_start3A_36] : memref<79x128xi32, #tpu.memory_space<vmem>> -> memref<1x128xi32, #tpu.memory_space<vmem>>
        %dma_start3A_38 = arith.constant 0 : i32
        %dma_start3A_39 = tpu.memref_slice %arg3[%run_scoped3A_33, %add3A_32, %dma_start3A_38] : memref<2x2500x128xi32, #tpu.memory_space<hbm>> -> memref<1x1x128xi32, #tpu.memory_space<hbm>>
        %dma_start3A_40 = tpu.memref_squeeze %dma_start3A_39 : memref<1x1x128xi32, #tpu.memory_space<hbm>> -> memref<1x128xi32, #tpu.memory_space<hbm>>
        %dma_start3A_41 = arith.constant 78 : i32
        %dma_start3A_42 = arith.constant 0 : i32
        %dma_start3A_43 = tpu.memref_slice %arg7[%dma_start3A_41, %dma_start3A_42] : memref<79x128xi32, #tpu.memory_space<vmem>> -> memref<1x128xi32, #tpu.memory_space<vmem>>
        %dma_start3A_44 = arith.constant 0 : i32
        %dma_start3A_45 = tpu.memref_slice %arg3[%run_scoped3A_33, %add3A_32, %dma_start3A_44] : memref<2x2500x128xi32, #tpu.memory_space<hbm>> -> memref<1x1x128xi32, #tpu.memory_space<hbm>>
        %dma_start3A_46 = tpu.memref_squeeze %dma_start3A_45 : memref<1x1x128xi32, #tpu.memory_space<hbm>> -> memref<1x128xi32, #tpu.memory_space<hbm>>
        tpu.enqueue_dma source(%dma_start3A_46 : memref<1x128xi32, #tpu.memory_space<hbm>>) target(%dma_start3A_43 : memref<1x128xi32, #tpu.memory_space<vmem>>) target_semaphore(%run_scoped3A_34 : memref<!tpu.dma_semaphore, #tpu.memory_space<semaphore_mem>>)
        %dma_wait3A = arith.constant 78 : i32
        %dma_wait3A_47 = arith.constant 0 : i32
        %dma_wait3A_48 = tpu.memref_slice %arg7[%dma_wait3A, %dma_wait3A_47] : memref<79x128xi32, #tpu.memory_space<vmem>> -> memref<1x128xi32, #tpu.memory_space<vmem>>
        %dma_wait3A_49 = arith.constant 0 : i32
        %dma_wait3A_50 = tpu.memref_slice %arg3[%run_scoped3A_33, %add3A_32, %dma_wait3A_49] : memref<2x2500x128xi32, #tpu.memory_space<hbm>> -> memref<1x1x128xi32, #tpu.memory_space<hbm>>
        %dma_wait3A_51 = tpu.memref_squeeze %dma_wait3A_50 : memref<1x1x128xi32, #tpu.memory_space<hbm>> -> memref<1x128xi32, #tpu.memory_space<hbm>>
        %dma_wait3A_52 = arith.constant 78 : i32
        %dma_wait3A_53 = arith.constant 0 : i32
        %dma_wait3A_54 = tpu.memref_slice %arg7[%dma_wait3A_52, %dma_wait3A_53] : memref<79x128xi32, #tpu.memory_space<vmem>> -> memref<1x128xi32, #tpu.memory_space<vmem>>
        %dma_wait3A_55 = arith.constant 0 : i32
        %dma_wait3A_56 = tpu.memref_slice %arg3[%run_scoped3A_33, %add3A_32, %dma_wait3A_55] : memref<2x2500x128xi32, #tpu.memory_space<hbm>> -> memref<1x1x128xi32, #tpu.memory_space<hbm>>
        %dma_wait3A_57 = tpu.memref_squeeze %dma_wait3A_56 : memref<1x1x128xi32, #tpu.memory_space<hbm>> -> memref<1x128xi32, #tpu.memory_space<hbm>>
        tpu.wait_dma2 semaphore(%run_scoped3A_34 : memref<!tpu.dma_semaphore, #tpu.memory_space<semaphore_mem>>) src(%dma_wait3A_57 : memref<1x128xi32, #tpu.memory_space<hbm>>) dst(%dma_wait3A_54 : memref<1x128xi32, #tpu.memory_space<vmem>>)
        tpu.yield
      }) : () -> ()
    } else {
    }
    %barrier3A = arith.constant 0 : index
    tpu.barrier barrier_id(%barrier3A)
    %dma_start3A = arith.constant 0 : i32
    %dma_start3A_14 = arith.constant 0 : i32
    %dma_start3A_15 = tpu.memref_slice %arg6[%dma_start3A, %dma_start3A_14] : memref<79x128xi32, #tpu.memory_space<vmem>> -> memref<1x128xi32, #tpu.memory_space<vmem>>
    %dma_start3A_16 = tpu.memref_squeeze %dma_start3A_15 : memref<1x128xi32, #tpu.memory_space<vmem>> -> memref<128xi32, #tpu.memory_space<vmem>>
    %dma_start3A_17 = arith.constant 0 : i32
    %dma_start3A_18 = arith.constant 0 : i32
    %dma_start3A_19 = tpu.memref_slice %arg10[%dma_start3A_17, %dma_start3A_18] : memref<10000x64xf32, #tpu.memory_space<vmem_shared>> -> memref<10000x64xf32, #tpu.memory_space<vmem_shared>>
    tpu.enqueue_indirect_dma source(%dma_start3A_19 : memref<10000x64xf32, #tpu.memory_space<vmem_shared>>) target(%arg8 : memref<128x64xf32, #tpu.memory_space<vmem>>) offsets(%dma_start3A_16 : memref<128xi32, #tpu.memory_space<vmem>>) semaphore(%arg12 : memref<!tpu.dma_semaphore, #tpu.memory_space<semaphore_mem>>)
    %scan3A = arith.constant 0 : i32
    %scan3A_20 = arith.constant 39 : i32
    %scan3A_21 = arith.addi %scan3A, %scan3A_20 : i32
    %scan3A_22 = arith.constant 1 : i32
    scf.for %scan3A_28 = %scan3A to %scan3A_21 step %scan3A_22  : i32 {
      %mul3A_29 = arith.constant 2 : i32
      %mul3A_30 = arith.muli %mul3A_29, %scan3A_28 : i32
      %add3A_31 = arith.constant 1 : i32
      %add3A_32 = arith.addi %mul3A_30, %add3A_31 : i32
      %dma_start3A_33 = arith.constant 0 : i32
      %dma_start3A_34 = tpu.memref_slice %arg6[%add3A_32, %dma_start3A_33] : memref<79x128xi32, #tpu.memory_space<vmem>> -> memref<1x128xi32, #tpu.memory_space<vmem>>
      %dma_start3A_35 = tpu.memref_squeeze %dma_start3A_34 : memref<1x128xi32, #tpu.memory_space<vmem>> -> memref<128xi32, #tpu.memory_space<vmem>>
      %dma_start3A_36 = arith.constant 0 : i32
      %dma_start3A_37 = arith.constant 0 : i32
      %dma_start3A_38 = tpu.memref_slice %arg10[%dma_start3A_36, %dma_start3A_37] : memref<10000x64xf32, #tpu.memory_space<vmem_shared>> -> memref<10000x64xf32, #tpu.memory_space<vmem_shared>>
      tpu.enqueue_indirect_dma source(%dma_start3A_38 : memref<10000x64xf32, #tpu.memory_space<vmem_shared>>) target(%arg9 : memref<128x64xf32, #tpu.memory_space<vmem>>) offsets(%dma_start3A_35 : memref<128xi32, #tpu.memory_space<vmem>>) semaphore(%arg13 : memref<!tpu.dma_semaphore, #tpu.memory_space<semaphore_mem>>)
      %dma_wait3A = arith.constant 0 : i32
      %dma_wait3A_39 = tpu.memref_slice %arg6[%mul3A_30, %dma_wait3A] : memref<79x128xi32, #tpu.memory_space<vmem>> -> memref<1x128xi32, #tpu.memory_space<vmem>>
      %dma_wait3A_40 = tpu.memref_squeeze %dma_wait3A_39 : memref<1x128xi32, #tpu.memory_space<vmem>> -> memref<128xi32, #tpu.memory_space<vmem>>
      %dma_wait3A_41 = arith.constant 0 : i32
      %dma_wait3A_42 = arith.constant 0 : i32
      %dma_wait3A_43 = tpu.memref_slice %arg10[%dma_wait3A_41, %dma_wait3A_42] : memref<10000x64xf32, #tpu.memory_space<vmem_shared>> -> memref<10000x64xf32, #tpu.memory_space<vmem_shared>>
      tpu.wait_indirect_dma semaphore(%arg12 : memref<!tpu.dma_semaphore, #tpu.memory_space<semaphore_mem>>) src(%dma_wait3A_43 : memref<10000x64xf32, #tpu.memory_space<vmem_shared>>) dst(%arg8 : memref<128x64xf32, #tpu.memory_space<vmem>>)
      "tpu.region"() ({
        %run_scoped3A_59 = tpu.sem_alloc : memref<!tpu.dma_semaphore, #tpu.memory_space<semaphore_mem>>
        %dma_start3A_60 = arith.constant 0 : i32
        %dma_start3A_61 = tpu.memref_slice %arg7[%mul3A_30, %dma_start3A_60] : memref<79x128xi32, #tpu.memory_space<vmem>> -> memref<1x128xi32, #tpu.memory_space<vmem>>
        %dma_start3A_62 = tpu.memref_squeeze %dma_start3A_61 : memref<1x128xi32, #tpu.memory_space<vmem>> -> memref<128xi32, #tpu.memory_space<vmem>>
        %dma_start3A_63 = arith.constant 0 : i32
        %dma_start3A_64 = arith.constant 0 : i32
        %dma_start3A_65 = tpu.memref_slice %arg11[%dma_start3A_63, %dma_start3A_64] : memref<10112x64xf32, #tpu.memory_space<vmem_shared>> -> memref<10112x64xf32, #tpu.memory_space<vmem_shared>>
        tpu.enqueue_indirect_dma source(%arg8 : memref<128x64xf32, #tpu.memory_space<vmem>>) target(%dma_start3A_65 : memref<10112x64xf32, #tpu.memory_space<vmem_shared>>) offsets(%dma_start3A_62 : memref<128xi32, #tpu.memory_space<vmem>>) semaphore(%run_scoped3A_59 : memref<!tpu.dma_semaphore, #tpu.memory_space<semaphore_mem>>) {add = true}
        %dma_wait3A_66 = arith.constant 0 : i32
        %dma_wait3A_67 = tpu.memref_slice %arg7[%mul3A_30, %dma_wait3A_66] : memref<79x128xi32, #tpu.memory_space<vmem>> -> memref<1x128xi32, #tpu.memory_space<vmem>>
        %dma_wait3A_68 = tpu.memref_squeeze %dma_wait3A_67 : memref<1x128xi32, #tpu.memory_space<vmem>> -> memref<128xi32, #tpu.memory_space<vmem>>
        %dma_wait3A_69 = arith.constant 0 : i32
        %dma_wait3A_70 = arith.constant 0 : i32
        %dma_wait3A_71 = tpu.memref_slice %arg11[%dma_wait3A_69, %dma_wait3A_70] : memref<10112x64xf32, #tpu.memory_space<vmem_shared>> -> memref<10112x64xf32, #tpu.memory_space<vmem_shared>>
        tpu.wait_indirect_dma semaphore(%run_scoped3A_59 : memref<!tpu.dma_semaphore, #tpu.memory_space<semaphore_mem>>) src(%arg8 : memref<128x64xf32, #tpu.memory_space<vmem>>) dst(%dma_wait3A_71 : memref<10112x64xf32, #tpu.memory_space<vmem_shared>>)
        tpu.yield
      }) : () -> ()
      %add3A_44 = arith.constant 2 : i32
      %add3A_45 = arith.addi %mul3A_30, %add3A_44 : i32
      %lt3A_46 = arith.constant 78 : i32
      %lt3A_47 = arith.cmpi slt, %add3A_45, %lt3A_46 : i32
      %convert_element_type3A_48 = arith.extui %lt3A_47 : i1 to i32
      %cond3A_49 = arith.constant 0 : i32
      %cond3A_50 = arith.cmpi ne, %convert_element_type3A_48, %cond3A_49 : i32
      scf.if %cond3A_50 {
        %add3A_59 = arith.constant 2 : i32
        %add3A_60 = arith.addi %mul3A_30, %add3A_59 : i32
        %dma_start3A_61 = arith.constant 0 : i32
        %dma_start3A_62 = tpu.memref_slice %arg6[%add3A_60, %dma_start3A_61] : memref<79x128xi32, #tpu.memory_space<vmem>> -> memref<1x128xi32, #tpu.memory_space<vmem>>
        %dma_start3A_63 = tpu.memref_squeeze %dma_start3A_62 : memref<1x128xi32, #tpu.memory_space<vmem>> -> memref<128xi32, #tpu.memory_space<vmem>>
        %dma_start3A_64 = arith.constant 0 : i32
        %dma_start3A_65 = arith.constant 0 : i32
        %dma_start3A_66 = tpu.memref_slice %arg10[%dma_start3A_64, %dma_start3A_65] : memref<10000x64xf32, #tpu.memory_space<vmem_shared>> -> memref<10000x64xf32, #tpu.memory_space<vmem_shared>>
        tpu.enqueue_indirect_dma source(%dma_start3A_66 : memref<10000x64xf32, #tpu.memory_space<vmem_shared>>) target(%arg8 : memref<128x64xf32, #tpu.memory_space<vmem>>) offsets(%dma_start3A_63 : memref<128xi32, #tpu.memory_space<vmem>>) semaphore(%arg12 : memref<!tpu.dma_semaphore, #tpu.memory_space<semaphore_mem>>)
      } else {
      }
      %dma_wait3A_51 = arith.constant 0 : i32
      %dma_wait3A_52 = tpu.memref_slice %arg6[%add3A_32, %dma_wait3A_51] : memref<79x128xi32, #tpu.memory_space<vmem>> -> memref<1x128xi32, #tpu.memory_space<vmem>>
      %dma_wait3A_53 = tpu.memref_squeeze %dma_wait3A_52 : memref<1x128xi32, #tpu.memory_space<vmem>> -> memref<128xi32, #tpu.memory_space<vmem>>
      %dma_wait3A_54 = arith.constant 0 : i32
      %dma_wait3A_55 = arith.constant 0 : i32
      %dma_wait3A_56 = tpu.memref_slice %arg10[%dma_wait3A_54, %dma_wait3A_55] : memref<10000x64xf32, #tpu.memory_space<vmem_shared>> -> memref<10000x64xf32, #tpu.memory_space<vmem_shared>>
      tpu.wait_indirect_dma semaphore(%arg13 : memref<!tpu.dma_semaphore, #tpu.memory_space<semaphore_mem>>) src(%dma_wait3A_56 : memref<10000x64xf32, #tpu.memory_space<vmem_shared>>) dst(%arg9 : memref<128x64xf32, #tpu.memory_space<vmem>>)
      %add3A_57 = arith.constant 1 : i32
      %add3A_58 = arith.addi %mul3A_30, %add3A_57 : i32
      "tpu.region"() ({
        %run_scoped3A_59 = tpu.sem_alloc : memref<!tpu.dma_semaphore, #tpu.memory_space<semaphore_mem>>
        %dma_start3A_60 = arith.constant 0 : i32
        %dma_start3A_61 = tpu.memref_slice %arg7[%add3A_58, %dma_start3A_60] : memref<79x128xi32, #tpu.memory_space<vmem>> -> memref<1x128xi32, #tpu.memory_space<vmem>>
        %dma_start3A_62 = tpu.memref_squeeze %dma_start3A_61 : memref<1x128xi32, #tpu.memory_space<vmem>> -> memref<128xi32, #tpu.memory_space<vmem>>
        %dma_start3A_63 = arith.constant 0 : i32
        %dma_start3A_64 = arith.constant 0 : i32
        %dma_start3A_65 = tpu.memref_slice %arg11[%dma_start3A_63, %dma_start3A_64] : memref<10112x64xf32, #tpu.memory_space<vmem_shared>> -> memref<10112x64xf32, #tpu.memory_space<vmem_shared>>
        tpu.enqueue_indirect_dma source(%arg9 : memref<128x64xf32, #tpu.memory_space<vmem>>) target(%dma_start3A_65 : memref<10112x64xf32, #tpu.memory_space<vmem_shared>>) offsets(%dma_start3A_62 : memref<128xi32, #tpu.memory_space<vmem>>) semaphore(%run_scoped3A_59 : memref<!tpu.dma_semaphore, #tpu.memory_space<semaphore_mem>>) {add = true}
        %dma_wait3A_66 = arith.constant 0 : i32
        %dma_wait3A_67 = tpu.memref_slice %arg7[%add3A_58, %dma_wait3A_66] : memref<79x128xi32, #tpu.memory_space<vmem>> -> memref<1x128xi32, #tpu.memory_space<vmem>>
        %dma_wait3A_68 = tpu.memref_squeeze %dma_wait3A_67 : memref<1x128xi32, #tpu.memory_space<vmem>> -> memref<128xi32, #tpu.memory_space<vmem>>
        %dma_wait3A_69 = arith.constant 0 : i32
        %dma_wait3A_70 = arith.constant 0 : i32
        %dma_wait3A_71 = tpu.memref_slice %arg11[%dma_wait3A_69, %dma_wait3A_70] : memref<10112x64xf32, #tpu.memory_space<vmem_shared>> -> memref<10112x64xf32, #tpu.memory_space<vmem_shared>>
        tpu.wait_indirect_dma semaphore(%run_scoped3A_59 : memref<!tpu.dma_semaphore, #tpu.memory_space<semaphore_mem>>) src(%arg9 : memref<128x64xf32, #tpu.memory_space<vmem>>) dst(%dma_wait3A_71 : memref<10112x64xf32, #tpu.memory_space<vmem_shared>>)
        tpu.yield
      }) : () -> ()
    }
    %scan3A_23 = arith.constant 39 : i32
    %convert_element_type3A_24 = arith.extui %lt3A_11 : i1 to i32
    %cond3A_25 = arith.constant 0 : i32
    %cond3A_26 = arith.cmpi ne, %convert_element_type3A_24, %cond3A_25 : i32
    scf.if %cond3A_26 {
      %dma_start3A_28 = arith.constant 78 : i32
      %dma_start3A_29 = arith.constant 0 : i32
      %dma_start3A_30 = tpu.memref_slice %arg6[%dma_start3A_28, %dma_start3A_29] : memref<79x128xi32, #tpu.memory_space<vmem>> -> memref<1x128xi32, #tpu.memory_space<vmem>>
      %dma_start3A_31 = tpu.memref_squeeze %dma_start3A_30 : memref<1x128xi32, #tpu.memory_space<vmem>> -> memref<128xi32, #tpu.memory_space<vmem>>
      %dma_start3A_32 = arith.constant 0 : i32
      %dma_start3A_33 = arith.constant 0 : i32
      %dma_start3A_34 = tpu.memref_slice %arg10[%dma_start3A_32, %dma_start3A_33] : memref<10000x64xf32, #tpu.memory_space<vmem_shared>> -> memref<10000x64xf32, #tpu.memory_space<vmem_shared>>
      tpu.enqueue_indirect_dma source(%dma_start3A_34 : memref<10000x64xf32, #tpu.memory_space<vmem_shared>>) target(%arg8 : memref<128x64xf32, #tpu.memory_space<vmem>>) offsets(%dma_start3A_31 : memref<128xi32, #tpu.memory_space<vmem>>) semaphore(%arg12 : memref<!tpu.dma_semaphore, #tpu.memory_space<semaphore_mem>>)
      %dma_wait3A = arith.constant 78 : i32
      %dma_wait3A_35 = arith.constant 0 : i32
      %dma_wait3A_36 = tpu.memref_slice %arg6[%dma_wait3A, %dma_wait3A_35] : memref<79x128xi32, #tpu.memory_space<vmem>> -> memref<1x128xi32, #tpu.memory_space<vmem>>
      %dma_wait3A_37 = tpu.memref_squeeze %dma_wait3A_36 : memref<1x128xi32, #tpu.memory_space<vmem>> -> memref<128xi32, #tpu.memory_space<vmem>>
      %dma_wait3A_38 = arith.constant 0 : i32
      %dma_wait3A_39 = arith.constant 0 : i32
      %dma_wait3A_40 = tpu.memref_slice %arg10[%dma_wait3A_38, %dma_wait3A_39] : memref<10000x64xf32, #tpu.memory_space<vmem_shared>> -> memref<10000x64xf32, #tpu.memory_space<vmem_shared>>
      tpu.wait_indirect_dma semaphore(%arg12 : memref<!tpu.dma_semaphore, #tpu.memory_space<semaphore_mem>>) src(%dma_wait3A_40 : memref<10000x64xf32, #tpu.memory_space<vmem_shared>>) dst(%arg8 : memref<128x64xf32, #tpu.memory_space<vmem>>)
      %run_scoped3A_41 = arith.constant 78 : i32
      "tpu.region"() ({
        %run_scoped3A_42 = tpu.sem_alloc : memref<!tpu.dma_semaphore, #tpu.memory_space<semaphore_mem>>
        %dma_start3A_43 = arith.constant 0 : i32
        %dma_start3A_44 = tpu.memref_slice %arg7[%run_scoped3A_41, %dma_start3A_43] : memref<79x128xi32, #tpu.memory_space<vmem>> -> memref<1x128xi32, #tpu.memory_space<vmem>>
        %dma_start3A_45 = tpu.memref_squeeze %dma_start3A_44 : memref<1x128xi32, #tpu.memory_space<vmem>> -> memref<128xi32, #tpu.memory_space<vmem>>
        %dma_start3A_46 = arith.constant 0 : i32
        %dma_start3A_47 = arith.constant 0 : i32
        %dma_start3A_48 = tpu.memref_slice %arg11[%dma_start3A_46, %dma_start3A_47] : memref<10112x64xf32, #tpu.memory_space<vmem_shared>> -> memref<10112x64xf32, #tpu.memory_space<vmem_shared>>
        tpu.enqueue_indirect_dma source(%arg8 : memref<128x64xf32, #tpu.memory_space<vmem>>) target(%dma_start3A_48 : memref<10112x64xf32, #tpu.memory_space<vmem_shared>>) offsets(%dma_start3A_45 : memref<128xi32, #tpu.memory_space<vmem>>) semaphore(%run_scoped3A_42 : memref<!tpu.dma_semaphore, #tpu.memory_space<semaphore_mem>>) {add = true}
        %dma_wait3A_49 = arith.constant 0 : i32
        %dma_wait3A_50 = tpu.memref_slice %arg7[%run_scoped3A_41, %dma_wait3A_49] : memref<79x128xi32, #tpu.memory_space<vmem>> -> memref<1x128xi32, #tpu.memory_space<vmem>>
        %dma_wait3A_51 = tpu.memref_squeeze %dma_wait3A_50 : memref<1x128xi32, #tpu.memory_space<vmem>> -> memref<128xi32, #tpu.memory_space<vmem>>
        %dma_wait3A_52 = arith.constant 0 : i32
        %dma_wait3A_53 = arith.constant 0 : i32
        %dma_wait3A_54 = tpu.memref_slice %arg11[%dma_wait3A_52, %dma_wait3A_53] : memref<10112x64xf32, #tpu.memory_space<vmem_shared>> -> memref<10112x64xf32, #tpu.memory_space<vmem_shared>>
        tpu.wait_indirect_dma semaphore(%run_scoped3A_42 : memref<!tpu.dma_semaphore, #tpu.memory_space<semaphore_mem>>) src(%arg8 : memref<128x64xf32, #tpu.memory_space<vmem>>) dst(%dma_wait3A_54 : memref<10112x64xf32, #tpu.memory_space<vmem_shared>>)
        tpu.yield
      }) : () -> ()
    } else {
    }
    %barrier3A_27 = arith.constant 0 : index
    tpu.barrier barrier_id(%barrier3A_27)
    "tpu.region"() ({
      %run_scoped3A_28 = tpu.sem_alloc : memref<!tpu.dma_semaphore, #tpu.memory_space<semaphore_mem>>
      %dma_start3A_29 = arith.constant 0 : i32
      %dma_start3A_30 = tpu.memref_slice %arg5[%arg0, %mul3A_2, %dma_start3A_29] : memref<2x10112x64xf32, #tpu.memory_space<hbm>> -> memref<1x632x64xf32, #tpu.memory_space<hbm>>
      %dma_start3A_31 = tpu.memref_squeeze %dma_start3A_30 : memref<1x632x64xf32, #tpu.memory_space<hbm>> -> memref<632x64xf32, #tpu.memory_space<hbm>>
      %dma_start3A_32 = arith.constant 0 : i32
      %dma_start3A_33 = tpu.memref_slice %arg11[%mul3A_2, %dma_start3A_32] : memref<10112x64xf32, #tpu.memory_space<vmem_shared>> -> memref<632x64xf32, #tpu.memory_space<vmem_shared>>
      tpu.enqueue_dma source(%dma_start3A_33 : memref<632x64xf32, #tpu.memory_space<vmem_shared>>) target(%dma_start3A_31 : memref<632x64xf32, #tpu.memory_space<hbm>>) target_semaphore(%run_scoped3A_28 : memref<!tpu.dma_semaphore, #tpu.memory_space<semaphore_mem>>)
      %dma_wait3A = arith.constant 0 : i32
      %dma_wait3A_34 = tpu.memref_slice %arg5[%arg0, %mul3A_2, %dma_wait3A] : memref<2x10112x64xf32, #tpu.memory_space<hbm>> -> memref<1x632x64xf32, #tpu.memory_space<hbm>>
      %dma_wait3A_35 = tpu.memref_squeeze %dma_wait3A_34 : memref<1x632x64xf32, #tpu.memory_space<hbm>> -> memref<632x64xf32, #tpu.memory_space<hbm>>
      %dma_wait3A_36 = arith.constant 0 : i32
      %dma_wait3A_37 = tpu.memref_slice %arg11[%mul3A_2, %dma_wait3A_36] : memref<10112x64xf32, #tpu.memory_space<vmem_shared>> -> memref<632x64xf32, #tpu.memory_space<vmem_shared>>
      tpu.wait_dma2 semaphore(%run_scoped3A_28 : memref<!tpu.dma_semaphore, #tpu.memory_space<semaphore_mem>>) src(%dma_wait3A_37 : memref<632x64xf32, #tpu.memory_space<vmem_shared>>) dst(%dma_wait3A_35 : memref<632x64xf32, #tpu.memory_space<hbm>>)
      tpu.yield
    }) : () -> ()
    return
  }
}

module attributes {stable_mosaic.version = 14 : i64} {
  func.func @body(%arg0: memref<10000x128xf32, #tpu.memory_space<vmem>>, %arg1: memref<2x5056x128xf32, #tpu.memory_space<vmem>>, %arg2: memref<2x5056x128xf32, #tpu.memory_space<vmem>>, %arg3: memref<128x128xf32, #tpu.memory_space<vmem>>, %arg4: memref<1x128xf32, #tpu.memory_space<vmem>>, %arg5: memref<1x128xf32, #tpu.memory_space<vmem>>, %arg6: memref<1x128xf32, #tpu.memory_space<vmem>>, %arg7: memref<128x64xf32, #tpu.memory_space<vmem>>, %arg8: memref<1x64xf32, #tpu.memory_space<vmem>>, %arg9: memref<1x64xf32, #tpu.memory_space<vmem>>, %arg10: memref<1x64xf32, #tpu.memory_space<vmem>>, %arg11: memref<10000x64xf32, #tpu.memory_space<vmem>>) attributes {dimension_semantics = [], scalar_prefetch = 0 : i64, scratch_operands = 0 : i64, tpu.core_type = #tpu.core_type<tc>} {
    %get3A = arith.constant 0 : index
    %get3A_0 = arith.constant 0 : index
    %get3A_1 = arith.constant 0 : index
    %get3A_2 = vector.load %arg1[%get3A, %get3A_0, %get3A_1] : memref<2x5056x128xf32, #tpu.memory_space<vmem>>, vector<1x5056x128xf32>
    %get3A_3 = vector.shape_cast %get3A_2 : vector<1x5056x128xf32> to vector<5056x128xf32>
    %get3A_4 = arith.constant 1 : index
    %get3A_5 = arith.constant 0 : index
    %get3A_6 = arith.constant 0 : index
    %get3A_7 = vector.load %arg1[%get3A_4, %get3A_5, %get3A_6] : memref<2x5056x128xf32, #tpu.memory_space<vmem>>, vector<1x5056x128xf32>
    %get3A_8 = vector.shape_cast %get3A_7 : vector<1x5056x128xf32> to vector<5056x128xf32>
    %add3A = arith.addf %get3A_3, %get3A_8 : vector<5056x128xf32>
    %slice3A = vector.extract_strided_slice %add3A {offsets = [0, 0], sizes = [5056, 64], strides = [1, 1]} : vector<5056x128xf32> to vector<5056x64xf32>
    %slice3A_9 = vector.extract_strided_slice %add3A {offsets = [0, 64], sizes = [5056, 64], strides = [1, 1]} : vector<5056x128xf32> to vector<5056x64xf32>
    %concatenate3A = tpu.concatenate %slice3A, %slice3A_9 in 0 : vector<5056x64xf32>, vector<5056x64xf32> -> vector<10112x64xf32>
    %slice3A_10 = vector.extract_strided_slice %concatenate3A {offsets = [0, 0], sizes = [10000, 64], strides = [1, 1]} : vector<10112x64xf32> to vector<10000x64xf32>
    %get3A_11 = arith.constant 0 : index
    %get3A_12 = arith.constant 0 : index
    %get3A_13 = arith.constant 0 : index
    %get3A_14 = vector.load %arg2[%get3A_11, %get3A_12, %get3A_13] : memref<2x5056x128xf32, #tpu.memory_space<vmem>>, vector<1x5056x128xf32>
    %get3A_15 = vector.shape_cast %get3A_14 : vector<1x5056x128xf32> to vector<5056x128xf32>
    %get3A_16 = arith.constant 1 : index
    %get3A_17 = arith.constant 0 : index
    %get3A_18 = arith.constant 0 : index
    %get3A_19 = vector.load %arg2[%get3A_16, %get3A_17, %get3A_18] : memref<2x5056x128xf32, #tpu.memory_space<vmem>>, vector<1x5056x128xf32>
    %get3A_20 = vector.shape_cast %get3A_19 : vector<1x5056x128xf32> to vector<5056x128xf32>
    %add3A_21 = arith.addf %get3A_15, %get3A_20 : vector<5056x128xf32>
    %slice3A_22 = vector.extract_strided_slice %add3A_21 {offsets = [0, 0], sizes = [5056, 64], strides = [1, 1]} : vector<5056x128xf32> to vector<5056x64xf32>
    %slice3A_23 = vector.extract_strided_slice %add3A_21 {offsets = [0, 64], sizes = [5056, 64], strides = [1, 1]} : vector<5056x128xf32> to vector<5056x64xf32>
    %concatenate3A_24 = tpu.concatenate %slice3A_22, %slice3A_23 in 0 : vector<5056x64xf32>, vector<5056x64xf32> -> vector<10112x64xf32>
    %slice3A_25 = vector.extract_strided_slice %concatenate3A_24 {offsets = [0, 0], sizes = [10000, 64], strides = [1, 1]} : vector<10112x64xf32> to vector<10000x64xf32>
    %concatenate3A_26 = tpu.concatenate %slice3A_10, %slice3A_25 in 1 : vector<10000x64xf32>, vector<10000x64xf32> -> vector<10000x128xf32>
    %get3A_27 = arith.constant 0 : index
    %get3A_28 = arith.constant 0 : index
    %get3A_29 = vector.load %arg0[%get3A_27, %get3A_28] : memref<10000x128xf32, #tpu.memory_space<vmem>>, vector<10000x128xf32>
    %add3A_30 = arith.addf %get3A_29, %concatenate3A_26 : vector<10000x128xf32>
    %get3A_31 = arith.constant 0 : index
    %get3A_32 = arith.constant 0 : index
    %get3A_33 = vector.load %arg3[%get3A_31, %get3A_32] : memref<128x128xf32, #tpu.memory_space<vmem>>, vector<128x128xf32>
    %dot_general3A = arith.constant dense<0.000000e+00> : vector<10000x128xf32>
    %dot_general3A_34 = tpu.matmul %add3A_30, %get3A_33, %dot_general3A {dimension_numbers = #tpu.dot_dimension_numbers<[1], [0], [0], [1], [0, 0, 1, 1], [], []>, transpose_lhs_hint = false} : vector<10000x128xf32>, vector<128x128xf32>, vector<10000x128xf32> -> vector<10000x128xf32>
    %get3A_35 = arith.constant 0 : index
    %get3A_36 = arith.constant 0 : index
    %get3A_37 = vector.load %arg4[%get3A_35, %get3A_36] : memref<1x128xf32, #tpu.memory_space<vmem>>, vector<1x128xf32>
    %add3A_38 = vector.broadcast %get3A_37 : vector<1x128xf32> to vector<10000x128xf32>
    %add3A_39 = arith.addf %dot_general3A_34, %add3A_38 : vector<10000x128xf32>
    %reduce_sum3A = arith.constant dense<0.000000e+00> : vector<128xf32>
    %reduce_sum3A_40 = vector.multi_reduction <add>, %add3A_39, %reduce_sum3A [0] : vector<10000x128xf32> to vector<128xf32>
    %broadcast_in_dim3A = vector.shape_cast %reduce_sum3A_40 : vector<128xf32> to vector<1x128xf32>
    %div3A = arith.constant 1.000000e+04 : f32
    %div3A_41 = vector.broadcast %div3A : f32 to vector<1x128xf32>
    %div3A_42 = arith.divf %broadcast_in_dim3A, %div3A_41 : vector<1x128xf32>
    %sub3A = vector.broadcast %div3A_42 : vector<1x128xf32> to vector<10000x128xf32>
    %sub3A_43 = arith.subf %add3A_39, %sub3A : vector<10000x128xf32>
    %square3A = arith.mulf %sub3A_43, %sub3A_43 : vector<10000x128xf32>
    %reduce_sum3A_44 = arith.constant dense<0.000000e+00> : vector<128xf32>
    %reduce_sum3A_45 = vector.multi_reduction <add>, %square3A, %reduce_sum3A_44 [0] : vector<10000x128xf32> to vector<128xf32>
    %broadcast_in_dim3A_46 = vector.shape_cast %reduce_sum3A_45 : vector<128xf32> to vector<1x128xf32>
    %div3A_47 = arith.constant 1.000000e+04 : f32
    %div3A_48 = vector.broadcast %div3A_47 : f32 to vector<1x128xf32>
    %div3A_49 = arith.divf %broadcast_in_dim3A_46, %div3A_48 : vector<1x128xf32>
    %sub3A_50 = vector.broadcast %div3A_42 : vector<1x128xf32> to vector<10000x128xf32>
    %sub3A_51 = arith.subf %add3A_39, %sub3A_50 : vector<10000x128xf32>
    %add3A_52 = arith.constant 9.99999974E-6 : f32
    %add3A_53 = vector.broadcast %add3A_52 : f32 to vector<1x128xf32>
    %add3A_54 = arith.addf %div3A_49, %add3A_53 : vector<1x128xf32>
    %rsqrt3A = math.rsqrt %add3A_54 : vector<1x128xf32>
    %mul3A = vector.broadcast %rsqrt3A : vector<1x128xf32> to vector<10000x128xf32>
    %mul3A_55 = arith.mulf %sub3A_51, %mul3A : vector<10000x128xf32>
    %get3A_56 = arith.constant 0 : index
    %get3A_57 = arith.constant 0 : index
    %get3A_58 = vector.load %arg5[%get3A_56, %get3A_57] : memref<1x128xf32, #tpu.memory_space<vmem>>, vector<1x128xf32>
    %mul3A_59 = vector.broadcast %get3A_58 : vector<1x128xf32> to vector<10000x128xf32>
    %mul3A_60 = arith.mulf %mul3A_55, %mul3A_59 : vector<10000x128xf32>
    %get3A_61 = arith.constant 0 : index
    %get3A_62 = arith.constant 0 : index
    %get3A_63 = vector.load %arg6[%get3A_61, %get3A_62] : memref<1x128xf32, #tpu.memory_space<vmem>>, vector<1x128xf32>
    %add3A_64 = vector.broadcast %get3A_63 : vector<1x128xf32> to vector<10000x128xf32>
    %add3A_65 = arith.addf %mul3A_60, %add3A_64 : vector<10000x128xf32>
    %max3A = arith.constant 0.000000e+00 : f32
    %max3A_66 = vector.broadcast %max3A : f32 to vector<10000x128xf32>
    %max3A_67 = arith.maximumf %add3A_65, %max3A_66 : vector<10000x128xf32>
    %get3A_68 = arith.constant 0 : index
    %get3A_69 = arith.constant 0 : index
    %get3A_70 = vector.load %arg7[%get3A_68, %get3A_69] : memref<128x64xf32, #tpu.memory_space<vmem>>, vector<128x64xf32>
    %dot_general3A_71 = arith.constant dense<0.000000e+00> : vector<10000x64xf32>
    %dot_general3A_72 = tpu.matmul %max3A_67, %get3A_70, %dot_general3A_71 {dimension_numbers = #tpu.dot_dimension_numbers<[1], [0], [0], [1], [0, 0, 1, 1], [], []>, transpose_lhs_hint = false} : vector<10000x128xf32>, vector<128x64xf32>, vector<10000x64xf32> -> vector<10000x64xf32>
    %get3A_73 = arith.constant 0 : index
    %get3A_74 = arith.constant 0 : index
    %get3A_75 = vector.load %arg8[%get3A_73, %get3A_74] : memref<1x64xf32, #tpu.memory_space<vmem>>, vector<1x64xf32>
    %add3A_76 = vector.broadcast %get3A_75 : vector<1x64xf32> to vector<10000x64xf32>
    %add3A_77 = arith.addf %dot_general3A_72, %add3A_76 : vector<10000x64xf32>
    %reduce_sum3A_78 = arith.constant dense<0.000000e+00> : vector<64xf32>
    %reduce_sum3A_79 = vector.multi_reduction <add>, %add3A_77, %reduce_sum3A_78 [0] : vector<10000x64xf32> to vector<64xf32>
    %broadcast_in_dim3A_80 = vector.shape_cast %reduce_sum3A_79 : vector<64xf32> to vector<1x64xf32>
    %div3A_81 = arith.constant 1.000000e+04 : f32
    %div3A_82 = vector.broadcast %div3A_81 : f32 to vector<1x64xf32>
    %div3A_83 = arith.divf %broadcast_in_dim3A_80, %div3A_82 : vector<1x64xf32>
    %sub3A_84 = vector.broadcast %div3A_83 : vector<1x64xf32> to vector<10000x64xf32>
    %sub3A_85 = arith.subf %add3A_77, %sub3A_84 : vector<10000x64xf32>
    %square3A_86 = arith.mulf %sub3A_85, %sub3A_85 : vector<10000x64xf32>
    %reduce_sum3A_87 = arith.constant dense<0.000000e+00> : vector<64xf32>
    %reduce_sum3A_88 = vector.multi_reduction <add>, %square3A_86, %reduce_sum3A_87 [0] : vector<10000x64xf32> to vector<64xf32>
    %broadcast_in_dim3A_89 = vector.shape_cast %reduce_sum3A_88 : vector<64xf32> to vector<1x64xf32>
    %div3A_90 = arith.constant 1.000000e+04 : f32
    %div3A_91 = vector.broadcast %div3A_90 : f32 to vector<1x64xf32>
    %div3A_92 = arith.divf %broadcast_in_dim3A_89, %div3A_91 : vector<1x64xf32>
    %sub3A_93 = vector.broadcast %div3A_83 : vector<1x64xf32> to vector<10000x64xf32>
    %sub3A_94 = arith.subf %add3A_77, %sub3A_93 : vector<10000x64xf32>
    %add3A_95 = arith.constant 9.99999974E-6 : f32
    %add3A_96 = vector.broadcast %add3A_95 : f32 to vector<1x64xf32>
    %add3A_97 = arith.addf %div3A_92, %add3A_96 : vector<1x64xf32>
    %rsqrt3A_98 = math.rsqrt %add3A_97 : vector<1x64xf32>
    %mul3A_99 = vector.broadcast %rsqrt3A_98 : vector<1x64xf32> to vector<10000x64xf32>
    %mul3A_100 = arith.mulf %sub3A_94, %mul3A_99 : vector<10000x64xf32>
    %get3A_101 = arith.constant 0 : index
    %get3A_102 = arith.constant 0 : index
    %get3A_103 = vector.load %arg9[%get3A_101, %get3A_102] : memref<1x64xf32, #tpu.memory_space<vmem>>, vector<1x64xf32>
    %mul3A_104 = vector.broadcast %get3A_103 : vector<1x64xf32> to vector<10000x64xf32>
    %mul3A_105 = arith.mulf %mul3A_100, %mul3A_104 : vector<10000x64xf32>
    %get3A_106 = arith.constant 0 : index
    %get3A_107 = arith.constant 0 : index
    %get3A_108 = vector.load %arg10[%get3A_106, %get3A_107] : memref<1x64xf32, #tpu.memory_space<vmem>>, vector<1x64xf32>
    %add3A_109 = vector.broadcast %get3A_108 : vector<1x64xf32> to vector<10000x64xf32>
    %add3A_110 = arith.addf %mul3A_105, %add3A_109 : vector<10000x64xf32>
    %max3A_111 = arith.constant 0.000000e+00 : f32
    %max3A_112 = vector.broadcast %max3A_111 : f32 to vector<10000x64xf32>
    %max3A_113 = arith.maximumf %add3A_110, %max3A_112 : vector<10000x64xf32>
    %swap3A = arith.constant 0 : index
    %swap3A_114 = arith.constant 0 : index
    %swap3A_115 = vector.load %arg11[%swap3A, %swap3A_114] : memref<10000x64xf32, #tpu.memory_space<vmem>>, vector<10000x64xf32>
    tpu.vector_store %arg11[%swap3A, %swap3A_114], %max3A_113 {strides = array<i32>} : memref<10000x64xf32, #tpu.memory_space<vmem>>, vector<10000x64xf32>,
    return
  }
}

module attributes {stable_mosaic.version = 14 : i64} {
  func.func @body(%arg0: memref<10000x64xf32, #tpu.memory_space<vmem>>, %arg1: memref<2x5056x128xf32, #tpu.memory_space<vmem>>, %arg2: memref<64x128xf32, #tpu.memory_space<vmem>>, %arg3: memref<1x128xf32, #tpu.memory_space<vmem>>, %arg4: memref<1x128xf32, #tpu.memory_space<vmem>>, %arg5: memref<1x128xf32, #tpu.memory_space<vmem>>, %arg6: memref<128x64xf32, #tpu.memory_space<vmem>>, %arg7: memref<1x64xf32, #tpu.memory_space<vmem>>, %arg8: memref<1x64xf32, #tpu.memory_space<vmem>>, %arg9: memref<1x64xf32, #tpu.memory_space<vmem>>, %arg10: memref<10000x64xf32, #tpu.memory_space<vmem>>) attributes {dimension_semantics = [], scalar_prefetch = 0 : i64, scratch_operands = 0 : i64, tpu.core_type = #tpu.core_type<tc>} {
    %get3A = arith.constant 0 : index
    %get3A_0 = arith.constant 0 : index
    %get3A_1 = vector.load %arg0[%get3A, %get3A_0] : memref<10000x64xf32, #tpu.memory_space<vmem>>, vector<10000x64xf32>
    %get3A_2 = arith.constant 0 : index
    %get3A_3 = arith.constant 0 : index
    %get3A_4 = arith.constant 0 : index
    %get3A_5 = vector.load %arg1[%get3A_2, %get3A_3, %get3A_4] : memref<2x5056x128xf32, #tpu.memory_space<vmem>>, vector<1x5056x128xf32>
    %get3A_6 = vector.shape_cast %get3A_5 : vector<1x5056x128xf32> to vector<5056x128xf32>
    %get3A_7 = arith.constant 1 : index
    %get3A_8 = arith.constant 0 : index
    %get3A_9 = arith.constant 0 : index
    %get3A_10 = vector.load %arg1[%get3A_7, %get3A_8, %get3A_9] : memref<2x5056x128xf32, #tpu.memory_space<vmem>>, vector<1x5056x128xf32>
    %get3A_11 = vector.shape_cast %get3A_10 : vector<1x5056x128xf32> to vector<5056x128xf32>
    %add3A = arith.addf %get3A_6, %get3A_11 : vector<5056x128xf32>
    %slice3A = vector.extract_strided_slice %add3A {offsets = [0, 0], sizes = [5056, 64], strides = [1, 1]} : vector<5056x128xf32> to vector<5056x64xf32>
    %slice3A_12 = vector.extract_strided_slice %add3A {offsets = [0, 64], sizes = [5056, 64], strides = [1, 1]} : vector<5056x128xf32> to vector<5056x64xf32>
    %concatenate3A = tpu.concatenate %slice3A, %slice3A_12 in 0 : vector<5056x64xf32>, vector<5056x64xf32> -> vector<10112x64xf32>
    %slice3A_13 = vector.extract_strided_slice %concatenate3A {offsets = [0, 0], sizes = [10000, 64], strides = [1, 1]} : vector<10112x64xf32> to vector<10000x64xf32>
    %add3A_14 = arith.addf %get3A_1, %slice3A_13 : vector<10000x64xf32>
    %get3A_15 = arith.constant 0 : index
    %get3A_16 = arith.constant 0 : index
    %get3A_17 = vector.load %arg2[%get3A_15, %get3A_16] : memref<64x128xf32, #tpu.memory_space<vmem>>, vector<64x128xf32>
    %dot_general3A = arith.constant dense<0.000000e+00> : vector<10000x128xf32>
    %dot_general3A_18 = tpu.matmul %add3A_14, %get3A_17, %dot_general3A {dimension_numbers = #tpu.dot_dimension_numbers<[1], [0], [0], [1], [0, 0, 1, 1], [], []>, transpose_lhs_hint = false} : vector<10000x64xf32>, vector<64x128xf32>, vector<10000x128xf32> -> vector<10000x128xf32>
    %get3A_19 = arith.constant 0 : index
    %get3A_20 = arith.constant 0 : index
    %get3A_21 = vector.load %arg3[%get3A_19, %get3A_20] : memref<1x128xf32, #tpu.memory_space<vmem>>, vector<1x128xf32>
    %add3A_22 = vector.broadcast %get3A_21 : vector<1x128xf32> to vector<10000x128xf32>
    %add3A_23 = arith.addf %dot_general3A_18, %add3A_22 : vector<10000x128xf32>
    %reduce_sum3A = arith.constant dense<0.000000e+00> : vector<128xf32>
    %reduce_sum3A_24 = vector.multi_reduction <add>, %add3A_23, %reduce_sum3A [0] : vector<10000x128xf32> to vector<128xf32>
    %broadcast_in_dim3A = vector.shape_cast %reduce_sum3A_24 : vector<128xf32> to vector<1x128xf32>
    %div3A = arith.constant 1.000000e+04 : f32
    %div3A_25 = vector.broadcast %div3A : f32 to vector<1x128xf32>
    %div3A_26 = arith.divf %broadcast_in_dim3A, %div3A_25 : vector<1x128xf32>
    %sub3A = vector.broadcast %div3A_26 : vector<1x128xf32> to vector<10000x128xf32>
    %sub3A_27 = arith.subf %add3A_23, %sub3A : vector<10000x128xf32>
    %square3A = arith.mulf %sub3A_27, %sub3A_27 : vector<10000x128xf32>
    %reduce_sum3A_28 = arith.constant dense<0.000000e+00> : vector<128xf32>
    %reduce_sum3A_29 = vector.multi_reduction <add>, %square3A, %reduce_sum3A_28 [0] : vector<10000x128xf32> to vector<128xf32>
    %broadcast_in_dim3A_30 = vector.shape_cast %reduce_sum3A_29 : vector<128xf32> to vector<1x128xf32>
    %div3A_31 = arith.constant 1.000000e+04 : f32
    %div3A_32 = vector.broadcast %div3A_31 : f32 to vector<1x128xf32>
    %div3A_33 = arith.divf %broadcast_in_dim3A_30, %div3A_32 : vector<1x128xf32>
    %sub3A_34 = vector.broadcast %div3A_26 : vector<1x128xf32> to vector<10000x128xf32>
    %sub3A_35 = arith.subf %add3A_23, %sub3A_34 : vector<10000x128xf32>
    %add3A_36 = arith.constant 9.99999974E-6 : f32
    %add3A_37 = vector.broadcast %add3A_36 : f32 to vector<1x128xf32>
    %add3A_38 = arith.addf %div3A_33, %add3A_37 : vector<1x128xf32>
    %rsqrt3A = math.rsqrt %add3A_38 : vector<1x128xf32>
    %mul3A = vector.broadcast %rsqrt3A : vector<1x128xf32> to vector<10000x128xf32>
    %mul3A_39 = arith.mulf %sub3A_35, %mul3A : vector<10000x128xf32>
    %get3A_40 = arith.constant 0 : index
    %get3A_41 = arith.constant 0 : index
    %get3A_42 = vector.load %arg4[%get3A_40, %get3A_41] : memref<1x128xf32, #tpu.memory_space<vmem>>, vector<1x128xf32>
    %mul3A_43 = vector.broadcast %get3A_42 : vector<1x128xf32> to vector<10000x128xf32>
    %mul3A_44 = arith.mulf %mul3A_39, %mul3A_43 : vector<10000x128xf32>
    %get3A_45 = arith.constant 0 : index
    %get3A_46 = arith.constant 0 : index
    %get3A_47 = vector.load %arg5[%get3A_45, %get3A_46] : memref<1x128xf32, #tpu.memory_space<vmem>>, vector<1x128xf32>
    %add3A_48 = vector.broadcast %get3A_47 : vector<1x128xf32> to vector<10000x128xf32>
    %add3A_49 = arith.addf %mul3A_44, %add3A_48 : vector<10000x128xf32>
    %max3A = arith.constant 0.000000e+00 : f32
    %max3A_50 = vector.broadcast %max3A : f32 to vector<10000x128xf32>
    %max3A_51 = arith.maximumf %add3A_49, %max3A_50 : vector<10000x128xf32>
    %get3A_52 = arith.constant 0 : index
    %get3A_53 = arith.constant 0 : index
    %get3A_54 = vector.load %arg6[%get3A_52, %get3A_53] : memref<128x64xf32, #tpu.memory_space<vmem>>, vector<128x64xf32>
    %dot_general3A_55 = arith.constant dense<0.000000e+00> : vector<10000x64xf32>
    %dot_general3A_56 = tpu.matmul %max3A_51, %get3A_54, %dot_general3A_55 {dimension_numbers = #tpu.dot_dimension_numbers<[1], [0], [0], [1], [0, 0, 1, 1], [], []>, transpose_lhs_hint = false} : vector<10000x128xf32>, vector<128x64xf32>, vector<10000x64xf32> -> vector<10000x64xf32>
    %get3A_57 = arith.constant 0 : index
    %get3A_58 = arith.constant 0 : index
    %get3A_59 = vector.load %arg7[%get3A_57, %get3A_58] : memref<1x64xf32, #tpu.memory_space<vmem>>, vector<1x64xf32>
    %add3A_60 = vector.broadcast %get3A_59 : vector<1x64xf32> to vector<10000x64xf32>
    %add3A_61 = arith.addf %dot_general3A_56, %add3A_60 : vector<10000x64xf32>
    %reduce_sum3A_62 = arith.constant dense<0.000000e+00> : vector<64xf32>
    %reduce_sum3A_63 = vector.multi_reduction <add>, %add3A_61, %reduce_sum3A_62 [0] : vector<10000x64xf32> to vector<64xf32>
    %broadcast_in_dim3A_64 = vector.shape_cast %reduce_sum3A_63 : vector<64xf32> to vector<1x64xf32>
    %div3A_65 = arith.constant 1.000000e+04 : f32
    %div3A_66 = vector.broadcast %div3A_65 : f32 to vector<1x64xf32>
    %div3A_67 = arith.divf %broadcast_in_dim3A_64, %div3A_66 : vector<1x64xf32>
    %sub3A_68 = vector.broadcast %div3A_67 : vector<1x64xf32> to vector<10000x64xf32>
    %sub3A_69 = arith.subf %add3A_61, %sub3A_68 : vector<10000x64xf32>
    %square3A_70 = arith.mulf %sub3A_69, %sub3A_69 : vector<10000x64xf32>
    %reduce_sum3A_71 = arith.constant dense<0.000000e+00> : vector<64xf32>
    %reduce_sum3A_72 = vector.multi_reduction <add>, %square3A_70, %reduce_sum3A_71 [0] : vector<10000x64xf32> to vector<64xf32>
    %broadcast_in_dim3A_73 = vector.shape_cast %reduce_sum3A_72 : vector<64xf32> to vector<1x64xf32>
    %div3A_74 = arith.constant 1.000000e+04 : f32
    %div3A_75 = vector.broadcast %div3A_74 : f32 to vector<1x64xf32>
    %div3A_76 = arith.divf %broadcast_in_dim3A_73, %div3A_75 : vector<1x64xf32>
    %sub3A_77 = vector.broadcast %div3A_67 : vector<1x64xf32> to vector<10000x64xf32>
    %sub3A_78 = arith.subf %add3A_61, %sub3A_77 : vector<10000x64xf32>
    %add3A_79 = arith.constant 9.99999974E-6 : f32
    %add3A_80 = vector.broadcast %add3A_79 : f32 to vector<1x64xf32>
    %add3A_81 = arith.addf %div3A_76, %add3A_80 : vector<1x64xf32>
    %rsqrt3A_82 = math.rsqrt %add3A_81 : vector<1x64xf32>
    %mul3A_83 = vector.broadcast %rsqrt3A_82 : vector<1x64xf32> to vector<10000x64xf32>
    %mul3A_84 = arith.mulf %sub3A_78, %mul3A_83 : vector<10000x64xf32>
    %get3A_85 = arith.constant 0 : index
    %get3A_86 = arith.constant 0 : index
    %get3A_87 = vector.load %arg8[%get3A_85, %get3A_86] : memref<1x64xf32, #tpu.memory_space<vmem>>, vector<1x64xf32>
    %mul3A_88 = vector.broadcast %get3A_87 : vector<1x64xf32> to vector<10000x64xf32>
    %mul3A_89 = arith.mulf %mul3A_84, %mul3A_88 : vector<10000x64xf32>
    %get3A_90 = arith.constant 0 : index
    %get3A_91 = arith.constant 0 : index
    %get3A_92 = vector.load %arg9[%get3A_90, %get3A_91] : memref<1x64xf32, #tpu.memory_space<vmem>>, vector<1x64xf32>
    %add3A_93 = vector.broadcast %get3A_92 : vector<1x64xf32> to vector<10000x64xf32>
    %add3A_94 = arith.addf %mul3A_89, %add3A_93 : vector<10000x64xf32>
    %max3A_95 = arith.constant 0.000000e+00 : f32
    %max3A_96 = vector.broadcast %max3A_95 : f32 to vector<10000x64xf32>
    %max3A_97 = arith.maximumf %add3A_94, %max3A_96 : vector<10000x64xf32>
    %swap3A = arith.constant 0 : index
    %swap3A_98 = arith.constant 0 : index
    %swap3A_99 = vector.load %arg10[%swap3A, %swap3A_98] : memref<10000x64xf32, #tpu.memory_space<vmem>>, vector<10000x64xf32>
    tpu.vector_store %arg10[%swap3A, %swap3A_98], %max3A_97 {strides = array<i32>} : memref<10000x64xf32, #tpu.memory_space<vmem>>, vector<10000x64xf32>,
    return
  }
}

module attributes {stable_mosaic.version = 14 : i64} {
  func.func @body(%arg0: memref<10000x64xf32, #tpu.memory_space<vmem>>, %arg1: memref<2x5056x128xf32, #tpu.memory_space<vmem>>, %arg2: memref<1x10000xi32, #tpu.memory_space<vmem>>, %arg3: memref<64x128xf32, #tpu.memory_space<vmem>>, %arg4: memref<1x128xf32, #tpu.memory_space<vmem>>, %arg5: memref<1x128xf32, #tpu.memory_space<vmem>>, %arg6: memref<1x128xf32, #tpu.memory_space<vmem>>, %arg7: memref<128x64xf32, #tpu.memory_space<vmem>>, %arg8: memref<1x64xf32, #tpu.memory_space<vmem>>, %arg9: memref<1x64xf32, #tpu.memory_space<vmem>>, %arg10: memref<1x64xf32, #tpu.memory_space<vmem>>, %arg11: memref<128x64xf32, #tpu.memory_space<vmem>>) attributes {dimension_semantics = [], scalar_prefetch = 0 : i64, scratch_operands = 0 : i64, tpu.core_type = #tpu.core_type<tc>} {
    %get3A = arith.constant 0 : index
    %get3A_0 = arith.constant 0 : index
    %get3A_1 = vector.load %arg0[%get3A, %get3A_0] : memref<10000x64xf32, #tpu.memory_space<vmem>>, vector<10000x64xf32>
    %get3A_2 = arith.constant 0 : index
    %get3A_3 = arith.constant 0 : index
    %get3A_4 = arith.constant 0 : index
    %get3A_5 = vector.load %arg1[%get3A_2, %get3A_3, %get3A_4] : memref<2x5056x128xf32, #tpu.memory_space<vmem>>, vector<1x5056x128xf32>
    %get3A_6 = vector.shape_cast %get3A_5 : vector<1x5056x128xf32> to vector<5056x128xf32>
    %get3A_7 = arith.constant 1 : index
    %get3A_8 = arith.constant 0 : index
    %get3A_9 = arith.constant 0 : index
    %get3A_10 = vector.load %arg1[%get3A_7, %get3A_8, %get3A_9] : memref<2x5056x128xf32, #tpu.memory_space<vmem>>, vector<1x5056x128xf32>
    %get3A_11 = vector.shape_cast %get3A_10 : vector<1x5056x128xf32> to vector<5056x128xf32>
    %add3A = arith.addf %get3A_6, %get3A_11 : vector<5056x128xf32>
    %slice3A = vector.extract_strided_slice %add3A {offsets = [0, 0], sizes = [5056, 64], strides = [1, 1]} : vector<5056x128xf32> to vector<5056x64xf32>
    %slice3A_12 = vector.extract_strided_slice %add3A {offsets = [0, 64], sizes = [5056, 64], strides = [1, 1]} : vector<5056x128xf32> to vector<5056x64xf32>
    %concatenate3A = tpu.concatenate %slice3A, %slice3A_12 in 0 : vector<5056x64xf32>, vector<5056x64xf32> -> vector<10112x64xf32>
    %slice3A_13 = vector.extract_strided_slice %concatenate3A {offsets = [0, 0], sizes = [10000, 64], strides = [1, 1]} : vector<10112x64xf32> to vector<10000x64xf32>
    %add3A_14 = arith.addf %get3A_1, %slice3A_13 : vector<10000x64xf32>
    %get3A_15 = arith.constant 0 : index
    %get3A_16 = arith.constant 0 : index
    %get3A_17 = vector.load %arg3[%get3A_15, %get3A_16] : memref<64x128xf32, #tpu.memory_space<vmem>>, vector<64x128xf32>
    %dot_general3A = arith.constant dense<0.000000e+00> : vector<10000x128xf32>
    %dot_general3A_18 = tpu.matmul %add3A_14, %get3A_17, %dot_general3A {dimension_numbers = #tpu.dot_dimension_numbers<[1], [0], [0], [1], [0, 0, 1, 1], [], []>, transpose_lhs_hint = false} : vector<10000x64xf32>, vector<64x128xf32>, vector<10000x128xf32> -> vector<10000x128xf32>
    %get3A_19 = arith.constant 0 : index
    %get3A_20 = arith.constant 0 : index
    %get3A_21 = vector.load %arg4[%get3A_19, %get3A_20] : memref<1x128xf32, #tpu.memory_space<vmem>>, vector<1x128xf32>
    %add3A_22 = vector.broadcast %get3A_21 : vector<1x128xf32> to vector<10000x128xf32>
    %add3A_23 = arith.addf %dot_general3A_18, %add3A_22 : vector<10000x128xf32>
    %reduce_sum3A = arith.constant dense<0.000000e+00> : vector<128xf32>
    %reduce_sum3A_24 = vector.multi_reduction <add>, %add3A_23, %reduce_sum3A [0] : vector<10000x128xf32> to vector<128xf32>
    %broadcast_in_dim3A = vector.shape_cast %reduce_sum3A_24 : vector<128xf32> to vector<1x128xf32>
    %div3A = arith.constant 1.000000e+04 : f32
    %div3A_25 = vector.broadcast %div3A : f32 to vector<1x128xf32>
    %div3A_26 = arith.divf %broadcast_in_dim3A, %div3A_25 : vector<1x128xf32>
    %sub3A = vector.broadcast %div3A_26 : vector<1x128xf32> to vector<10000x128xf32>
    %sub3A_27 = arith.subf %add3A_23, %sub3A : vector<10000x128xf32>
    %square3A = arith.mulf %sub3A_27, %sub3A_27 : vector<10000x128xf32>
    %reduce_sum3A_28 = arith.constant dense<0.000000e+00> : vector<128xf32>
    %reduce_sum3A_29 = vector.multi_reduction <add>, %square3A, %reduce_sum3A_28 [0] : vector<10000x128xf32> to vector<128xf32>
    %broadcast_in_dim3A_30 = vector.shape_cast %reduce_sum3A_29 : vector<128xf32> to vector<1x128xf32>
    %div3A_31 = arith.constant 1.000000e+04 : f32
    %div3A_32 = vector.broadcast %div3A_31 : f32 to vector<1x128xf32>
    %div3A_33 = arith.divf %broadcast_in_dim3A_30, %div3A_32 : vector<1x128xf32>
    %sub3A_34 = vector.broadcast %div3A_26 : vector<1x128xf32> to vector<10000x128xf32>
    %sub3A_35 = arith.subf %add3A_23, %sub3A_34 : vector<10000x128xf32>
    %add3A_36 = arith.constant 9.99999974E-6 : f32
    %add3A_37 = vector.broadcast %add3A_36 : f32 to vector<1x128xf32>
    %add3A_38 = arith.addf %div3A_33, %add3A_37 : vector<1x128xf32>
    %rsqrt3A = math.rsqrt %add3A_38 : vector<1x128xf32>
    %mul3A = vector.broadcast %rsqrt3A : vector<1x128xf32> to vector<10000x128xf32>
    %mul3A_39 = arith.mulf %sub3A_35, %mul3A : vector<10000x128xf32>
    %get3A_40 = arith.constant 0 : index
    %get3A_41 = arith.constant 0 : index
    %get3A_42 = vector.load %arg5[%get3A_40, %get3A_41] : memref<1x128xf32, #tpu.memory_space<vmem>>, vector<1x128xf32>
    %mul3A_43 = vector.broadcast %get3A_42 : vector<1x128xf32> to vector<10000x128xf32>
    %mul3A_44 = arith.mulf %mul3A_39, %mul3A_43 : vector<10000x128xf32>
    %get3A_45 = arith.constant 0 : index
    %get3A_46 = arith.constant 0 : index
    %get3A_47 = vector.load %arg6[%get3A_45, %get3A_46] : memref<1x128xf32, #tpu.memory_space<vmem>>, vector<1x128xf32>
    %add3A_48 = vector.broadcast %get3A_47 : vector<1x128xf32> to vector<10000x128xf32>
    %add3A_49 = arith.addf %mul3A_44, %add3A_48 : vector<10000x128xf32>
    %max3A = arith.constant 0.000000e+00 : f32
    %max3A_50 = vector.broadcast %max3A : f32 to vector<10000x128xf32>
    %max3A_51 = arith.maximumf %add3A_49, %max3A_50 : vector<10000x128xf32>
    %get3A_52 = arith.constant 0 : index
    %get3A_53 = arith.constant 0 : index
    %get3A_54 = vector.load %arg7[%get3A_52, %get3A_53] : memref<128x64xf32, #tpu.memory_space<vmem>>, vector<128x64xf32>
    %dot_general3A_55 = arith.constant dense<0.000000e+00> : vector<10000x64xf32>
    %dot_general3A_56 = tpu.matmul %max3A_51, %get3A_54, %dot_general3A_55 {dimension_numbers = #tpu.dot_dimension_numbers<[1], [0], [0], [1], [0, 0, 1, 1], [], []>, transpose_lhs_hint = false} : vector<10000x128xf32>, vector<128x64xf32>, vector<10000x64xf32> -> vector<10000x64xf32>
    %get3A_57 = arith.constant 0 : index
    %get3A_58 = arith.constant 0 : index
    %get3A_59 = vector.load %arg8[%get3A_57, %get3A_58] : memref<1x64xf32, #tpu.memory_space<vmem>>, vector<1x64xf32>
    %add3A_60 = vector.broadcast %get3A_59 : vector<1x64xf32> to vector<10000x64xf32>
    %add3A_61 = arith.addf %dot_general3A_56, %add3A_60 : vector<10000x64xf32>
    %reduce_sum3A_62 = arith.constant dense<0.000000e+00> : vector<64xf32>
    %reduce_sum3A_63 = vector.multi_reduction <add>, %add3A_61, %reduce_sum3A_62 [0] : vector<10000x64xf32> to vector<64xf32>
    %broadcast_in_dim3A_64 = vector.shape_cast %reduce_sum3A_63 : vector<64xf32> to vector<1x64xf32>
    %div3A_65 = arith.constant 1.000000e+04 : f32
    %div3A_66 = vector.broadcast %div3A_65 : f32 to vector<1x64xf32>
    %div3A_67 = arith.divf %broadcast_in_dim3A_64, %div3A_66 : vector<1x64xf32>
    %sub3A_68 = vector.broadcast %div3A_67 : vector<1x64xf32> to vector<10000x64xf32>
    %sub3A_69 = arith.subf %add3A_61, %sub3A_68 : vector<10000x64xf32>
    %square3A_70 = arith.mulf %sub3A_69, %sub3A_69 : vector<10000x64xf32>
    %reduce_sum3A_71 = arith.constant dense<0.000000e+00> : vector<64xf32>
    %reduce_sum3A_72 = vector.multi_reduction <add>, %square3A_70, %reduce_sum3A_71 [0] : vector<10000x64xf32> to vector<64xf32>
    %broadcast_in_dim3A_73 = vector.shape_cast %reduce_sum3A_72 : vector<64xf32> to vector<1x64xf32>
    %div3A_74 = arith.constant 1.000000e+04 : f32
    %div3A_75 = vector.broadcast %div3A_74 : f32 to vector<1x64xf32>
    %div3A_76 = arith.divf %broadcast_in_dim3A_73, %div3A_75 : vector<1x64xf32>
    %sub3A_77 = vector.broadcast %div3A_67 : vector<1x64xf32> to vector<10000x64xf32>
    %sub3A_78 = arith.subf %add3A_61, %sub3A_77 : vector<10000x64xf32>
    %add3A_79 = arith.constant 9.99999974E-6 : f32
    %add3A_80 = vector.broadcast %add3A_79 : f32 to vector<1x64xf32>
    %add3A_81 = arith.addf %div3A_76, %add3A_80 : vector<1x64xf32>
    %rsqrt3A_82 = math.rsqrt %add3A_81 : vector<1x64xf32>
    %mul3A_83 = vector.broadcast %rsqrt3A_82 : vector<1x64xf32> to vector<10000x64xf32>
    %mul3A_84 = arith.mulf %sub3A_78, %mul3A_83 : vector<10000x64xf32>
    %get3A_85 = arith.constant 0 : index
    %get3A_86 = arith.constant 0 : index
    %get3A_87 = vector.load %arg9[%get3A_85, %get3A_86] : memref<1x64xf32, #tpu.memory_space<vmem>>, vector<1x64xf32>
    %mul3A_88 = vector.broadcast %get3A_87 : vector<1x64xf32> to vector<10000x64xf32>
    %mul3A_89 = arith.mulf %mul3A_84, %mul3A_88 : vector<10000x64xf32>
    %get3A_90 = arith.constant 0 : index
    %get3A_91 = arith.constant 0 : index
    %get3A_92 = vector.load %arg10[%get3A_90, %get3A_91] : memref<1x64xf32, #tpu.memory_space<vmem>>, vector<1x64xf32>
    %add3A_93 = vector.broadcast %get3A_92 : vector<1x64xf32> to vector<10000x64xf32>
    %add3A_94 = arith.addf %mul3A_89, %add3A_93 : vector<10000x64xf32>
    %max3A_95 = arith.constant 0.000000e+00 : f32
    %max3A_96 = vector.broadcast %max3A_95 : f32 to vector<10000x64xf32>
    %max3A_97 = arith.maximumf %add3A_94, %max3A_96 : vector<10000x64xf32>
    %iota3A = tpu.iota {dimensions = array<i32: 0>} : vector<128x10000xi32>
    %get3A_98 = arith.constant 0 : index
    %get3A_99 = arith.constant 0 : index
    %get3A_100 = vector.load %arg2[%get3A_98, %get3A_99] : memref<1x10000xi32, #tpu.memory_space<vmem>>, vector<1x10000xi32>
    %eq3A = vector.broadcast %get3A_100 : vector<1x10000xi32> to vector<128x10000xi32>
    %eq3A_101 = arith.cmpi eq, %iota3A, %eq3A : vector<128x10000xi32>
    %jit3A = arith.constant 1.000000e+00 : f32
    %jit3A_102 = arith.constant 0.000000e+00 : f32
    %broadcast_in_dim3A_103 = vector.broadcast %jit3A : f32 to vector<128x10000xf32>
    %broadcast_in_dim3A_104 = vector.broadcast %jit3A_102 : f32 to vector<128x10000xf32>
    %select_n3A = arith.select %eq3A_101, %broadcast_in_dim3A_103, %broadcast_in_dim3A_104 : vector<128x10000xi1>, vector<128x10000xf32>
    %dot_general3A_105 = arith.constant dense<0.000000e+00> : vector<128x64xf32>
    %dot_general3A_106 = tpu.matmul %select_n3A, %max3A_97, %dot_general3A_105 {dimension_numbers = #tpu.dot_dimension_numbers<[1], [0], [0], [1], [0, 0, 1, 1], [], []>, transpose_lhs_hint = false} : vector<128x10000xf32>, vector<10000x64xf32>, vector<128x64xf32> -> vector<128x64xf32>
    %reduce_sum3A_107 = arith.constant dense<0.000000e+00> : vector<128xf32>
    %reduce_sum3A_108 = vector.multi_reduction <add>, %select_n3A, %reduce_sum3A_107 [1] : vector<128x10000xf32> to vector<128xf32>
    %broadcast_in_dim3A_109 = vector.shape_cast %reduce_sum3A_108 : vector<128xf32> to vector<128x1xf32>
    %max3A_110 = arith.constant 1.000000e+00 : f32
    %max3A_111 = vector.broadcast %max3A_110 : f32 to vector<128x1xf32>
    %max3A_112 = arith.maximumf %broadcast_in_dim3A_109, %max3A_111 : vector<128x1xf32>
    %div3A_113 = vector.broadcast %max3A_112 : vector<128x1xf32> to vector<128x64xf32>
    %div3A_114 = arith.divf %dot_general3A_106, %div3A_113 : vector<128x64xf32>
    %swap3A = arith.constant 0 : index
    %swap3A_115 = arith.constant 0 : index
    %swap3A_116 = vector.load %arg11[%swap3A, %swap3A_115] : memref<128x64xf32, #tpu.memory_space<vmem>>, vector<128x64xf32>
    tpu.vector_store %arg11[%swap3A, %swap3A_115], %div3A_114 {strides = array<i32>} : memref<128x64xf32, #tpu.memory_space<vmem>>, vector<128x64xf32>,
    return
  }
}

</mosaic_0001>

<sc_bundles>
// kernel: kernel.12.cloned.1.call-start
scs
__scs_entry_jumppad:
0x0: {  	(pc) =	sbr.rel $0x88, $3  }
0x1: {  	(tag) =	ssettag $0x0;
	lr =	simm.s32 $0x1  }
0x2: {  	[smem:$0x3F86] =	sst lr;
	_ =	strace $0xD0000000  }
0x3: {  	_ = 	snop  }
0x4: {  	_ = 	snop  }
0x5: {  	_ = 	snop  }
0x6: {  	_ = 	snop  }
0x7: {  	_ = 	snop  }
__scs_overlays_trampoline_lowered:
0x8: {  	[smem:$0x3F95] =	sst s0  }
0x9: {  	[smem:$0x3F96] =	sst s1  }
0xa: {  	[smem:$0x3F97] =	sst s2  }
0xb: {  	[smem:$0x3F98] =	sst s3  }
0xc: {  	[smem:$0x3F99] =	sst s4  }
0xd: {  	[smem:$0x3F9A] =	sst s5  }
0xe: {  	[smem:$0x3F9B] =	sst s6  }
0xf: {  	[smem:$0x3F9C] =	sst s7  }
0x10: {  	[smem:$0x3F9D] =	sst s8  }
0x11: {  	[smem:$0x3F9E] =	sst s9;
	s0 =	simm.s32 @!p0 $0x0  }
0x12: {  	s1 =	sld [smem:$0x3F84];
	s0 =	simm.s32 @p0 $0x1  }
0x13: {  	[smem:$0x3F9F] =	sst s0;
	s0 =	simm.s32 @!p1 $0x0  }
0x14: {  	s2 =	sld [smem:$0x3F83];
	s0 =	simm.s32 @p1 $0x1  }
0x15: {  	[smem:$0x3FA0] =	sst s0;
	s0 =	simm.s32 @!p2 $0x0  }
0x16: {  	s3 =	sld [smem:$0x3FDB];
	s0 =	simm.s32 @p2 $0x1  }
0x17: {  	s4 =	simm.s32 $0x1BF5;
	[smem:$0x3FA2] =	sst s0  }
0x18: {  	s0 =	sld [smem:$0x3F85];
	_ =	swait.ge [sflag:s4], $0x0  }
0x19: {  	s7 =	sld [smem:$0x3F86]  }
0x1a: {  	s8 =	sadd.s32 $0xFFFFE003, lr  }
0x1b: {  	s9 =	sadd.s32 $0xFFFFFEF7, lr;
	s5 =	simm.s32 $0xFFFFFFFF;
	p2 =	slt.u32 s8, $0xFFFFF086  }
0x1c: {  	p1 =	slt.u32 s9, $0xF7A;
	s5 =	simm.s32 @!p2 $0x0  }
0x1d: {  	s5 =	simm.s32 @p1 $0x1;
	p0 =	seq.s32 s7, s2  }
0x1e: {  	s7 =	smul.u32 @!p0 $0xF7A, s2;
	p2 =	seq.s32 @!p0 s5, $0x0  }
0x1f: {  	s9 =	smul.u32 $0xF7A, s1;
	s8 =	simm.s32 @!p0 $0x1BF5;
	p2 =	por !p2, p0  }
0x20: {  	[sflag:s8] =	ssyncset.s32 @!p0 $0xFFFFF086;
	s6 =	sadd.s32 @!p0 s3, s7;
	s7 =	simm.s32 @!p0 $0x108  }
0x21: {  	s3 =	sadd.s32 s3, s9;
	s6 =	sadd.s32 @!p0 $0x88, s6;
	s7 =	simm.s32 @p2 $0x1082  }
0x22: {  	[simem:s7], [sflag:s8] =	dma.local @!p0 [hbm:s6], $0xF7A  }
0x23: {  	s9 =	sor.u32 $0xD0000000, s2;
	s6 =	simm.s32 $0x108;
	_ =	swait.ge @!p0 [sflag:s8], $0x0  }
0x24: {  	s3 =	sadd.s32 $0x88, s3;
	s6 =	simm.s32 @!p1 $0x1082;
	[sflag:s4] =	ssyncset.s32 $0xFFFFF086  }
0x25: {  	[simem:s6], [sflag:s4] =	dma.local [hbm:s3], $0xF7A  }
0x26: {  	[smem:$0x3F86] =	sst s1;
	(tag) =	ssettag s2;
	_ =	strace s9  }
0x27: {  	s1 =	sld [smem:$0x3F96]  }
0x28: {  	s2 =	sld [smem:$0x3F97]  }
0x29: {  	s4 =	sld [smem:$0x3F99]  }
0x2a: {  	p0 =	seq.s32 s5, $0x0;
	s5 =	sld [smem:$0x3F9A]  }
0x2b: {  	s6 =	sld [smem:$0x3F9B]  }
0x2c: {  	s7 =	sld [smem:$0x3F9C]  }
0x2d: {  	s3 =	simm.s32 $0x108;
	s8 =	sld [smem:$0x3F9D]  }
0x2e: {  	s3 =	simm.s32 @!p0 $0x1082;
	s9 =	sld [smem:$0x3F9E]  }
0x2f: {  	lr =	sadd.s32 s0, s3;
	s0 =	sld [smem:$0x3F95]  }
0x30: {  	s3 =	sld [smem:$0x3F98]  }
0x31: {  	[smem:$0x3FA1] =	sst s10  }
0x32: {  	s10 =	sld [smem:$0x3F9F];
	_ =	sdelay $0x3  }
0x33: {  	p0 =	seq.s32 s10, $0x1;
	s10 =	sld [smem:$0x3FA1];
	_ =	sdelay $0x3  }
0x34: {  	[smem:$0x3FA1] =	sst s10  }
0x35: {  	s10 =	sld [smem:$0x3FA0];
	_ =	sdelay $0x3  }
0x36: {  	p1 =	seq.s32 s10, $0x1;
	s10 =	sld [smem:$0x3FA1];
	_ =	sdelay $0x3  }
0x37: {  	[smem:$0x3FA1] =	sst s10  }
0x38: {  	s10 =	sld [smem:$0x3FA2]  }
0x39: {  	_ = 	snop;
	(pc) =	sbr.ind lr, $3  }
0x3a: {  	_ = 	snop  }
0x3b: {  	_ = 	snop  }
0x3c: {  	p2 =	seq.s32 s10, $0x1;
	s10 =	sld [smem:$0x3FA1]  }
0x3d: {  	_ =	shalt  }
0x3e: {  	_ =	shalt  }
0x3f: {  	_ =	shalt  }
0x40: {  	_ =	shalt  }
0x41: {  	_ =	shalt  }
0x42: {  	_ =	shalt  }
0x43: {  	_ =	shalt  }
0x44: {  	_ =	shalt  }
0x45: {  	_ =	shalt  }
0x46: {  	_ =	shalt  }
0x47: {  	_ =	shalt  }
0x48: {  	_ =	shalt  }
0x49: {  	_ =	shalt  }
0x4a: {  	_ =	shalt  }
0x4b: {  	_ =	shalt  }
0x4c: {  	_ =	shalt  }
0x4d: {  	_ =	shalt  }
0x4e: {  	_ =	shalt  }
0x4f: {  	_ =	shalt  }
0x50: {  	_ =	shalt  }
0x51: {  	_ =	shalt  }
0x52: {  	_ =	shalt  }
0x53: {  	_ =	shalt  }
0x54: {  	_ =	shalt  }
0x55: {  	_ =	shalt  }
0x56: {  	_ =	shalt  }
0x57: {  	_ =	shalt  }
0x58: {  	_ =	shalt  }
0x59: {  	_ =	shalt  }
0x5a: {  	_ =	shalt  }
0x5b: {  	_ =	shalt  }
0x5c: {  	_ =	shalt  }
0x5d: {  	_ =	shalt  }
0x5e: {  	_ =	shalt  }
0x5f: {  	_ =	shalt  }
0x60: {  	_ =	shalt  }
0x61: {  	_ =	shalt  }
0x62: {  	_ =	shalt  }
0x63: {  	_ =	shalt  }
0x64: {  	_ =	shalt  }
0x65: {  	_ =	shalt  }
0x66: {  	_ =	shalt  }
0x67: {  	_ =	shalt  }
0x68: {  	_ =	shalt  }
0x69: {  	_ =	shalt  }
0x6a: {  	_ =	shalt  }
0x6b: {  	_ =	shalt  }
0x6c: {  	_ =	shalt  }
0x6d: {  	_ =	shalt  }
0x6e: {  	_ =	shalt  }
0x6f: {  	_ =	shalt  }
0x70: {  	_ =	shalt  }
0x71: {  	_ =	shalt  }
0x72: {  	_ =	shalt  }
0x73: {  	_ =	shalt  }
0x74: {  	_ =	shalt  }
0x75: {  	_ =	shalt  }
0x76: {  	_ =	shalt  }
0x77: {  	_ =	shalt  }
0x78: {  	_ =	shalt  }
0x79: {  	_ =	shalt  }
0x7a: {  	_ =	shalt  }
0x7b: {  	_ =	shalt  }
0x7c: {  	_ =	shalt  }
0x7d: {  	_ =	shalt  }
0x7e: {  	_ =	shalt  }
0x7f: {  	_ =	shalt  }
0x80: {  	_ =	shalt  }
0x81: {  	_ =	shalt  }
0x82: {  	_ =	shalt  }
0x83: {  	_ =	shalt  }
0x84: {  	_ =	shalt  }
0x85: {  	_ =	shalt  }
0x86: {  	_ =	shalt  }
0x87: {  	_ =	shalt  }
.Lfunc_end0:
.L_simem_size_0:
called_computation.1_lowered:
.L_overlay_start_0:
0x88: {  	s2 =	sld [smem:$0x3FD9]  }
0x89: {  	s3 =	sld [smem:$0x3FFE];
	_ =	sdelay $0x1  }
0x8a: {  	s1 =	srdreg.scid  }
0x8b: {  	s0 =	sand.u32 $0x1, s1  }
0x8c: {  	s17 =	sshll.u32 s0, $0xA;
	s2 =	sadd.s32 s3, s2  }
0x8d: {  	s2 =	sadd.s32 s2, s17  }
0x8e: {  	[smem:$0x3FAD] =	sst s2  }
0x8f: {  	_ = 	snop  }
0x90: {  	s18 =	sld [smem:$0x3FC9];
	(tm) =	ssettm $0x1  }
0x91: {  	s19 =	sld [smem:$0x3FFB];
	_ =	sdelay $0x3  }
0x92: {  	_ =	strace s19  }
0x93: {  	s2 =	sld [smem:$0x3FFC];
	_ =	sdelay $0x3  }
0x94: {  	_ =	strace s2  }
0x95: {  	s2 =	sld [smem:$0x3FFD];
	_ =	sdelay $0x3  }
0x96: {  	_ =	strace s2  }
0x97: {  	_ =	strace $0x8FFFFFFF  }
0x98: {  	s20 =	sld [smem:$0x3FDB];
	_ =	sdelay $0x1  }
0x99: {  	s4 =	simm.s32 $_scs_section_size  }
0x9a: {  	s5 =	simm.s32 $_size__tile_overlayer_lowered;
	s6 =	simm.s32 $_tile_overlayer_lowered  }
0x9b: {  	s7 =	simm.s32 $0x1BFF;
	s21 =	sshll.u32 s6, $0x1;
	s4 =	sadd.s32 s4, s20  }
0x9c: {  	s22 =	simm.s32 $0x0;
	s5 =	sshll.u32 s5, $0x1;
	s6 =	sadd.s32 s21, s4  }
0x9d: {  	[timem:s22], [sflag:s7] =	dma.local [hbm:s6], s5  }
0x9e: {  	_ =	swait.ge [sflag:s7], s5  }
0x9f: {  	s5 =	ssub.s32 $0x0, s5;
	[sflag:s7] =	ssyncset.done $0x0  }
0xa0: {  	[sflag:s7] =	ssyncadd.s32 s5;
	_ =	sdelay $0x1  }
0xa1: {  	s23 =	simm.s32 $0x1B8B  }
0xa2: {  	_ =	swait.ge [sflag:s23], $0x1  }
0xa3: {  	[sflag:s23] =	ssyncset.done $0x0  }
0xa4: {  	[sflag:s23] =	ssyncadd.s32 $0xFFFFFFFF  }
0xa5: {  	s5 =	sld [smem:$0x0]  }
0xa6: {  	s6 =	sand.u32 $0xFFFFFFFE, s1  }
0xa7: {  	p0 =	sne.s32 s1, s6  }
0xa8: {  	s6 =	sshll.u32 @p0 s6, $0xE  }
0xa9: {  	s6 =	sadd.s32 @p0 $0x11B8D, s6;
	s7 =	sshll.u32 @p0 s5, $0x11  }
0xaa: {  	s6 =	sor.u32 @p0 s7, s6  }
0xab: {  	[sflag:s6] =	ssyncadd.remote.s32 @p0 $0x1;
	_ =	sdelay $0x1  }
0xac: {  	s6 =	simm.s32 @p0 $0x1B8D  }
0xad: {  	_ =	swait.eq @p0 [sflag:s6], $0x1  }
0xae: {  	[sflag:s6] =	ssyncadd.s32 @p0 $0xFFFFFFFF  }
0xaf: {  	s7 =	sshll.u32 @!p0 s1, $0xE  }
0xb0: {  	s7 =	sor.u32 @!p0 $0x4000, s7;
	s6 =	simm.s32 @!p0 $0x1B8D  }
0xb1: {  	s5 =	sshll.u32 @!p0 s5, $0x11;
	s7 =	sadd.s32 @!p0 $0x11B8D, s7;
	_ =	swait.eq @!p0 [sflag:s6], $0x1  }
0xb2: {  	s5 =	sor.u32 @!p0 s5, s7;
	[sflag:s6] =	ssyncadd.s32 @!p0 $0xFFFFFFFF  }
0xb3: {  	s25 =	simm.s32 $0x1B8E;
	s24 =	sld [smem:$0x3FFE];
	[sflag:s5] =	ssyncadd.remote.s32 @!p0 $0x1  }
0xb4: {  	s26 =	simm.s32 $execute0_lowered;
	[smem:$0x3FD2] =	sst s25  }
0xb5: {  	s6 =	sshll.u32 s26, $0x1;
	_ =	strace $0x80000049;
	[dreg:$0x1] =	wrdreg $0xFFFFFFFF  }
0xb6: {  	s28 =	simm.s32 $_size_execute0_lowered;
	s4 =	sadd.s32 s4, s6;
	[dreg:$0x0] =	wrdreg $0x0  }
0xb7: {  	s6 =	sshll.u32 s28, $0x1;
	[dreg:$0x2] =	wrdreg s4  }
0xb8: {  	[dreg:$0x3] =	wrdreg s6  }
0xb9: {  	[dreg:$0x4] =	wrdreg $0xC0  }
0xba: {  	_ =	task [dreg:s22], $0x5FFFF  }
0xbb: {  	[dreg:$0x1] =	wrdreg $0xFFFFFFFF  }
0xbc: {  	[dreg:$0x0] =	wrdreg $0x60  }
0xbd: {  	[dreg:$0x2] =	wrdreg s18  }
0xbe: {  	[dreg:$0x3] =	wrdreg s24  }
0xbf: {  	[dreg:$0x4] =	wrdreg $0x12B400  }
0xc0: {  	[dreg:$0x5] =	wrdreg $0x8F000  }
0xc1: {  	[dreg:$0x6] =	wrdreg $0xA  }
0xc2: {  	_ =	task.clear_ibuf [dreg:s22], $0x7FFFF;
	_ =	strace $0x90000049  }
0xc3: {  	s29 =	simm.s32 $0xA;
	_ =	strace $0x8000004B  }
0xc4: {  	_ =	swait.ge [sflag:s29], $0x1  }
0xc5: {  	[sflag:s29] =	ssyncadd.s32 $0xFFFFFFFF  }
0xc6: {  	_ =	strace $0x9000004B  }
0xc7: {  	_ =	sfence  }
0xc8: {  	s30 =	sld [smem:$0x0];
	_ =	sdelay $0x2  }
0xc9: {  	s31 =	sshll.u32 s1, $0xD;
	s1 =	sshrl.u32 s1, $0x2  }
0xca: {  	s4 =	sand.u32 $0x4000, s31;
	s1 =	sadd.s32 s1, s30  }
0xcb: {  	s0 =	sor.u32 s4, s0;
	s1 =	sshll.u32 s1, $0x11  }
0xcc: {  	s0 =	sor.u32 s1, s0  }
0xcd: {  	s0 =	sadd.s32 $0x8F2B, s0  }
0xce: {  	[sflag:s0] =	ssyncadd.remote.s32 $0x1  }
0xcf: {  	_ =	sfence.sel $0xFFFF  }
0xd0: {  	[dreg:$0x0] =	wrdreg $0xFFFFFFFF;
	(pc) =	sbr.abs _section_cstart, $3  }
0xd1: {  	[dreg:$0x1] =	wrdreg $0xFFFFFFFF  }
0xd2: {  	_ =	task.clear_ibuf [dreg:s22], $0x2FFFF;
	_ =	strace $0x9FFFFFFF  }
0xd3: {  	(tm) =	ssettm $0x7FFFFFFF  }
tec
execute0_lowered:
.L_overlay_start_1:
0x0: {  	(tag) =	ssettag $0x1  }
0x1: {  	s7 =	rddreg [dreg:$0x0]  }
0x2: {  	s0 =	srdreg.scid;
	s6 =	rddreg [dreg:$0x1]  }
0x3: {  	s2 =	rddreg [dreg:$0x2];
	s23 =	stileid.u32  }
0x4: {  	s3 =	rddreg [dreg:$0x3];
	s4 =	simm.s32 $0x0;
	s19 =	simm.s32 $0x10  }
0x5: {  	s20 =	simm.s32 $0x2780;
	s21 =	simm.s32 $0x80;
	s22 =	simm.s32 $0x4F00  }
0x6: {  	s28 =	simm.s32 $0x4E00;
	s29 =	simm.s32 $0x0;
	s10 =	smul.u32 $0x9E00, s23  }
0x7: {  	s8 =	sand.u32 $0x1, s0;
	[smem:$0x7FF] =	sst s4;
	s12 =	smul.u32 $0x27100, s23  }
0x8: {  	s26 =	smul.u32 $0x2710, s23;
	s30 =	sshll.u32 s23, $0x6;
	s1 =	sshll.u32 s8, $0x4  }
0x9: {  	s24 =	smul.u32 $0x9E000, s8;
	_ =	strace $0x8000004A;
	s8 =	ssub.s32 $0x2, s8  }
0xa: {  	s14 =	sor.u32 s23, s1;
	s25 =	sshrl.u32 s8, $0x1;
	s16 =	sadd.s32 s10, s2  }
0xb: {  	s31 =	sshrl.u32 s12, $0x2;
	s7 =	sadd.s32 s26, s7;
	s23 =	simm.s32 $0x6F00  }
0xc: {  	s26 =	simm.s32 $0x4D80;
	s5 =	smul.u32 $0x4E, s14;
	s9 =	smin.u32 s14, $0x4  }
0xd: {  	s15 =	ssub.s32 s8, s25;
	s17 =	sadd.s32 s31, s3;
	s7 =	sadd.s32 $0x8, s7  }
0xe: {  	p0 =	sgt.u32 s14, $0x3;
	s14 =	sshrl.u32 s16, $0x3;
	s25 =	simm.s32 $0x2680  }
0xf: {  	s16 =	sshrl.u32 s17, $0x3;
	s17 =	simm.s32 $0x1;
	s5 =	sadd.s32 s9, s5  }
0x10: {  	s9 =	sadd.s32 s10, s24;
	s24 =	simm.s32 $0x2;
	s5 =	sshll.u32 s5, $0x4  }
0x11: {  	s9 =	sshrl.u32 s9, $0x3;
	s11 =	sadd.s32 s5, s6;
	s5 =	sadd.s32 $0x18400, s6  }
0x12: {  	s13 =	sadd.s32 s9, s6;
	s6 =	sor.u32 $0x1C03, s30;
	s8 =	sadd.s32 $0x4A00, s11  }
0x13: {  	s9 =	sadd.s32 $0xE640, s11;
	s10 =	sadd.s32 $0x4EE0, s11;
	s11 =	sadd.s32 $0xEB20, s11  }
0x14: {  	s12 =	sadd.s32 $0x41000, s13;
	s13 =	smax.u32 s15, $0x1;
	s15 =	simm.s32 $0x3  }
.LBB2_1:
0x15: {  	[spmem:s14], [sflag:s6] =	dma.local [hbm:s5], $0x13C0  }
0x16: {  	_ =	swait.ge [sflag:s15], $0x13C0  }
0x17: {  	[sflag:s15] =	ssyncset.done $0x0  }
0x18: {  	s0 =	simm.s32 $0x8;
	[sflag:s15] =	ssyncadd.s32 $0xFFFFEC40  }
0x19: {  	[spmem:s16@s0], [sflag:s6] =	dma.strided [hbm:s7@s19], $0x1388, s17, $0x8   }
0x1a: {  	_ =	swait.ge [sflag:s15], $0x1388  }
0x1b: {  	[sflag:s15] =	ssyncset.done $0x0  }
0x1c: {  	[sflag:s15] =	ssyncadd.s32 $0xFFFFEC78  }
0x1d: {  	[tilespmem:s4], [sflag:$0x3] =	stream.linear.gather [hbm4b:s8+s4], $0x2700, $0x38;
	[tilespmem:$0x1C940] =	vst v63  }
0x1e: {  	_ =	swait.ge [sflag:s15], $0x2700  }
0x1f: {  	[sflag:s15] =	ssyncset.done $0x0  }
0x20: {  	[sflag:s15] =	ssyncadd.s32 $0xFFFFD900  }
0x21: {  	[tilespmem:s20], [sflag:$0x3] =	stream.linear.gather [hbm4b:s9+s4], $0x2700, $0x38;
	[tilespmem:$0x1C940] =	vst v63  }
0x22: {  	_ =	swait.ge [sflag:s15], $0x2700  }
0x23: {  	[sflag:s15] =	ssyncset.done $0x0  }
0x24: {  	s30 =	simm.s32 @!p0 $0x0;
	s31 =	simm.s32 @!p0 $0x2700;
	[sflag:s15] =	ssyncadd.s32 $0xFFFFD900  }
0x25: {  	[tilespmem:s31], [sflag:$0x3] =	stream.linear.gather @!p0 [hbm4b:s10+s30], $0x80, $0x38;
	[tilespmem:$0x1C940] =	vst v63  }
0x26: {  	s31 =	simm.s32 @!p0 $0x3  }
0x27: {  	_ =	swait.ge @!p0 [sflag:s31], $0x80  }
0x28: {  	[sflag:s31] =	ssyncset.done @!p0 $0x0  }
0x29: {  	s1 =	simm.s32 @!p0 $0x4E80;
	[sflag:s31] =	ssyncadd.s32 @!p0 $0xFFFFFF80  }
0x2a: {  	[tilespmem:s1], [sflag:$0x3] =	stream.linear.gather @!p0 [hbm4b:s11+s30], $0x80, $0x38;
	[tilespmem:$0x1C940] =	vst v63  }
0x2b: {  	_ =	swait.ge @!p0 [sflag:s31], $0x80  }
0x2c: {  	[sflag:s31] =	ssyncset.done @!p0 $0x0  }
0x2d: {  	[sflag:s31] =	ssyncadd.s32 @!p0 $0xFFFFFF80  }
0x2e: {  	[bflag:$0x0] =	sbarrier.arrive $0xFFFF  }
0x2f: {  	[tilespmem:s22], [sflag:$0x1] =	stream.indirect.gather [spmem:s3], $0x40, s4, s21, $0xb8;
	[tilespmem:$0x1C940] =	vst v63  }
0x30: {  	s0 =	simm.s32 $0x80  }
0x31: {  	[tilespmem:s23], [sflag:$0x2] =	stream.indirect.gather [spmem:s3], $0x40, s0, s21, $0xb8;
	[tilespmem:$0x1C940] =	vst v63  }
0x32: {  	_ =	swait.ge [sflag:s17], $0x2000  }
0x33: {  	[sflag:s17] =	ssyncset.done $0x0  }
0x34: {  	s18 =	simm.s32 $0x2780;
	[sflag:s17] =	ssyncadd.s32 $0xFFFFE000  }
0x35: {  	[spmem:s2] =	stream.indirect.scatter.add.f32 [tilespmem:s22], [sflag:$0x3], $0x40, s18, s21, $0xb8;
	[tilespmem:$0x1C940] =	vst v63  }
0x36: {  	_ =	swait.ge [sflag:s15], $0x2000  }
0x37: {  	[sflag:s15] =	ssyncset.done $0x0  }
0x38: {  	s0 =	simm.s32 $0x100;
	[sflag:s15] =	ssyncadd.s32 $0xFFFFE000  }
0x39: {  	[tilespmem:s22], [sflag:$0x1] =	stream.indirect.gather [spmem:s3], $0x40, s0, s21, $0xb8;
	[tilespmem:$0x1C940] =	vst v63  }
0x3a: {  	_ =	swait.ge [sflag:s24], $0x2000  }
0x3b: {  	[sflag:s24] =	ssyncset.done $0x0  }
0x3c: {  	s18 =	simm.s32 $0x2800;
	[sflag:s24] =	ssyncadd.s32 $0xFFFFE000  }
0x3d: {  	[spmem:s2] =	stream.indirect.scatter.add.f32 [tilespmem:s23], [sflag:$0x3], $0x40, s18, s21, $0xb8;
	[tilespmem:$0x1C940] =	vst v63  }
0x3e: {  	_ =	swait.ge [sflag:s15], $0x2000  }
0x3f: {  	s30 =	simm.s32 $0x100;
	s31 =	simm.s32 $0x800;
	[sflag:s15] =	ssyncset.done $0x0  }
.LBB2_2:
0x40: {  	s1 =	sadd.s32 $0x80, s30  }
0x41: {  	[sflag:s15] =	ssyncadd.s32 $0xFFFFE000;
	s0 =	smov.u32 s31;
	s18 =	sadd.s32 $0x400, s31  }
0x42: {  	[tilespmem:s23], [sflag:$0x2] =	stream.indirect.gather [spmem:s3], $0x40, s1, s21, $0xb8;
	[tilespmem:$0x1C940] =	vst v63  }
0x43: {  	p1 =	sne.s32 s31, $0x9400;
	_ =	swait.ge [sflag:s17], $0x2000  }
0x44: {  	[sflag:s17] =	ssyncset.done $0x0  }
0x45: {  	s1 =	sadd.s32 $0x2780, s30;
	[sflag:s17] =	ssyncadd.s32 $0xFFFFE000  }
0x46: {  	[spmem:s2] =	stream.indirect.scatter.add.f32 [tilespmem:s22], [sflag:$0x3], $0x40, s1, s21, $0xb8;
	[tilespmem:$0x1C940] =	vst v63  }
0x47: {  	_ =	swait.ge [sflag:s15], $0x2000  }
0x48: {  	[sflag:s15] =	ssyncset.done $0x0  }
0x49: {  	s1 =	sadd.s32 $0x100, s30;
	[sflag:s15] =	ssyncadd.s32 $0xFFFFE000  }
0x4a: {  	[tilespmem:s22], [sflag:$0x1] =	stream.indirect.gather [spmem:s3], $0x40, s1, s21, $0xb8;
	[tilespmem:$0x1C940] =	vst v63  }
0x4b: {  	_ =	swait.ge [sflag:s24], $0x2000  }
.Ltmp0:
0x4c: {  	[sflag:s24] =	ssyncset.done $0x0;
	(pc) =	sbr.rel @p1 .LBB2_2-.Ltmp0, $4  }
0x4d: {  	s1 =	sadd.s32 $0x2800, s30;
	[sflag:s24] =	ssyncadd.s32 $0xFFFFE000  }
0x4e: {  	[spmem:s2] =	stream.indirect.scatter.add.f32 [tilespmem:s23], [sflag:$0x3], $0x40, s1, s21, $0xb8;
	[tilespmem:$0x1C940] =	vst v63  }
0x4f: {  	_ =	swait.ge [sflag:s15], $0x2000  }
0x50: {  	s31 =	smov.u32 s18;
	s30 =	sshra.s32 s0, $0x2;
	[sflag:s15] =	ssyncset.done $0x0  }
0x51: {  	s0 =	sadd.s32 $0x80, s30;
	[sflag:s15] =	ssyncadd.s32 $0xFFFFE000  }
0x52: {  	[tilespmem:s23], [sflag:$0x2] =	stream.indirect.gather [spmem:s3], $0x40, s0, s21, $0xb8;
	[tilespmem:$0x1C940] =	vst v63  }
0x53: {  	_ =	swait.ge [sflag:s17], $0x2000  }
0x54: {  	[sflag:s17] =	ssyncset.done $0x0  }
0x55: {  	s1 =	sadd.s32 $0x2780, s30;
	[sflag:s17] =	ssyncadd.s32 $0xFFFFE000  }
0x56: {  	[spmem:s2] =	stream.indirect.scatter.add.f32 [tilespmem:s22], [sflag:$0x3], $0x40, s1, s21, $0xb8;
	[tilespmem:$0x1C940] =	vst v63  }
0x57: {  	_ =	swait.ge [sflag:s15], $0x2000  }
0x58: {  	[sflag:s15] =	ssyncset.done $0x0  }
0x59: {  	s18 =	sadd.s32 $0x100, s30;
	[sflag:s15] =	ssyncadd.s32 $0xFFFFE000  }
0x5a: {  	[tilespmem:s22], [sflag:$0x1] =	stream.indirect.gather [spmem:s3], $0x40, s18, s21, $0xb8;
	[tilespmem:$0x1C940] =	vst v63  }
0x5b: {  	_ =	swait.ge [sflag:s24], $0x2000  }
0x5c: {  	[sflag:s24] =	ssyncset.done $0x0  }
0x5d: {  	s31 =	sadd.s32 $0x2800, s30;
	[sflag:s24] =	ssyncadd.s32 $0xFFFFE000  }
0x5e: {  	[spmem:s2] =	stream.indirect.scatter.add.f32 [tilespmem:s23], [sflag:$0x3], $0x40, s31, s21, $0xb8;
	[tilespmem:$0x1C940] =	vst v63  }
0x5f: {  	_ =	swait.ge [sflag:s15], $0x2000  }
0x60: {  	[sflag:s15] =	ssyncset.done $0x0  }
0x61: {  	[sflag:s15] =	ssyncadd.s32 $0xFFFFE000  }
0x62: {  	[tilespmem:s23], [sflag:$0x2] =	stream.indirect.gather [spmem:s3], $0x40, s25, s21, $0xb8;
	[tilespmem:$0x1C940] =	vst v63  }
0x63: {  	_ =	swait.ge [sflag:s17], $0x2000  }
0x64: {  	[sflag:s17] =	ssyncset.done $0x0  }
0x65: {  	[sflag:s17] =	ssyncadd.s32 $0xFFFFE000  }
0x66: {  	[spmem:s2] =	stream.indirect.scatter.add.f32 [tilespmem:s22], [sflag:$0x3], $0x40, s26, s21, $0xb8;
	[tilespmem:$0x1C940] =	vst v63  }
0x67: {  	_ =	swait.ge [sflag:s15], $0x2000  }
0x68: {  	[sflag:s15] =	ssyncset.done $0x0  }
0x69: {  	[sflag:s15] =	ssyncadd.s32 $0xFFFFE000  }
0x6a: {  	_ =	swait.ge [sflag:s24], $0x2000  }
0x6b: {  	[sflag:s24] =	ssyncset.done $0x0  }
0x6c: {  	[sflag:s24] =	ssyncadd.s32 $0xFFFFE000  }
0x6d: {  	[spmem:s2] =	stream.indirect.scatter.add.f32 [tilespmem:s23], [sflag:$0x3], $0x40, s28, s21, $0xb8;
	[tilespmem:$0x1C940] =	vst v63  }
0x6e: {  	_ =	swait.ge [sflag:s15], $0x2000  }
0x6f: {  	s0 =	simm.s32 @!p0 $0x80;
	[sflag:s15] =	ssyncset.done $0x0  }
0x70: {  	s1 =	simm.s32 @!p0 $0x2700;
	s18 =	simm.s32 @!p0 $0x4F00;
	[sflag:s15] =	ssyncadd.s32 $0xFFFFE000  }
0x71: {  	[tilespmem:s18], [sflag:$0x1] =	stream.indirect.gather @!p0 [spmem:s3], $0x40, s1, s0, $0xb8;
	[tilespmem:$0x1C940] =	vst v63  }
0x72: {  	s1 =	simm.s32 @!p0 $0x1  }
0x73: {  	_ =	swait.ge @!p0 [sflag:s1], $0x2000  }
0x74: {  	[sflag:s1] =	ssyncset.done @!p0 $0x0  }
0x75: {  	[sflag:s1] =	ssyncadd.s32 @!p0 $0xFFFFE000;
	s1 =	simm.s32 @!p0 $0x4E80  }
0x76: {  	[spmem:s2] =	stream.indirect.scatter.add.f32 @!p0 [tilespmem:s18], [sflag:$0x3], $0x40, s1, s0, $0xb8;
	[tilespmem:$0x1C940] =	vst v63  }
0x77: {  	s0 =	simm.s32 @!p0 $0x3  }
0x78: {  	_ =	swait.ge @!p0 [sflag:s0], $0x2000  }
0x79: {  	s29 =	sadd.s32 $0x1, s29;
	[sflag:s0] =	ssyncset.done @!p0 $0x0  }
0x7a: {  	p1 =	sne.s32 s29, s13;
	[sflag:s0] =	ssyncadd.s32 @!p0 $0xFFFFE000  }
.Ltmp1:
0x7b: {  	[bflag:$0x0] =	sbarrier.arrive $0xFFFF;
	(pc) =	sbr.rel @p1 .LBB2_1-.Ltmp1, $4  }
0x7c: {  	[hbm:s12], [sflag:s6] =	dma.local [spmem:s14], $0x13C0  }
0x7d: {  	_ =	swait.ge [sflag:s15], $0x13C0  }
0x7e: {  	[sflag:s15] =	ssyncset.done $0x0  }
0x7f: {  	[sflag:s15] =	ssyncadd.s32 $0xFFFFEC40  }
0x80: {  	_ =	sfence.sel $0x180000  }
0x81: {  	[bflag:$0x0] =	sbarrier.arrive $0xFFFF  }
0x82: {  	_ =	strace $0x9000004A  }
0x83: {  	s0 =	stileid.u32;
	[bflag:$0x2] =	sbarrier.arrive $0xFFFF  }
0x84: {  	p0 =	sne.s32 s0, $0x0;
	s0 =	rddreg [dreg:$0x4]  }
0x85: {  	s0 =	sadd.s32 @!p0 $0x100000, s0  }
0x86: {  	[sflag:s0] =	ssyncadd.tile.s32 @!p0 $0x1;
	_ =	shalt  }
.Lfunc_end2:
_tile_overlayer_lowered:
.L_overlay_start_2:
0x87: {  	(tag) =	ssettag $0x2  }
0x88: {  	s0 =	rddreg [dreg:$0x0];
	s2 =	stileid.u32  }
0x89: {  	s1 =	rddreg [dreg:$0x1];
	p0 =	sne.s32 s2, $0x0  }
0x8a: {  	s3 =	rddreg [dreg:$0x2];
	[bflag:$0x3] =	sbarrier.arrive $0xFFFF;
	s2 =	simm.s32 @!p0 $0x1C03  }
0x8b: {  	[timem:s3], [sflag:s2] =	dma.local @!p0 [hbm:s0], s1  }
0x8c: {  	s0 =	simm.s32 @!p0 $0x3  }
0x8d: {  	_ =	swait.ge @!p0 [sflag:s0], s1  }
0x8e: {  	s1 =	ssub.s32 @!p0 $0x0, s1;
	[sflag:s0] =	ssyncset.done @!p0 $0x0  }
0x8f: {  	[sflag:s0] =	ssyncadd.s32 @!p0 s1  }
0x90: {  	[bflag:$0x3] =	sbarrier.arrive $0xFFFF  }
0x91: {  	_ =	shalt  }

// kernel: kernel.15.cloned.1.call-start
scs
__scs_entry_jumppad:
0x0: {  	(pc) =	sbr.rel $0x88, $3  }
0x1: {  	(tag) =	ssettag $0x0;
	lr =	simm.s32 $0x1  }
0x2: {  	[smem:$0x3F86] =	sst lr;
	_ =	strace $0xD0000000  }
0x3: {  	_ = 	snop  }
0x4: {  	_ = 	snop  }
0x5: {  	_ = 	snop  }
0x6: {  	_ = 	snop  }
0x7: {  	_ = 	snop  }
__scs_overlays_trampoline_lowered:
0x8: {  	[smem:$0x3F95] =	sst s0  }
0x9: {  	[smem:$0x3F96] =	sst s1  }
0xa: {  	[smem:$0x3F97] =	sst s2  }
0xb: {  	[smem:$0x3F98] =	sst s3  }
0xc: {  	[smem:$0x3F99] =	sst s4  }
0xd: {  	[smem:$0x3F9A] =	sst s5  }
0xe: {  	[smem:$0x3F9B] =	sst s6  }
0xf: {  	[smem:$0x3F9C] =	sst s7  }
0x10: {  	[smem:$0x3F9D] =	sst s8  }
0x11: {  	[smem:$0x3F9E] =	sst s9;
	s0 =	simm.s32 @!p0 $0x0  }
0x12: {  	s1 =	sld [smem:$0x3F84];
	s0 =	simm.s32 @p0 $0x1  }
0x13: {  	[smem:$0x3F9F] =	sst s0;
	s0 =	simm.s32 @!p1 $0x0  }
0x14: {  	s2 =	sld [smem:$0x3F83];
	s0 =	simm.s32 @p1 $0x1  }
0x15: {  	[smem:$0x3FA0] =	sst s0;
	s0 =	simm.s32 @!p2 $0x0  }
0x16: {  	s3 =	sld [smem:$0x3FDB];
	s0 =	simm.s32 @p2 $0x1  }
0x17: {  	s4 =	simm.s32 $0x1BF5;
	[smem:$0x3FA2] =	sst s0  }
0x18: {  	s0 =	sld [smem:$0x3F85];
	_ =	swait.ge [sflag:s4], $0x0  }
0x19: {  	s7 =	sld [smem:$0x3F86]  }
0x1a: {  	s8 =	sadd.s32 $0xFFFFE003, lr  }
0x1b: {  	s9 =	sadd.s32 $0xFFFFFEF7, lr;
	s5 =	simm.s32 $0xFFFFFFFF;
	p2 =	slt.u32 s8, $0xFFFFF086  }
0x1c: {  	p1 =	slt.u32 s9, $0xF7A;
	s5 =	simm.s32 @!p2 $0x0  }
0x1d: {  	s5 =	simm.s32 @p1 $0x1;
	p0 =	seq.s32 s7, s2  }
0x1e: {  	s7 =	smul.u32 @!p0 $0xF7A, s2;
	p2 =	seq.s32 @!p0 s5, $0x0  }
0x1f: {  	s9 =	smul.u32 $0xF7A, s1;
	s8 =	simm.s32 @!p0 $0x1BF5;
	p2 =	por !p2, p0  }
0x20: {  	[sflag:s8] =	ssyncset.s32 @!p0 $0xFFFFF086;
	s6 =	sadd.s32 @!p0 s3, s7;
	s7 =	simm.s32 @!p0 $0x108  }
0x21: {  	s3 =	sadd.s32 s3, s9;
	s6 =	sadd.s32 @!p0 $0x88, s6;
	s7 =	simm.s32 @p2 $0x1082  }
0x22: {  	[simem:s7], [sflag:s8] =	dma.local @!p0 [hbm:s6], $0xF7A  }
0x23: {  	s9 =	sor.u32 $0xD0000000, s2;
	s6 =	simm.s32 $0x108;
	_ =	swait.ge @!p0 [sflag:s8], $0x0  }
0x24: {  	s3 =	sadd.s32 $0x88, s3;
	s6 =	simm.s32 @!p1 $0x1082;
	[sflag:s4] =	ssyncset.s32 $0xFFFFF086  }
0x25: {  	[simem:s6], [sflag:s4] =	dma.local [hbm:s3], $0xF7A  }
0x26: {  	[smem:$0x3F86] =	sst s1;
	(tag) =	ssettag s2;
	_ =	strace s9  }
0x27: {  	s1 =	sld [smem:$0x3F96]  }
0x28: {  	s2 =	sld [smem:$0x3F97]  }
0x29: {  	s4 =	sld [smem:$0x3F99]  }
0x2a: {  	p0 =	seq.s32 s5, $0x0;
	s5 =	sld [smem:$0x3F9A]  }
0x2b: {  	s6 =	sld [smem:$0x3F9B]  }
0x2c: {  	s7 =	sld [smem:$0x3F9C]  }
0x2d: {  	s3 =	simm.s32 $0x108;
	s8 =	sld [smem:$0x3F9D]  }
0x2e: {  	s3 =	simm.s32 @!p0 $0x1082;
	s9 =	sld [smem:$0x3F9E]  }
0x2f: {  	lr =	sadd.s32 s0, s3;
	s0 =	sld [smem:$0x3F95]  }
0x30: {  	s3 =	sld [smem:$0x3F98]  }
0x31: {  	[smem:$0x3FA1] =	sst s10  }
0x32: {  	s10 =	sld [smem:$0x3F9F];
	_ =	sdelay $0x3  }
0x33: {  	p0 =	seq.s32 s10, $0x1;
	s10 =	sld [smem:$0x3FA1];
	_ =	sdelay $0x3  }
0x34: {  	[smem:$0x3FA1] =	sst s10  }
0x35: {  	s10 =	sld [smem:$0x3FA0];
	_ =	sdelay $0x3  }
0x36: {  	p1 =	seq.s32 s10, $0x1;
	s10 =	sld [smem:$0x3FA1];
	_ =	sdelay $0x3  }
0x37: {  	[smem:$0x3FA1] =	sst s10  }
0x38: {  	s10 =	sld [smem:$0x3FA2]  }
0x39: {  	_ = 	snop;
	(pc) =	sbr.ind lr, $3  }
0x3a: {  	_ = 	snop  }
0x3b: {  	_ = 	snop  }
0x3c: {  	p2 =	seq.s32 s10, $0x1;
	s10 =	sld [smem:$0x3FA1]  }
0x3d: {  	_ =	shalt  }
0x3e: {  	_ =	shalt  }
0x3f: {  	_ =	shalt  }
0x40: {  	_ =	shalt  }
0x41: {  	_ =	shalt  }
0x42: {  	_ =	shalt  }
0x43: {  	_ =	shalt  }
0x44: {  	_ =	shalt  }
0x45: {  	_ =	shalt  }
0x46: {  	_ =	shalt  }
0x47: {  	_ =	shalt  }
0x48: {  	_ =	shalt  }
0x49: {  	_ =	shalt  }
0x4a: {  	_ =	shalt  }
0x4b: {  	_ =	shalt  }
0x4c: {  	_ =	shalt  }
0x4d: {  	_ =	shalt  }
0x4e: {  	_ =	shalt  }
0x4f: {  	_ =	shalt  }
0x50: {  	_ =	shalt  }
0x51: {  	_ =	shalt  }
0x52: {  	_ =	shalt  }
0x53: {  	_ =	shalt  }
0x54: {  	_ =	shalt  }
0x55: {  	_ =	shalt  }
0x56: {  	_ =	shalt  }
0x57: {  	_ =	shalt  }
0x58: {  	_ =	shalt  }
0x59: {  	_ =	shalt  }
0x5a: {  	_ =	shalt  }
0x5b: {  	_ =	shalt  }
0x5c: {  	_ =	shalt  }
0x5d: {  	_ =	shalt  }
0x5e: {  	_ =	shalt  }
0x5f: {  	_ =	shalt  }
0x60: {  	_ =	shalt  }
0x61: {  	_ =	shalt  }
0x62: {  	_ =	shalt  }
0x63: {  	_ =	shalt  }
0x64: {  	_ =	shalt  }
0x65: {  	_ =	shalt  }
0x66: {  	_ =	shalt  }
0x67: {  	_ =	shalt  }
0x68: {  	_ =	shalt  }
0x69: {  	_ =	shalt  }
0x6a: {  	_ =	shalt  }
0x6b: {  	_ =	shalt  }
0x6c: {  	_ =	shalt  }
0x6d: {  	_ =	shalt  }
0x6e: {  	_ =	shalt  }
0x6f: {  	_ =	shalt  }
0x70: {  	_ =	shalt  }
0x71: {  	_ =	shalt  }
0x72: {  	_ =	shalt  }
0x73: {  	_ =	shalt  }
0x74: {  	_ =	shalt  }
0x75: {  	_ =	shalt  }
0x76: {  	_ =	shalt  }
0x77: {  	_ =	shalt  }
0x78: {  	_ =	shalt  }
0x79: {  	_ =	shalt  }
0x7a: {  	_ =	shalt  }
0x7b: {  	_ =	shalt  }
0x7c: {  	_ =	shalt  }
0x7d: {  	_ =	shalt  }
0x7e: {  	_ =	shalt  }
0x7f: {  	_ =	shalt  }
0x80: {  	_ =	shalt  }
0x81: {  	_ =	shalt  }
0x82: {  	_ =	shalt  }
0x83: {  	_ =	shalt  }
0x84: {  	_ =	shalt  }
0x85: {  	_ =	shalt  }
0x86: {  	_ =	shalt  }
0x87: {  	_ =	shalt  }
.Lfunc_end0:
.L_simem_size_0:
called_computation.2_lowered:
.L_overlay_start_0:
0x88: {  	s2 =	sld [smem:$0x3FD9]  }
0x89: {  	s3 =	sld [smem:$0x3FFE];
	_ =	sdelay $0x1  }
0x8a: {  	s1 =	srdreg.scid  }
0x8b: {  	s0 =	sand.u32 $0x1, s1  }
0x8c: {  	s16 =	sshll.u32 s0, $0xA;
	s2 =	sadd.s32 s3, s2  }
0x8d: {  	s2 =	sadd.s32 s2, s16  }
0x8e: {  	[smem:$0x3FAD] =	sst s2  }
0x8f: {  	_ = 	snop  }
0x90: {  	(tm) =	ssettm $0x1  }
0x91: {  	s17 =	sld [smem:$0x3FFB];
	_ =	sdelay $0x3  }
0x92: {  	_ =	strace s17  }
0x93: {  	s2 =	sld [smem:$0x3FFC];
	_ =	sdelay $0x3  }
0x94: {  	_ =	strace s2  }
0x95: {  	s2 =	sld [smem:$0x3FFD];
	_ =	sdelay $0x3  }
0x96: {  	_ =	strace s2  }
0x97: {  	_ =	strace $0x8FFFFFFF  }
0x98: {  	s18 =	sld [smem:$0x3FDB];
	_ =	sdelay $0x1  }
0x99: {  	s19 =	simm.s32 $_scs_section_size  }
0x9a: {  	s4 =	simm.s32 $_size__tile_overlayer_lowered;
	s5 =	simm.s32 $_tile_overlayer_lowered  }
0x9b: {  	s22 =	simm.s32 $0x1BFF;
	s21 =	sshll.u32 s5, $0x1;
	s2 =	sadd.s32 s19, s18  }
0x9c: {  	s6 =	simm.s32 $0x0;
	s20 =	sshll.u32 s4, $0x1;
	s4 =	sadd.s32 s21, s2  }
0x9d: {  	[timem:s6], [sflag:s22] =	dma.local [hbm:s4], s20  }
0x9e: {  	_ =	swait.ge [sflag:s22], s20  }
0x9f: {  	s3 =	ssub.s32 $0x0, s20;
	[sflag:s22] =	ssyncset.done $0x0  }
0xa0: {  	[sflag:s22] =	ssyncadd.s32 s3;
	_ =	sdelay $0x1  }
0xa1: {  	s23 =	simm.s32 $0x1B8B  }
0xa2: {  	_ =	swait.ge [sflag:s23], $0x1  }
0xa3: {  	[sflag:s23] =	ssyncset.done $0x0  }
0xa4: {  	s25 =	simm.s32 $0x1B8E;
	s24 =	sld [smem:$0x3FFE];
	[sflag:s23] =	ssyncadd.s32 $0xFFFFFFFF  }
0xa5: {  	s26 =	simm.s32 $execute0_lowered;
	[smem:$0x3FD2] =	sst s25  }
0xa6: {  	s4 =	sshll.u32 s26, $0x1;
	_ =	strace $0x8000004C;
	[dreg:$0x1] =	wrdreg $0xFFFFFFFF  }
0xa7: {  	s28 =	simm.s32 $_size_execute0_lowered;
	s2 =	sadd.s32 s2, s4;
	[dreg:$0x0] =	wrdreg $0x0  }
0xa8: {  	s4 =	sshll.u32 s28, $0x1;
	[dreg:$0x2] =	wrdreg s2  }
0xa9: {  	[dreg:$0x3] =	wrdreg s4  }
0xaa: {  	[dreg:$0x4] =	wrdreg $0xC0  }
0xab: {  	_ =	task [dreg:s6], $0x5FFFF  }
0xac: {  	[dreg:$0x1] =	wrdreg $0xFFFFFFFF  }
0xad: {  	[dreg:$0x0] =	wrdreg $0x60  }
0xae: {  	[dreg:$0x2] =	wrdreg s24  }
0xaf: {  	[dreg:$0x3] =	wrdreg $0x12B400  }
0xb0: {  	[dreg:$0x4] =	wrdreg $0x8F000  }
0xb1: {  	[dreg:$0x5] =	wrdreg $0x9  }
0xb2: {  	_ =	task.clear_ibuf [dreg:s6], $0x6FFFF;
	_ =	strace $0x9000004C  }
0xb3: {  	s29 =	simm.s32 $0x9;
	_ =	strace $0x8000004E  }
0xb4: {  	_ =	swait.ge [sflag:s29], $0x1  }
0xb5: {  	[sflag:s29] =	ssyncadd.s32 $0xFFFFFFFF  }
0xb6: {  	_ =	strace $0x9000004E  }
0xb7: {  	_ =	sfence  }
0xb8: {  	s30 =	sld [smem:$0x0];
	_ =	sdelay $0x2  }
0xb9: {  	s31 =	sshll.u32 s1, $0xD;
	s1 =	sshrl.u32 s1, $0x2  }
0xba: {  	s3 =	sand.u32 $0x4000, s31;
	s1 =	sadd.s32 s1, s30  }
0xbb: {  	s0 =	sor.u32 s3, s0;
	s1 =	sshll.u32 s1, $0x11  }
0xbc: {  	s0 =	sor.u32 s1, s0  }
0xbd: {  	s0 =	sadd.s32 $0x8F2B, s0  }
0xbe: {  	[sflag:s0] =	ssyncadd.remote.s32 $0x1  }
0xbf: {  	_ =	sfence.sel $0xFFFF  }
0xc0: {  	[dreg:$0x0] =	wrdreg $0xFFFFFFFF;
	(pc) =	sbr.abs _section_cstart, $3  }
0xc1: {  	[dreg:$0x1] =	wrdreg $0xFFFFFFFF  }
0xc2: {  	_ =	task.clear_ibuf [dreg:s6], $0x2FFFF;
	_ =	strace $0x9FFFFFFF  }
0xc3: {  	(tm) =	ssettm $0x7FFFFFFF  }
tec
execute0_lowered:
.L_overlay_start_1:
0x0: {  	(tag) =	ssettag $0x1  }
0x1: {  	s6 =	rddreg [dreg:$0x0]  }
0x2: {  	s2 =	rddreg [dreg:$0x1]  }
0x3: {  	s0 =	srdreg.scid;
	s3 =	rddreg [dreg:$0x2];
	s4 =	simm.s32 $0x0  }
0x4: {  	s18 =	simm.s32 $0x80;
	s19 =	simm.s32 $0x4F00;
	s20 =	simm.s32 $0x6F00  }
0x5: {  	s21 =	simm.s32 $0x1;
	s22 =	simm.s32 $0x2;
	s23 =	simm.s32 $0x2680  }
0x6: {  	s24 =	simm.s32 $0x4D80;
	s5 =	sand.u32 $0x1, s0;
	s0 =	stileid.u32  }
0x7: {  	s25 =	simm.s32 $0x4E00;
	s26 =	simm.s32 $0x0;
	s7 =	smul.u32 $0x9C40, s0  }
0x8: {  	[smem:$0x7FF] =	sst s4;
	s1 =	sshll.u32 s5, $0x4;
	s10 =	smul.u32 $0x9E00, s0  }
0x9: {  	s28 =	smul.u32 $0x9E000, s5;
	_ =	strace $0x8000004D;
	s30 =	ssub.s32 $0x2, s5  }
0xa: {  	s5 =	sadd.s32 $0x18400, s6;
	s31 =	sshll.u32 s0, $0x6;
	s14 =	sor.u32 s0, s1  }
0xb: {  	s13 =	sshrl.u32 s30, $0x1;
	s8 =	smul.u32 $0x4E, s14;
	s9 =	smin.u32 s14, $0x4  }
0xc: {  	s11 =	sshrl.u32 s7, $0x3;
	s29 =	sadd.s32 s10, s28;
	s13 =	ssub.s32 s30, s13  }
0xd: {  	s16 =	sadd.s32 s10, s2;
	s17 =	sadd.s32 s7, s3;
	p0 =	sgt.u32 s14, $0x3  }
0xe: {  	s11 =	sadd.s32 s11, s6;
	s13 =	smax.u32 s13, $0x1;
	s8 =	sadd.s32 s9, s8  }
0xf: {  	s14 =	sshrl.u32 s16, $0x3;
	s16 =	sshrl.u32 s17, $0x3;
	s8 =	sshll.u32 s8, $0x4  }
0x10: {  	s17 =	simm.s32 $0x2780;
	s12 =	sadd.s32 s8, s6;
	s8 =	sshrl.u32 s29, $0x3  }
0x11: {  	s7 =	sadd.s32 $0x19800, s11;
	s15 =	sadd.s32 s8, s6;
	s6 =	sor.u32 $0x1C03, s31  }
0x12: {  	s8 =	sadd.s32 $0x4A00, s12;
	s9 =	sadd.s32 $0xE640, s12;
	s10 =	sadd.s32 $0x4EE0, s12  }
0x13: {  	s11 =	sadd.s32 $0xEB20, s12;
	s12 =	sadd.s32 $0x2D200, s15;
	s15 =	simm.s32 $0x3  }
.LBB2_1:
0x14: {  	[spmem:s14], [sflag:s6] =	dma.local [hbm:s5], $0x13C0  }
0x15: {  	_ =	swait.ge [sflag:s15], $0x13C0  }
0x16: {  	[sflag:s15] =	ssyncset.done $0x0  }
0x17: {  	[sflag:s15] =	ssyncadd.s32 $0xFFFFEC40  }
0x18: {  	[spmem:s16], [sflag:s6] =	dma.local [hbm:s7], $0x1388  }
0x19: {  	_ =	swait.ge [sflag:s15], $0x1388  }
0x1a: {  	[sflag:s15] =	ssyncset.done $0x0  }
0x1b: {  	[sflag:s15] =	ssyncadd.s32 $0xFFFFEC78  }
0x1c: {  	[tilespmem:s4], [sflag:$0x3] =	stream.linear.gather [hbm4b:s8+s4], $0x2700, $0x38;
	[tilespmem:$0x1C940] =	vst v63  }
0x1d: {  	_ =	swait.ge [sflag:s15], $0x2700  }
0x1e: {  	[sflag:s15] =	ssyncset.done $0x0  }
0x1f: {  	[sflag:s15] =	ssyncadd.s32 $0xFFFFD900  }
0x20: {  	[tilespmem:s17], [sflag:$0x3] =	stream.linear.gather [hbm4b:s9+s4], $0x2700, $0x38;
	[tilespmem:$0x1C940] =	vst v63  }
0x21: {  	_ =	swait.ge [sflag:s15], $0x2700  }
0x22: {  	[sflag:s15] =	ssyncset.done $0x0  }
0x23: {  	s28 =	simm.s32 @!p0 $0x0;
	s29 =	simm.s32 @!p0 $0x2700;
	[sflag:s15] =	ssyncadd.s32 $0xFFFFD900  }
0x24: {  	[tilespmem:s29], [sflag:$0x3] =	stream.linear.gather @!p0 [hbm4b:s10+s28], $0x80, $0x38;
	[tilespmem:$0x1C940] =	vst v63  }
0x25: {  	s29 =	simm.s32 @!p0 $0x3  }
0x26: {  	_ =	swait.ge @!p0 [sflag:s29], $0x80  }
0x27: {  	[sflag:s29] =	ssyncset.done @!p0 $0x0  }
0x28: {  	s30 =	simm.s32 @!p0 $0x4E80;
	[sflag:s29] =	ssyncadd.s32 @!p0 $0xFFFFFF80  }
0x29: {  	[tilespmem:s30], [sflag:$0x3] =	stream.linear.gather @!p0 [hbm4b:s11+s28], $0x80, $0x38;
	[tilespmem:$0x1C940] =	vst v63  }
0x2a: {  	_ =	swait.ge @!p0 [sflag:s29], $0x80  }
0x2b: {  	[sflag:s29] =	ssyncset.done @!p0 $0x0  }
0x2c: {  	[sflag:s29] =	ssyncadd.s32 @!p0 $0xFFFFFF80  }
0x2d: {  	[bflag:$0x0] =	sbarrier.arrive $0xFFFF  }
0x2e: {  	[tilespmem:s19], [sflag:$0x1] =	stream.indirect.gather [spmem:s3], $0x40, s4, s18, $0xb8;
	[tilespmem:$0x1C940] =	vst v63  }
0x2f: {  	s28 =	simm.s32 $0x80  }
0x30: {  	[tilespmem:s20], [sflag:$0x2] =	stream.indirect.gather [spmem:s3], $0x40, s28, s18, $0xb8;
	[tilespmem:$0x1C940] =	vst v63  }
0x31: {  	_ =	swait.ge [sflag:s21], $0x2000  }
0x32: {  	[sflag:s21] =	ssyncset.done $0x0  }
0x33: {  	s28 =	simm.s32 $0x2780;
	[sflag:s21] =	ssyncadd.s32 $0xFFFFE000  }
0x34: {  	[spmem:s2] =	stream.indirect.scatter.add.f32 [tilespmem:s19], [sflag:$0x3], $0x40, s28, s18, $0xb8;
	[tilespmem:$0x1C940] =	vst v63  }
0x35: {  	_ =	swait.ge [sflag:s15], $0x2000  }
0x36: {  	[sflag:s15] =	ssyncset.done $0x0  }
0x37: {  	s28 =	simm.s32 $0x100;
	[sflag:s15] =	ssyncadd.s32 $0xFFFFE000  }
0x38: {  	[tilespmem:s19], [sflag:$0x1] =	stream.indirect.gather [spmem:s3], $0x40, s28, s18, $0xb8;
	[tilespmem:$0x1C940] =	vst v63  }
0x39: {  	_ =	swait.ge [sflag:s22], $0x2000  }
0x3a: {  	[sflag:s22] =	ssyncset.done $0x0  }
0x3b: {  	s28 =	simm.s32 $0x2800;
	[sflag:s22] =	ssyncadd.s32 $0xFFFFE000  }
0x3c: {  	[spmem:s2] =	stream.indirect.scatter.add.f32 [tilespmem:s20], [sflag:$0x3], $0x40, s28, s18, $0xb8;
	[tilespmem:$0x1C940] =	vst v63  }
0x3d: {  	_ =	swait.ge [sflag:s15], $0x2000  }
0x3e: {  	s29 =	simm.s32 $0x800;
	s28 =	simm.s32 $0x100;
	[sflag:s15] =	ssyncset.done $0x0  }
.LBB2_2:
0x3f: {  	s30 =	sadd.s32 $0x80, s28  }
0x40: {  	[sflag:s15] =	ssyncadd.s32 $0xFFFFE000;
	s31 =	smov.u32 s29;
	s1 =	sadd.s32 $0x400, s29  }
0x41: {  	[tilespmem:s20], [sflag:$0x2] =	stream.indirect.gather [spmem:s3], $0x40, s30, s18, $0xb8;
	[tilespmem:$0x1C940] =	vst v63  }
0x42: {  	p1 =	sne.s32 s29, $0x9400;
	_ =	swait.ge [sflag:s21], $0x2000  }
0x43: {  	[sflag:s21] =	ssyncset.done $0x0  }
0x44: {  	s29 =	sadd.s32 $0x2780, s28;
	[sflag:s21] =	ssyncadd.s32 $0xFFFFE000  }
0x45: {  	[spmem:s2] =	stream.indirect.scatter.add.f32 [tilespmem:s19], [sflag:$0x3], $0x40, s29, s18, $0xb8;
	[tilespmem:$0x1C940] =	vst v63  }
0x46: {  	_ =	swait.ge [sflag:s15], $0x2000  }
0x47: {  	[sflag:s15] =	ssyncset.done $0x0  }
0x48: {  	s29 =	sadd.s32 $0x100, s28;
	[sflag:s15] =	ssyncadd.s32 $0xFFFFE000  }
0x49: {  	[tilespmem:s19], [sflag:$0x1] =	stream.indirect.gather [spmem:s3], $0x40, s29, s18, $0xb8;
	[tilespmem:$0x1C940] =	vst v63  }
0x4a: {  	_ =	swait.ge [sflag:s22], $0x2000  }
.Ltmp0:
0x4b: {  	[sflag:s22] =	ssyncset.done $0x0;
	(pc) =	sbr.rel @p1 .LBB2_2-.Ltmp0, $4  }
0x4c: {  	s28 =	sadd.s32 $0x2800, s28;
	[sflag:s22] =	ssyncadd.s32 $0xFFFFE000  }
0x4d: {  	[spmem:s2] =	stream.indirect.scatter.add.f32 [tilespmem:s20], [sflag:$0x3], $0x40, s28, s18, $0xb8;
	[tilespmem:$0x1C940] =	vst v63  }
0x4e: {  	_ =	swait.ge [sflag:s15], $0x2000  }
0x4f: {  	s29 =	smov.u32 s1;
	s28 =	sshra.s32 s31, $0x2;
	[sflag:s15] =	ssyncset.done $0x0  }
0x50: {  	s1 =	sadd.s32 $0x80, s28;
	[sflag:s15] =	ssyncadd.s32 $0xFFFFE000  }
0x51: {  	[tilespmem:s20], [sflag:$0x2] =	stream.indirect.gather [spmem:s3], $0x40, s1, s18, $0xb8;
	[tilespmem:$0x1C940] =	vst v63  }
0x52: {  	_ =	swait.ge [sflag:s21], $0x2000  }
0x53: {  	[sflag:s21] =	ssyncset.done $0x0  }
0x54: {  	s29 =	sadd.s32 $0x2780, s28;
	[sflag:s21] =	ssyncadd.s32 $0xFFFFE000  }
0x55: {  	[spmem:s2] =	stream.indirect.scatter.add.f32 [tilespmem:s19], [sflag:$0x3], $0x40, s29, s18, $0xb8;
	[tilespmem:$0x1C940] =	vst v63  }
0x56: {  	_ =	swait.ge [sflag:s15], $0x2000  }
0x57: {  	[sflag:s15] =	ssyncset.done $0x0  }
0x58: {  	s30 =	sadd.s32 $0x100, s28;
	[sflag:s15] =	ssyncadd.s32 $0xFFFFE000  }
0x59: {  	[tilespmem:s19], [sflag:$0x1] =	stream.indirect.gather [spmem:s3], $0x40, s30, s18, $0xb8;
	[tilespmem:$0x1C940] =	vst v63  }
0x5a: {  	_ =	swait.ge [sflag:s22], $0x2000  }
0x5b: {  	[sflag:s22] =	ssyncset.done $0x0  }
0x5c: {  	s31 =	sadd.s32 $0x2800, s28;
	[sflag:s22] =	ssyncadd.s32 $0xFFFFE000  }
0x5d: {  	[spmem:s2] =	stream.indirect.scatter.add.f32 [tilespmem:s20], [sflag:$0x3], $0x40, s31, s18, $0xb8;
	[tilespmem:$0x1C940] =	vst v63  }
0x5e: {  	_ =	swait.ge [sflag:s15], $0x2000  }
0x5f: {  	[sflag:s15] =	ssyncset.done $0x0  }
0x60: {  	[sflag:s15] =	ssyncadd.s32 $0xFFFFE000  }
0x61: {  	[tilespmem:s20], [sflag:$0x2] =	stream.indirect.gather [spmem:s3], $0x40, s23, s18, $0xb8;
	[tilespmem:$0x1C940] =	vst v63  }
0x62: {  	_ =	swait.ge [sflag:s21], $0x2000  }
0x63: {  	[sflag:s21] =	ssyncset.done $0x0  }
0x64: {  	[sflag:s21] =	ssyncadd.s32 $0xFFFFE000  }
0x65: {  	[spmem:s2] =	stream.indirect.scatter.add.f32 [tilespmem:s19], [sflag:$0x3], $0x40, s24, s18, $0xb8;
	[tilespmem:$0x1C940] =	vst v63  }
0x66: {  	_ =	swait.ge [sflag:s15], $0x2000  }
0x67: {  	[sflag:s15] =	ssyncset.done $0x0  }
0x68: {  	[sflag:s15] =	ssyncadd.s32 $0xFFFFE000  }
0x69: {  	_ =	swait.ge [sflag:s22], $0x2000  }
0x6a: {  	[sflag:s22] =	ssyncset.done $0x0  }
0x6b: {  	[sflag:s22] =	ssyncadd.s32 $0xFFFFE000  }
0x6c: {  	[spmem:s2] =	stream.indirect.scatter.add.f32 [tilespmem:s20], [sflag:$0x3], $0x40, s25, s18, $0xb8;
	[tilespmem:$0x1C940] =	vst v63  }
0x6d: {  	_ =	swait.ge [sflag:s15], $0x2000  }
0x6e: {  	s28 =	simm.s32 @!p0 $0x2700;
	[sflag:s15] =	ssyncset.done $0x0  }
0x6f: {  	s1 =	simm.s32 @!p0 $0x80;
	s29 =	simm.s32 @!p0 $0x4F00;
	[sflag:s15] =	ssyncadd.s32 $0xFFFFE000  }
0x70: {  	[tilespmem:s29], [sflag:$0x1] =	stream.indirect.gather @!p0 [spmem:s3], $0x40, s28, s1, $0xb8;
	[tilespmem:$0x1C940] =	vst v63  }
0x71: {  	s28 =	simm.s32 @!p0 $0x1  }
0x72: {  	_ =	swait.ge @!p0 [sflag:s28], $0x2000  }
0x73: {  	[sflag:s28] =	ssyncset.done @!p0 $0x0  }
0x74: {  	[sflag:s28] =	ssyncadd.s32 @!p0 $0xFFFFE000;
	s28 =	simm.s32 @!p0 $0x4E80  }
0x75: {  	[spmem:s2] =	stream.indirect.scatter.add.f32 @!p0 [tilespmem:s29], [sflag:$0x3], $0x40, s28, s1, $0xb8;
	[tilespmem:$0x1C940] =	vst v63  }
0x76: {  	s1 =	simm.s32 @!p0 $0x3  }
0x77: {  	_ =	swait.ge @!p0 [sflag:s1], $0x2000  }
0x78: {  	s26 =	sadd.s32 $0x1, s26;
	[sflag:s1] =	ssyncset.done @!p0 $0x0  }
0x79: {  	p1 =	sne.s32 s26, s13;
	[sflag:s1] =	ssyncadd.s32 @!p0 $0xFFFFE000  }
.Ltmp1:
0x7a: {  	[bflag:$0x0] =	sbarrier.arrive $0xFFFF;
	(pc) =	sbr.rel @p1 .LBB2_1-.Ltmp1, $4  }
0x7b: {  	[hbm:s12], [sflag:s6] =	dma.local [spmem:s14], $0x13C0  }
0x7c: {  	_ =	swait.ge [sflag:s15], $0x13C0  }
0x7d: {  	[sflag:s15] =	ssyncset.done $0x0  }
0x7e: {  	[sflag:s15] =	ssyncadd.s32 $0xFFFFEC40  }
0x7f: {  	_ =	sfence.sel $0x180000  }
0x80: {  	[bflag:$0x0] =	sbarrier.arrive $0xFFFF  }
0x81: {  	_ =	strace $0x9000004D  }
0x82: {  	[bflag:$0x2] =	sbarrier.arrive $0xFFFF  }
0x83: {  	p0 =	sne.s32 s0, $0x0;
	s0 =	rddreg [dreg:$0x3]  }
0x84: {  	s0 =	sadd.s32 @!p0 $0x100000, s0  }
0x85: {  	[sflag:s0] =	ssyncadd.tile.s32 @!p0 $0x1;
	_ =	shalt  }
.Lfunc_end2:
_tile_overlayer_lowered:
.L_overlay_start_2:
0x86: {  	(tag) =	ssettag $0x2  }
0x87: {  	s0 =	rddreg [dreg:$0x0];
	s2 =	stileid.u32  }
0x88: {  	s1 =	rddreg [dreg:$0x1];
	p0 =	sne.s32 s2, $0x0  }
0x89: {  	s3 =	rddreg [dreg:$0x2];
	[bflag:$0x3] =	sbarrier.arrive $0xFFFF;
	s2 =	simm.s32 @!p0 $0x1C03  }
0x8a: {  	[timem:s3], [sflag:s2] =	dma.local @!p0 [hbm:s0], s1  }
0x8b: {  	s0 =	simm.s32 @!p0 $0x3  }
0x8c: {  	_ =	swait.ge @!p0 [sflag:s0], s1  }
0x8d: {  	s1 =	ssub.s32 @!p0 $0x0, s1;
	[sflag:s0] =	ssyncset.done @!p0 $0x0  }
0x8e: {  	[sflag:s0] =	ssyncadd.s32 @!p0 s1  }
0x8f: {  	[bflag:$0x3] =	sbarrier.arrive $0xFFFF  }
0x90: {  	_ =	shalt  }

// kernel: kernel.18.cloned.1.call-start
scs
__scs_entry_jumppad:
0x0: {  	(pc) =	sbr.rel $0x88, $3  }
0x1: {  	(tag) =	ssettag $0x0;
	lr =	simm.s32 $0x1  }
0x2: {  	[smem:$0x3F86] =	sst lr;
	_ =	strace $0xD0000000  }
0x3: {  	_ = 	snop  }
0x4: {  	_ = 	snop  }
0x5: {  	_ = 	snop  }
0x6: {  	_ = 	snop  }
0x7: {  	_ = 	snop  }
__scs_overlays_trampoline_lowered:
0x8: {  	[smem:$0x3F95] =	sst s0  }
0x9: {  	[smem:$0x3F96] =	sst s1  }
0xa: {  	[smem:$0x3F97] =	sst s2  }
0xb: {  	[smem:$0x3F98] =	sst s3  }
0xc: {  	[smem:$0x3F99] =	sst s4  }
0xd: {  	[smem:$0x3F9A] =	sst s5  }
0xe: {  	[smem:$0x3F9B] =	sst s6  }
0xf: {  	[smem:$0x3F9C] =	sst s7  }
0x10: {  	[smem:$0x3F9D] =	sst s8  }
0x11: {  	[smem:$0x3F9E] =	sst s9;
	s0 =	simm.s32 @!p0 $0x0  }
0x12: {  	s1 =	sld [smem:$0x3F84];
	s0 =	simm.s32 @p0 $0x1  }
0x13: {  	[smem:$0x3F9F] =	sst s0;
	s0 =	simm.s32 @!p1 $0x0  }
0x14: {  	s2 =	sld [smem:$0x3F83];
	s0 =	simm.s32 @p1 $0x1  }
0x15: {  	[smem:$0x3FA0] =	sst s0;
	s0 =	simm.s32 @!p2 $0x0  }
0x16: {  	s3 =	sld [smem:$0x3FDB];
	s0 =	simm.s32 @p2 $0x1  }
0x17: {  	s4 =	simm.s32 $0x1BF5;
	[smem:$0x3FA2] =	sst s0  }
0x18: {  	s0 =	sld [smem:$0x3F85];
	_ =	swait.ge [sflag:s4], $0x0  }
0x19: {  	s7 =	sld [smem:$0x3F86]  }
0x1a: {  	s8 =	sadd.s32 $0xFFFFE003, lr  }
0x1b: {  	s9 =	sadd.s32 $0xFFFFFEF7, lr;
	s5 =	simm.s32 $0xFFFFFFFF;
	p2 =	slt.u32 s8, $0xFFFFF086  }
0x1c: {  	p1 =	slt.u32 s9, $0xF7A;
	s5 =	simm.s32 @!p2 $0x0  }
0x1d: {  	s5 =	simm.s32 @p1 $0x1;
	p0 =	seq.s32 s7, s2  }
0x1e: {  	s7 =	smul.u32 @!p0 $0xF7A, s2;
	p2 =	seq.s32 @!p0 s5, $0x0  }
0x1f: {  	s9 =	smul.u32 $0xF7A, s1;
	s8 =	simm.s32 @!p0 $0x1BF5;
	p2 =	por !p2, p0  }
0x20: {  	[sflag:s8] =	ssyncset.s32 @!p0 $0xFFFFF086;
	s6 =	sadd.s32 @!p0 s3, s7;
	s7 =	simm.s32 @!p0 $0x108  }
0x21: {  	s3 =	sadd.s32 s3, s9;
	s6 =	sadd.s32 @!p0 $0x88, s6;
	s7 =	simm.s32 @p2 $0x1082  }
0x22: {  	[simem:s7], [sflag:s8] =	dma.local @!p0 [hbm:s6], $0xF7A  }
0x23: {  	s9 =	sor.u32 $0xD0000000, s2;
	s6 =	simm.s32 $0x108;
	_ =	swait.ge @!p0 [sflag:s8], $0x0  }
0x24: {  	s3 =	sadd.s32 $0x88, s3;
	s6 =	simm.s32 @!p1 $0x1082;
	[sflag:s4] =	ssyncset.s32 $0xFFFFF086  }
0x25: {  	[simem:s6], [sflag:s4] =	dma.local [hbm:s3], $0xF7A  }
0x26: {  	[smem:$0x3F86] =	sst s1;
	(tag) =	ssettag s2;
	_ =	strace s9  }
0x27: {  	s1 =	sld [smem:$0x3F96]  }
0x28: {  	s2 =	sld [smem:$0x3F97]  }
0x29: {  	s4 =	sld [smem:$0x3F99]  }
0x2a: {  	p0 =	seq.s32 s5, $0x0;
	s5 =	sld [smem:$0x3F9A]  }
0x2b: {  	s6 =	sld [smem:$0x3F9B]  }
0x2c: {  	s7 =	sld [smem:$0x3F9C]  }
0x2d: {  	s3 =	simm.s32 $0x108;
	s8 =	sld [smem:$0x3F9D]  }
0x2e: {  	s3 =	simm.s32 @!p0 $0x1082;
	s9 =	sld [smem:$0x3F9E]  }
0x2f: {  	lr =	sadd.s32 s0, s3;
	s0 =	sld [smem:$0x3F95]  }
0x30: {  	s3 =	sld [smem:$0x3F98]  }
0x31: {  	[smem:$0x3FA1] =	sst s10  }
0x32: {  	s10 =	sld [smem:$0x3F9F];
	_ =	sdelay $0x3  }
0x33: {  	p0 =	seq.s32 s10, $0x1;
	s10 =	sld [smem:$0x3FA1];
	_ =	sdelay $0x3  }
0x34: {  	[smem:$0x3FA1] =	sst s10  }
0x35: {  	s10 =	sld [smem:$0x3FA0];
	_ =	sdelay $0x3  }
0x36: {  	p1 =	seq.s32 s10, $0x1;
	s10 =	sld [smem:$0x3FA1];
	_ =	sdelay $0x3  }
0x37: {  	[smem:$0x3FA1] =	sst s10  }
0x38: {  	s10 =	sld [smem:$0x3FA2]  }
0x39: {  	_ = 	snop;
	(pc) =	sbr.ind lr, $3  }
0x3a: {  	_ = 	snop  }
0x3b: {  	_ = 	snop  }
0x3c: {  	p2 =	seq.s32 s10, $0x1;
	s10 =	sld [smem:$0x3FA1]  }
0x3d: {  	_ =	shalt  }
0x3e: {  	_ =	shalt  }
0x3f: {  	_ =	shalt  }
0x40: {  	_ =	shalt  }
0x41: {  	_ =	shalt  }
0x42: {  	_ =	shalt  }
0x43: {  	_ =	shalt  }
0x44: {  	_ =	shalt  }
0x45: {  	_ =	shalt  }
0x46: {  	_ =	shalt  }
0x47: {  	_ =	shalt  }
0x48: {  	_ =	shalt  }
0x49: {  	_ =	shalt  }
0x4a: {  	_ =	shalt  }
0x4b: {  	_ =	shalt  }
0x4c: {  	_ =	shalt  }
0x4d: {  	_ =	shalt  }
0x4e: {  	_ =	shalt  }
0x4f: {  	_ =	shalt  }
0x50: {  	_ =	shalt  }
0x51: {  	_ =	shalt  }
0x52: {  	_ =	shalt  }
0x53: {  	_ =	shalt  }
0x54: {  	_ =	shalt  }
0x55: {  	_ =	shalt  }
0x56: {  	_ =	shalt  }
0x57: {  	_ =	shalt  }
0x58: {  	_ =	shalt  }
0x59: {  	_ =	shalt  }
0x5a: {  	_ =	shalt  }
0x5b: {  	_ =	shalt  }
0x5c: {  	_ =	shalt  }
0x5d: {  	_ =	shalt  }
0x5e: {  	_ =	shalt  }
0x5f: {  	_ =	shalt  }
0x60: {  	_ =	shalt  }
0x61: {  	_ =	shalt  }
0x62: {  	_ =	shalt  }
0x63: {  	_ =	shalt  }
0x64: {  	_ =	shalt  }
0x65: {  	_ =	shalt  }
0x66: {  	_ =	shalt  }
0x67: {  	_ =	shalt  }
0x68: {  	_ =	shalt  }
0x69: {  	_ =	shalt  }
0x6a: {  	_ =	shalt  }
0x6b: {  	_ =	shalt  }
0x6c: {  	_ =	shalt  }
0x6d: {  	_ =	shalt  }
0x6e: {  	_ =	shalt  }
0x6f: {  	_ =	shalt  }
0x70: {  	_ =	shalt  }
0x71: {  	_ =	shalt  }
0x72: {  	_ =	shalt  }
0x73: {  	_ =	shalt  }
0x74: {  	_ =	shalt  }
0x75: {  	_ =	shalt  }
0x76: {  	_ =	shalt  }
0x77: {  	_ =	shalt  }
0x78: {  	_ =	shalt  }
0x79: {  	_ =	shalt  }
0x7a: {  	_ =	shalt  }
0x7b: {  	_ =	shalt  }
0x7c: {  	_ =	shalt  }
0x7d: {  	_ =	shalt  }
0x7e: {  	_ =	shalt  }
0x7f: {  	_ =	shalt  }
0x80: {  	_ =	shalt  }
0x81: {  	_ =	shalt  }
0x82: {  	_ =	shalt  }
0x83: {  	_ =	shalt  }
0x84: {  	_ =	shalt  }
0x85: {  	_ =	shalt  }
0x86: {  	_ =	shalt  }
0x87: {  	_ =	shalt  }
.Lfunc_end0:
.L_simem_size_0:
called_computation.3_lowered:
.L_overlay_start_0:
0x88: {  	s2 =	sld [smem:$0x3FD9]  }
0x89: {  	s3 =	sld [smem:$0x3FFE];
	_ =	sdelay $0x1  }
0x8a: {  	s1 =	srdreg.scid  }
0x8b: {  	s0 =	sand.u32 $0x1, s1  }
0x8c: {  	s16 =	sshll.u32 s0, $0xA;
	s2 =	sadd.s32 s3, s2  }
0x8d: {  	s2 =	sadd.s32 s2, s16  }
0x8e: {  	[smem:$0x3FAD] =	sst s2  }
0x8f: {  	_ = 	snop  }
0x90: {  	(tm) =	ssettm $0x1  }
0x91: {  	s17 =	sld [smem:$0x3FFB];
	_ =	sdelay $0x3  }
0x92: {  	_ =	strace s17  }
0x93: {  	s2 =	sld [smem:$0x3FFC];
	_ =	sdelay $0x3  }
0x94: {  	_ =	strace s2  }
0x95: {  	s2 =	sld [smem:$0x3FFD];
	_ =	sdelay $0x3  }
0x96: {  	_ =	strace s2  }
0x97: {  	_ =	strace $0x8FFFFFFF  }
0x98: {  	s18 =	sld [smem:$0x3FDB];
	_ =	sdelay $0x1  }
0x99: {  	s19 =	simm.s32 $_scs_section_size  }
0x9a: {  	s4 =	simm.s32 $_size__tile_overlayer_lowered;
	s5 =	simm.s32 $_tile_overlayer_lowered  }
0x9b: {  	s22 =	simm.s32 $0x1BFF;
	s21 =	sshll.u32 s5, $0x1;
	s2 =	sadd.s32 s19, s18  }
0x9c: {  	s6 =	simm.s32 $0x0;
	s20 =	sshll.u32 s4, $0x1;
	s4 =	sadd.s32 s21, s2  }
0x9d: {  	[timem:s6], [sflag:s22] =	dma.local [hbm:s4], s20  }
0x9e: {  	_ =	swait.ge [sflag:s22], s20  }
0x9f: {  	s3 =	ssub.s32 $0x0, s20;
	[sflag:s22] =	ssyncset.done $0x0  }
0xa0: {  	[sflag:s22] =	ssyncadd.s32 s3;
	_ =	sdelay $0x1  }
0xa1: {  	s23 =	simm.s32 $0x1B8B  }
0xa2: {  	_ =	swait.ge [sflag:s23], $0x1  }
0xa3: {  	[sflag:s23] =	ssyncset.done $0x0  }
0xa4: {  	s25 =	simm.s32 $0x1B8E;
	s24 =	sld [smem:$0x3FFE];
	[sflag:s23] =	ssyncadd.s32 $0xFFFFFFFF  }
0xa5: {  	s26 =	simm.s32 $execute0_lowered;
	[smem:$0x3FD2] =	sst s25  }
0xa6: {  	s4 =	sshll.u32 s26, $0x1;
	_ =	strace $0x8000004F;
	[dreg:$0x1] =	wrdreg $0xFFFFFFFF  }
0xa7: {  	s28 =	simm.s32 $_size_execute0_lowered;
	s2 =	sadd.s32 s2, s4;
	[dreg:$0x0] =	wrdreg $0x0  }
0xa8: {  	s4 =	sshll.u32 s28, $0x1;
	[dreg:$0x2] =	wrdreg s2  }
0xa9: {  	[dreg:$0x3] =	wrdreg s4  }
0xaa: {  	[dreg:$0x4] =	wrdreg $0xC0  }
0xab: {  	_ =	task [dreg:s6], $0x5FFFF  }
0xac: {  	[dreg:$0x1] =	wrdreg $0xFFFFFFFF  }
0xad: {  	[dreg:$0x0] =	wrdreg $0x60  }
0xae: {  	[dreg:$0x2] =	wrdreg s24  }
0xaf: {  	[dreg:$0x3] =	wrdreg $0x12B400  }
0xb0: {  	[dreg:$0x4] =	wrdreg $0x8F000  }
0xb1: {  	[dreg:$0x5] =	wrdreg $0x9  }
0xb2: {  	_ =	task.clear_ibuf [dreg:s6], $0x6FFFF;
	_ =	strace $0x9000004F  }
0xb3: {  	s29 =	simm.s32 $0x9;
	_ =	strace $0x80000051  }
0xb4: {  	_ =	swait.ge [sflag:s29], $0x1  }
0xb5: {  	[sflag:s29] =	ssyncadd.s32 $0xFFFFFFFF  }
0xb6: {  	_ =	strace $0x90000051  }
0xb7: {  	_ =	sfence  }
0xb8: {  	s30 =	sld [smem:$0x0];
	_ =	sdelay $0x2  }
0xb9: {  	s31 =	sshll.u32 s1, $0xD;
	s1 =	sshrl.u32 s1, $0x2  }
0xba: {  	s3 =	sand.u32 $0x4000, s31;
	s1 =	sadd.s32 s1, s30  }
0xbb: {  	s0 =	sor.u32 s3, s0;
	s1 =	sshll.u32 s1, $0x11  }
0xbc: {  	s0 =	sor.u32 s1, s0  }
0xbd: {  	s0 =	sadd.s32 $0x8F2B, s0  }
0xbe: {  	[sflag:s0] =	ssyncadd.remote.s32 $0x1  }
0xbf: {  	_ =	sfence.sel $0xFFFF  }
0xc0: {  	[dreg:$0x0] =	wrdreg $0xFFFFFFFF;
	(pc) =	sbr.abs _section_cstart, $3  }
0xc1: {  	[dreg:$0x1] =	wrdreg $0xFFFFFFFF  }
0xc2: {  	_ =	task.clear_ibuf [dreg:s6], $0x2FFFF;
	_ =	strace $0x9FFFFFFF  }
0xc3: {  	(tm) =	ssettm $0x7FFFFFFF  }
tec
execute0_lowered:
.L_overlay_start_1:
0x0: {  	(tag) =	ssettag $0x1  }
0x1: {  	s6 =	rddreg [dreg:$0x0]  }
0x2: {  	s2 =	rddreg [dreg:$0x1]  }
0x3: {  	s0 =	srdreg.scid;
	s3 =	rddreg [dreg:$0x2];
	s4 =	simm.s32 $0x0  }
0x4: {  	s18 =	simm.s32 $0x80;
	s19 =	simm.s32 $0x4F00;
	s20 =	simm.s32 $0x6F00  }
0x5: {  	s21 =	simm.s32 $0x1;
	s22 =	simm.s32 $0x2;
	s23 =	simm.s32 $0x2680  }
0x6: {  	s24 =	simm.s32 $0x4D80;
	s5 =	sand.u32 $0x1, s0;
	s0 =	stileid.u32  }
0x7: {  	s25 =	simm.s32 $0x4E00;
	s26 =	simm.s32 $0x0;
	s7 =	smul.u32 $0x9C40, s0  }
0x8: {  	[smem:$0x7FF] =	sst s4;
	s1 =	sshll.u32 s5, $0x4;
	s10 =	smul.u32 $0x9E00, s0  }
0x9: {  	s28 =	smul.u32 $0x9E000, s5;
	_ =	strace $0x80000050;
	s30 =	ssub.s32 $0x2, s5  }
0xa: {  	s5 =	sadd.s32 $0x18400, s6;
	s31 =	sshll.u32 s0, $0x6;
	s14 =	sor.u32 s0, s1  }
0xb: {  	s13 =	sshrl.u32 s30, $0x1;
	s8 =	smul.u32 $0x4E, s14;
	s9 =	smin.u32 s14, $0x4  }
0xc: {  	s11 =	sshrl.u32 s7, $0x3;
	s29 =	sadd.s32 s10, s28;
	s13 =	ssub.s32 s30, s13  }
0xd: {  	s16 =	sadd.s32 s10, s2;
	s17 =	sadd.s32 s7, s3;
	p0 =	sgt.u32 s14, $0x3  }
0xe: {  	s11 =	sadd.s32 s11, s6;
	s13 =	smax.u32 s13, $0x1;
	s8 =	sadd.s32 s9, s8  }
0xf: {  	s14 =	sshrl.u32 s16, $0x3;
	s16 =	sshrl.u32 s17, $0x3;
	s8 =	sshll.u32 s8, $0x4  }
0x10: {  	s17 =	simm.s32 $0x2780;
	s12 =	sadd.s32 s8, s6;
	s8 =	sshrl.u32 s29, $0x3  }
0x11: {  	s7 =	sadd.s32 $0x19800, s11;
	s15 =	sadd.s32 s8, s6;
	s6 =	sor.u32 $0x1C03, s31  }
0x12: {  	s8 =	sadd.s32 $0x4A00, s12;
	s9 =	sadd.s32 $0xE640, s12;
	s10 =	sadd.s32 $0x4EE0, s12  }
0x13: {  	s11 =	sadd.s32 $0xEB20, s12;
	s12 =	sadd.s32 $0x2D200, s15;
	s15 =	simm.s32 $0x3  }
.LBB2_1:
0x14: {  	[spmem:s14], [sflag:s6] =	dma.local [hbm:s5], $0x13C0  }
0x15: {  	_ =	swait.ge [sflag:s15], $0x13C0  }
0x16: {  	[sflag:s15] =	ssyncset.done $0x0  }
0x17: {  	[sflag:s15] =	ssyncadd.s32 $0xFFFFEC40  }
0x18: {  	[spmem:s16], [sflag:s6] =	dma.local [hbm:s7], $0x1388  }
0x19: {  	_ =	swait.ge [sflag:s15], $0x1388  }
0x1a: {  	[sflag:s15] =	ssyncset.done $0x0  }
0x1b: {  	[sflag:s15] =	ssyncadd.s32 $0xFFFFEC78  }
0x1c: {  	[tilespmem:s4], [sflag:$0x3] =	stream.linear.gather [hbm4b:s8+s4], $0x2700, $0x38;
	[tilespmem:$0x1C940] =	vst v63  }
0x1d: {  	_ =	swait.ge [sflag:s15], $0x2700  }
0x1e: {  	[sflag:s15] =	ssyncset.done $0x0  }
0x1f: {  	[sflag:s15] =	ssyncadd.s32 $0xFFFFD900  }
0x20: {  	[tilespmem:s17], [sflag:$0x3] =	stream.linear.gather [hbm4b:s9+s4], $0x2700, $0x38;
	[tilespmem:$0x1C940] =	vst v63  }
0x21: {  	_ =	swait.ge [sflag:s15], $0x2700  }
0x22: {  	[sflag:s15] =	ssyncset.done $0x0  }
0x23: {  	s28 =	simm.s32 @!p0 $0x0;
	s29 =	simm.s32 @!p0 $0x2700;
	[sflag:s15] =	ssyncadd.s32 $0xFFFFD900  }
0x24: {  	[tilespmem:s29], [sflag:$0x3] =	stream.linear.gather @!p0 [hbm4b:s10+s28], $0x80, $0x38;
	[tilespmem:$0x1C940] =	vst v63  }
0x25: {  	s29 =	simm.s32 @!p0 $0x3  }
0x26: {  	_ =	swait.ge @!p0 [sflag:s29], $0x80  }
0x27: {  	[sflag:s29] =	ssyncset.done @!p0 $0x0  }
0x28: {  	s30 =	simm.s32 @!p0 $0x4E80;
	[sflag:s29] =	ssyncadd.s32 @!p0 $0xFFFFFF80  }
0x29: {  	[tilespmem:s30], [sflag:$0x3] =	stream.linear.gather @!p0 [hbm4b:s11+s28], $0x80, $0x38;
	[tilespmem:$0x1C940] =	vst v63  }
0x2a: {  	_ =	swait.ge @!p0 [sflag:s29], $0x80  }
0x2b: {  	[sflag:s29] =	ssyncset.done @!p0 $0x0  }
0x2c: {  	[sflag:s29] =	ssyncadd.s32 @!p0 $0xFFFFFF80  }
0x2d: {  	[bflag:$0x0] =	sbarrier.arrive $0xFFFF  }
0x2e: {  	[tilespmem:s19], [sflag:$0x1] =	stream.indirect.gather [spmem:s3], $0x40, s4, s18, $0xb8;
	[tilespmem:$0x1C940] =	vst v63  }
0x2f: {  	s28 =	simm.s32 $0x80  }
0x30: {  	[tilespmem:s20], [sflag:$0x2] =	stream.indirect.gather [spmem:s3], $0x40, s28, s18, $0xb8;
	[tilespmem:$0x1C940] =	vst v63  }
0x31: {  	_ =	swait.ge [sflag:s21], $0x2000  }
0x32: {  	[sflag:s21] =	ssyncset.done $0x0  }
0x33: {  	s28 =	simm.s32 $0x2780;
	[sflag:s21] =	ssyncadd.s32 $0xFFFFE000  }
0x34: {  	[spmem:s2] =	stream.indirect.scatter.add.f32 [tilespmem:s19], [sflag:$0x3], $0x40, s28, s18, $0xb8;
	[tilespmem:$0x1C940] =	vst v63  }
0x35: {  	_ =	swait.ge [sflag:s15], $0x2000  }
0x36: {  	[sflag:s15] =	ssyncset.done $0x0  }
0x37: {  	s28 =	simm.s32 $0x100;
	[sflag:s15] =	ssyncadd.s32 $0xFFFFE000  }
0x38: {  	[tilespmem:s19], [sflag:$0x1] =	stream.indirect.gather [spmem:s3], $0x40, s28, s18, $0xb8;
	[tilespmem:$0x1C940] =	vst v63  }
0x39: {  	_ =	swait.ge [sflag:s22], $0x2000  }
0x3a: {  	[sflag:s22] =	ssyncset.done $0x0  }
0x3b: {  	s28 =	simm.s32 $0x2800;
	[sflag:s22] =	ssyncadd.s32 $0xFFFFE000  }
0x3c: {  	[spmem:s2] =	stream.indirect.scatter.add.f32 [tilespmem:s20], [sflag:$0x3], $0x40, s28, s18, $0xb8;
	[tilespmem:$0x1C940] =	vst v63  }
0x3d: {  	_ =	swait.ge [sflag:s15], $0x2000  }
0x3e: {  	s29 =	simm.s32 $0x800;
	s28 =	simm.s32 $0x100;
	[sflag:s15] =	ssyncset.done $0x0  }
.LBB2_2:
0x3f: {  	s30 =	sadd.s32 $0x80, s28  }
0x40: {  	[sflag:s15] =	ssyncadd.s32 $0xFFFFE000;
	s31 =	smov.u32 s29;
	s1 =	sadd.s32 $0x400, s29  }
0x41: {  	[tilespmem:s20], [sflag:$0x2] =	stream.indirect.gather [spmem:s3], $0x40, s30, s18, $0xb8;
	[tilespmem:$0x1C940] =	vst v63  }
0x42: {  	p1 =	sne.s32 s29, $0x9400;
	_ =	swait.ge [sflag:s21], $0x2000  }
0x43: {  	[sflag:s21] =	ssyncset.done $0x0  }
0x44: {  	s29 =	sadd.s32 $0x2780, s28;
	[sflag:s21] =	ssyncadd.s32 $0xFFFFE000  }
0x45: {  	[spmem:s2] =	stream.indirect.scatter.add.f32 [tilespmem:s19], [sflag:$0x3], $0x40, s29, s18, $0xb8;
	[tilespmem:$0x1C940] =	vst v63  }
0x46: {  	_ =	swait.ge [sflag:s15], $0x2000  }
0x47: {  	[sflag:s15] =	ssyncset.done $0x0  }
0x48: {  	s29 =	sadd.s32 $0x100, s28;
	[sflag:s15] =	ssyncadd.s32 $0xFFFFE000  }
0x49: {  	[tilespmem:s19], [sflag:$0x1] =	stream.indirect.gather [spmem:s3], $0x40, s29, s18, $0xb8;
	[tilespmem:$0x1C940] =	vst v63  }
0x4a: {  	_ =	swait.ge [sflag:s22], $0x2000  }
.Ltmp0:
0x4b: {  	[sflag:s22] =	ssyncset.done $0x0;
	(pc) =	sbr.rel @p1 .LBB2_2-.Ltmp0, $4  }
0x4c: {  	s28 =	sadd.s32 $0x2800, s28;
	[sflag:s22] =	ssyncadd.s32 $0xFFFFE000  }
0x4d: {  	[spmem:s2] =	stream.indirect.scatter.add.f32 [tilespmem:s20], [sflag:$0x3], $0x40, s28, s18, $0xb8;
	[tilespmem:$0x1C940] =	vst v63  }
0x4e: {  	_ =	swait.ge [sflag:s15], $0x2000  }
0x4f: {  	s29 =	smov.u32 s1;
	s28 =	sshra.s32 s31, $0x2;
	[sflag:s15] =	ssyncset.done $0x0  }
0x50: {  	s1 =	sadd.s32 $0x80, s28;
	[sflag:s15] =	ssyncadd.s32 $0xFFFFE000  }
0x51: {  	[tilespmem:s20], [sflag:$0x2] =	stream.indirect.gather [spmem:s3], $0x40, s1, s18, $0xb8;
	[tilespmem:$0x1C940] =	vst v63  }
0x52: {  	_ =	swait.ge [sflag:s21], $0x2000  }
0x53: {  	[sflag:s21] =	ssyncset.done $0x0  }
0x54: {  	s29 =	sadd.s32 $0x2780, s28;
	[sflag:s21] =	ssyncadd.s32 $0xFFFFE000  }
0x55: {  	[spmem:s2] =	stream.indirect.scatter.add.f32 [tilespmem:s19], [sflag:$0x3], $0x40, s29, s18, $0xb8;
	[tilespmem:$0x1C940] =	vst v63  }
0x56: {  	_ =	swait.ge [sflag:s15], $0x2000  }
0x57: {  	[sflag:s15] =	ssyncset.done $0x0  }
0x58: {  	s30 =	sadd.s32 $0x100, s28;
	[sflag:s15] =	ssyncadd.s32 $0xFFFFE000  }
0x59: {  	[tilespmem:s19], [sflag:$0x1] =	stream.indirect.gather [spmem:s3], $0x40, s30, s18, $0xb8;
	[tilespmem:$0x1C940] =	vst v63  }
0x5a: {  	_ =	swait.ge [sflag:s22], $0x2000  }
0x5b: {  	[sflag:s22] =	ssyncset.done $0x0  }
0x5c: {  	s31 =	sadd.s32 $0x2800, s28;
	[sflag:s22] =	ssyncadd.s32 $0xFFFFE000  }
0x5d: {  	[spmem:s2] =	stream.indirect.scatter.add.f32 [tilespmem:s20], [sflag:$0x3], $0x40, s31, s18, $0xb8;
	[tilespmem:$0x1C940] =	vst v63  }
0x5e: {  	_ =	swait.ge [sflag:s15], $0x2000  }
0x5f: {  	[sflag:s15] =	ssyncset.done $0x0  }
0x60: {  	[sflag:s15] =	ssyncadd.s32 $0xFFFFE000  }
0x61: {  	[tilespmem:s20], [sflag:$0x2] =	stream.indirect.gather [spmem:s3], $0x40, s23, s18, $0xb8;
	[tilespmem:$0x1C940] =	vst v63  }
0x62: {  	_ =	swait.ge [sflag:s21], $0x2000  }
0x63: {  	[sflag:s21] =	ssyncset.done $0x0  }
0x64: {  	[sflag:s21] =	ssyncadd.s32 $0xFFFFE000  }
0x65: {  	[spmem:s2] =	stream.indirect.scatter.add.f32 [tilespmem:s19], [sflag:$0x3], $0x40, s24, s18, $0xb8;
	[tilespmem:$0x1C940] =	vst v63  }
0x66: {  	_ =	swait.ge [sflag:s15], $0x2000  }
0x67: {  	[sflag:s15] =	ssyncset.done $0x0  }
0x68: {  	[sflag:s15] =	ssyncadd.s32 $0xFFFFE000  }
0x69: {  	_ =	swait.ge [sflag:s22], $0x2000  }
0x6a: {  	[sflag:s22] =	ssyncset.done $0x0  }
0x6b: {  	[sflag:s22] =	ssyncadd.s32 $0xFFFFE000  }
0x6c: {  	[spmem:s2] =	stream.indirect.scatter.add.f32 [tilespmem:s20], [sflag:$0x3], $0x40, s25, s18, $0xb8;
	[tilespmem:$0x1C940] =	vst v63  }
0x6d: {  	_ =	swait.ge [sflag:s15], $0x2000  }
0x6e: {  	s28 =	simm.s32 @!p0 $0x2700;
	[sflag:s15] =	ssyncset.done $0x0  }
0x6f: {  	s1 =	simm.s32 @!p0 $0x80;
	s29 =	simm.s32 @!p0 $0x4F00;
	[sflag:s15] =	ssyncadd.s32 $0xFFFFE000  }
0x70: {  	[tilespmem:s29], [sflag:$0x1] =	stream.indirect.gather @!p0 [spmem:s3], $0x40, s28, s1, $0xb8;
	[tilespmem:$0x1C940] =	vst v63  }
0x71: {  	s28 =	simm.s32 @!p0 $0x1  }
0x72: {  	_ =	swait.ge @!p0 [sflag:s28], $0x2000  }
0x73: {  	[sflag:s28] =	ssyncset.done @!p0 $0x0  }
0x74: {  	[sflag:s28] =	ssyncadd.s32 @!p0 $0xFFFFE000;
	s28 =	simm.s32 @!p0 $0x4E80  }
0x75: {  	[spmem:s2] =	stream.indirect.scatter.add.f32 @!p0 [tilespmem:s29], [sflag:$0x3], $0x40, s28, s1, $0xb8;
	[tilespmem:$0x1C940] =	vst v63  }
0x76: {  	s1 =	simm.s32 @!p0 $0x3  }
0x77: {  	_ =	swait.ge @!p0 [sflag:s1], $0x2000  }
0x78: {  	s26 =	sadd.s32 $0x1, s26;
	[sflag:s1] =	ssyncset.done @!p0 $0x0  }
0x79: {  	p1 =	sne.s32 s26, s13;
	[sflag:s1] =	ssyncadd.s32 @!p0 $0xFFFFE000  }
.Ltmp1:
0x7a: {  	[bflag:$0x0] =	sbarrier.arrive $0xFFFF;
	(pc) =	sbr.rel @p1 .LBB2_1-.Ltmp1, $4  }
0x7b: {  	[hbm:s12], [sflag:s6] =	dma.local [spmem:s14], $0x13C0  }
0x7c: {  	_ =	swait.ge [sflag:s15], $0x13C0  }
0x7d: {  	[sflag:s15] =	ssyncset.done $0x0  }
0x7e: {  	[sflag:s15] =	ssyncadd.s32 $0xFFFFEC40  }
0x7f: {  	_ =	sfence.sel $0x180000  }
0x80: {  	[bflag:$0x0] =	sbarrier.arrive $0xFFFF  }
0x81: {  	_ =	strace $0x90000050  }
0x82: {  	[bflag:$0x2] =	sbarrier.arrive $0xFFFF  }
0x83: {  	p0 =	sne.s32 s0, $0x0;
	s0 =	rddreg [dreg:$0x3]  }
0x84: {  	s0 =	sadd.s32 @!p0 $0x100000, s0  }
0x85: {  	[sflag:s0] =	ssyncadd.tile.s32 @!p0 $0x1;
	_ =	shalt  }
.Lfunc_end2:
_tile_overlayer_lowered:
.L_overlay_start_2:
0x86: {  	(tag) =	ssettag $0x2  }
0x87: {  	s0 =	rddreg [dreg:$0x0];
	s2 =	stileid.u32  }
0x88: {  	s1 =	rddreg [dreg:$0x1];
	p0 =	sne.s32 s2, $0x0  }
0x89: {  	s3 =	rddreg [dreg:$0x2];
	[bflag:$0x3] =	sbarrier.arrive $0xFFFF;
	s2 =	simm.s32 @!p0 $0x1C03  }
0x8a: {  	[timem:s3], [sflag:s2] =	dma.local @!p0 [hbm:s0], s1  }
0x8b: {  	s0 =	simm.s32 @!p0 $0x3  }
0x8c: {  	_ =	swait.ge @!p0 [sflag:s0], s1  }
0x8d: {  	s1 =	ssub.s32 @!p0 $0x0, s1;
	[sflag:s0] =	ssyncset.done @!p0 $0x0  }
0x8e: {  	[sflag:s0] =	ssyncadd.s32 @!p0 s1  }
0x8f: {  	[bflag:$0x3] =	sbarrier.arrive $0xFFFF  }
0x90: {  	_ =	shalt  }

// kernel: kernel.9.cloned.1.call-start
scs
__scs_entry_jumppad:
0x0: {  	(pc) =	sbr.rel $0x88, $3  }
0x1: {  	(tag) =	ssettag $0x0;
	lr =	simm.s32 $0x1  }
0x2: {  	[smem:$0x3F86] =	sst lr;
	_ =	strace $0xD0000000  }
0x3: {  	_ = 	snop  }
0x4: {  	_ = 	snop  }
0x5: {  	_ = 	snop  }
0x6: {  	_ = 	snop  }
0x7: {  	_ = 	snop  }
__scs_overlays_trampoline_lowered:
0x8: {  	[smem:$0x3F95] =	sst s0  }
0x9: {  	[smem:$0x3F96] =	sst s1  }
0xa: {  	[smem:$0x3F97] =	sst s2  }
0xb: {  	[smem:$0x3F98] =	sst s3  }
0xc: {  	[smem:$0x3F99] =	sst s4  }
0xd: {  	[smem:$0x3F9A] =	sst s5  }
0xe: {  	[smem:$0x3F9B] =	sst s6  }
0xf: {  	[smem:$0x3F9C] =	sst s7  }
0x10: {  	[smem:$0x3F9D] =	sst s8  }
0x11: {  	[smem:$0x3F9E] =	sst s9;
	s0 =	simm.s32 @!p0 $0x0  }
0x12: {  	s1 =	sld [smem:$0x3F84];
	s0 =	simm.s32 @p0 $0x1  }
0x13: {  	[smem:$0x3F9F] =	sst s0;
	s0 =	simm.s32 @!p1 $0x0  }
0x14: {  	s2 =	sld [smem:$0x3F83];
	s0 =	simm.s32 @p1 $0x1  }
0x15: {  	[smem:$0x3FA0] =	sst s0;
	s0 =	simm.s32 @!p2 $0x0  }
0x16: {  	s3 =	sld [smem:$0x3FDB];
	s0 =	simm.s32 @p2 $0x1  }
0x17: {  	s4 =	simm.s32 $0x1BF5;
	[smem:$0x3FA2] =	sst s0  }
0x18: {  	s0 =	sld [smem:$0x3F85];
	_ =	swait.ge [sflag:s4], $0x0  }
0x19: {  	s7 =	sld [smem:$0x3F86]  }
0x1a: {  	s8 =	sadd.s32 $0xFFFFE003, lr  }
0x1b: {  	s9 =	sadd.s32 $0xFFFFFEF7, lr;
	s5 =	simm.s32 $0xFFFFFFFF;
	p2 =	slt.u32 s8, $0xFFFFF086  }
0x1c: {  	p1 =	slt.u32 s9, $0xF7A;
	s5 =	simm.s32 @!p2 $0x0  }
0x1d: {  	s5 =	simm.s32 @p1 $0x1;
	p0 =	seq.s32 s7, s2  }
0x1e: {  	s7 =	smul.u32 @!p0 $0xF7A, s2;
	p2 =	seq.s32 @!p0 s5, $0x0  }
0x1f: {  	s9 =	smul.u32 $0xF7A, s1;
	s8 =	simm.s32 @!p0 $0x1BF5;
	p2 =	por !p2, p0  }
0x20: {  	[sflag:s8] =	ssyncset.s32 @!p0 $0xFFFFF086;
	s6 =	sadd.s32 @!p0 s3, s7;
	s7 =	simm.s32 @!p0 $0x108  }
0x21: {  	s3 =	sadd.s32 s3, s9;
	s6 =	sadd.s32 @!p0 $0x88, s6;
	s7 =	simm.s32 @p2 $0x1082  }
0x22: {  	[simem:s7], [sflag:s8] =	dma.local @!p0 [hbm:s6], $0xF7A  }
0x23: {  	s9 =	sor.u32 $0xD0000000, s2;
	s6 =	simm.s32 $0x108;
	_ =	swait.ge @!p0 [sflag:s8], $0x0  }
0x24: {  	s3 =	sadd.s32 $0x88, s3;
	s6 =	simm.s32 @!p1 $0x1082;
	[sflag:s4] =	ssyncset.s32 $0xFFFFF086  }
0x25: {  	[simem:s6], [sflag:s4] =	dma.local [hbm:s3], $0xF7A  }
0x26: {  	[smem:$0x3F86] =	sst s1;
	(tag) =	ssettag s2;
	_ =	strace s9  }
0x27: {  	s1 =	sld [smem:$0x3F96]  }
0x28: {  	s2 =	sld [smem:$0x3F97]  }
0x29: {  	s4 =	sld [smem:$0x3F99]  }
0x2a: {  	p0 =	seq.s32 s5, $0x0;
	s5 =	sld [smem:$0x3F9A]  }
0x2b: {  	s6 =	sld [smem:$0x3F9B]  }
0x2c: {  	s7 =	sld [smem:$0x3F9C]  }
0x2d: {  	s3 =	simm.s32 $0x108;
	s8 =	sld [smem:$0x3F9D]  }
0x2e: {  	s3 =	simm.s32 @!p0 $0x1082;
	s9 =	sld [smem:$0x3F9E]  }
0x2f: {  	lr =	sadd.s32 s0, s3;
	s0 =	sld [smem:$0x3F95]  }
0x30: {  	s3 =	sld [smem:$0x3F98]  }
0x31: {  	[smem:$0x3FA1] =	sst s10  }
0x32: {  	s10 =	sld [smem:$0x3F9F];
	_ =	sdelay $0x3  }
0x33: {  	p0 =	seq.s32 s10, $0x1;
	s10 =	sld [smem:$0x3FA1];
	_ =	sdelay $0x3  }
0x34: {  	[smem:$0x3FA1] =	sst s10  }
0x35: {  	s10 =	sld [smem:$0x3FA0];
	_ =	sdelay $0x3  }
0x36: {  	p1 =	seq.s32 s10, $0x1;
	s10 =	sld [smem:$0x3FA1];
	_ =	sdelay $0x3  }
0x37: {  	[smem:$0x3FA1] =	sst s10  }
0x38: {  	s10 =	sld [smem:$0x3FA2]  }
0x39: {  	_ = 	snop;
	(pc) =	sbr.ind lr, $3  }
0x3a: {  	_ = 	snop  }
0x3b: {  	_ = 	snop  }
0x3c: {  	p2 =	seq.s32 s10, $0x1;
	s10 =	sld [smem:$0x3FA1]  }
0x3d: {  	_ =	shalt  }
0x3e: {  	_ =	shalt  }
0x3f: {  	_ =	shalt  }
0x40: {  	_ =	shalt  }
0x41: {  	_ =	shalt  }
0x42: {  	_ =	shalt  }
0x43: {  	_ =	shalt  }
0x44: {  	_ =	shalt  }
0x45: {  	_ =	shalt  }
0x46: {  	_ =	shalt  }
0x47: {  	_ =	shalt  }
0x48: {  	_ =	shalt  }
0x49: {  	_ =	shalt  }
0x4a: {  	_ =	shalt  }
0x4b: {  	_ =	shalt  }
0x4c: {  	_ =	shalt  }
0x4d: {  	_ =	shalt  }
0x4e: {  	_ =	shalt  }
0x4f: {  	_ =	shalt  }
0x50: {  	_ =	shalt  }
0x51: {  	_ =	shalt  }
0x52: {  	_ =	shalt  }
0x53: {  	_ =	shalt  }
0x54: {  	_ =	shalt  }
0x55: {  	_ =	shalt  }
0x56: {  	_ =	shalt  }
0x57: {  	_ =	shalt  }
0x58: {  	_ =	shalt  }
0x59: {  	_ =	shalt  }
0x5a: {  	_ =	shalt  }
0x5b: {  	_ =	shalt  }
0x5c: {  	_ =	shalt  }
0x5d: {  	_ =	shalt  }
0x5e: {  	_ =	shalt  }
0x5f: {  	_ =	shalt  }
0x60: {  	_ =	shalt  }
0x61: {  	_ =	shalt  }
0x62: {  	_ =	shalt  }
0x63: {  	_ =	shalt  }
0x64: {  	_ =	shalt  }
0x65: {  	_ =	shalt  }
0x66: {  	_ =	shalt  }
0x67: {  	_ =	shalt  }
0x68: {  	_ =	shalt  }
0x69: {  	_ =	shalt  }
0x6a: {  	_ =	shalt  }
0x6b: {  	_ =	shalt  }
0x6c: {  	_ =	shalt  }
0x6d: {  	_ =	shalt  }
0x6e: {  	_ =	shalt  }
0x6f: {  	_ =	shalt  }
0x70: {  	_ =	shalt  }
0x71: {  	_ =	shalt  }
0x72: {  	_ =	shalt  }
0x73: {  	_ =	shalt  }
0x74: {  	_ =	shalt  }
0x75: {  	_ =	shalt  }
0x76: {  	_ =	shalt  }
0x77: {  	_ =	shalt  }
0x78: {  	_ =	shalt  }
0x79: {  	_ =	shalt  }
0x7a: {  	_ =	shalt  }
0x7b: {  	_ =	shalt  }
0x7c: {  	_ =	shalt  }
0x7d: {  	_ =	shalt  }
0x7e: {  	_ =	shalt  }
0x7f: {  	_ =	shalt  }
0x80: {  	_ =	shalt  }
0x81: {  	_ =	shalt  }
0x82: {  	_ =	shalt  }
0x83: {  	_ =	shalt  }
0x84: {  	_ =	shalt  }
0x85: {  	_ =	shalt  }
0x86: {  	_ =	shalt  }
0x87: {  	_ =	shalt  }
.Lfunc_end0:
.L_simem_size_0:
called_computation_lowered:
.L_overlay_start_0:
0x88: {  	s2 =	sld [smem:$0x3FD9]  }
0x89: {  	s3 =	sld [smem:$0x3FFE];
	_ =	sdelay $0x1  }
0x8a: {  	s1 =	srdreg.scid  }
0x8b: {  	s0 =	sand.u32 $0x1, s1  }
0x8c: {  	s17 =	sshll.u32 s0, $0xA;
	s2 =	sadd.s32 s3, s2  }
0x8d: {  	s2 =	sadd.s32 s2, s17  }
0x8e: {  	[smem:$0x3FAD] =	sst s2  }
0x8f: {  	_ = 	snop  }
0x90: {  	s2 =	sld [smem:$0x3FC9];
	(tm) =	ssettm $0x1  }
0x91: {  	s18 =	sld [smem:$0x3FFB];
	_ =	sdelay $0x3  }
0x92: {  	_ =	strace s18  }
0x93: {  	s3 =	sld [smem:$0x3FFC];
	_ =	sdelay $0x3  }
0x94: {  	_ =	strace s3  }
0x95: {  	s3 =	sld [smem:$0x3FFD];
	_ =	sdelay $0x3  }
0x96: {  	_ =	strace s3  }
0x97: {  	_ =	strace $0x8FFFFFFF  }
0x98: {  	s19 =	sld [smem:$0x3FDB];
	_ =	sdelay $0x1  }
0x99: {  	s4 =	simm.s32 $_scs_section_size  }
0x9a: {  	s5 =	simm.s32 $_size__tile_overlayer_lowered;
	s6 =	simm.s32 $_tile_overlayer_lowered  }
0x9b: {  	s22 =	simm.s32 $0x1BFF;
	s21 =	sshll.u32 s6, $0x1;
	s3 =	sadd.s32 s4, s19  }
0x9c: {  	s7 =	simm.s32 $0x0;
	s20 =	sshll.u32 s5, $0x1;
	s5 =	sadd.s32 s21, s3  }
0x9d: {  	[timem:s7], [sflag:s22] =	dma.local [hbm:s5], s20  }
0x9e: {  	_ =	swait.ge [sflag:s22], s20  }
0x9f: {  	s4 =	ssub.s32 $0x0, s20;
	[sflag:s22] =	ssyncset.done $0x0  }
0xa0: {  	[sflag:s22] =	ssyncadd.s32 s4;
	_ =	sdelay $0x1  }
0xa1: {  	s23 =	simm.s32 $0x1B8B  }
0xa2: {  	_ =	swait.ge [sflag:s23], $0x1  }
0xa3: {  	[sflag:s23] =	ssyncset.done $0x0  }
0xa4: {  	s25 =	simm.s32 $0x1B8E;
	s24 =	sld [smem:$0x3FFE];
	[sflag:s23] =	ssyncadd.s32 $0xFFFFFFFF  }
0xa5: {  	s26 =	simm.s32 $execute0_lowered;
	[smem:$0x3FD2] =	sst s25  }
0xa6: {  	s5 =	sshll.u32 s26, $0x1;
	_ =	strace $0x80000046;
	[dreg:$0x1] =	wrdreg $0xFFFFFFFF  }
0xa7: {  	s28 =	simm.s32 $_size_execute0_lowered;
	s3 =	sadd.s32 s3, s5;
	[dreg:$0x0] =	wrdreg $0x0  }
0xa8: {  	s5 =	sshll.u32 s28, $0x1;
	[dreg:$0x2] =	wrdreg s3  }
0xa9: {  	[dreg:$0x3] =	wrdreg s5  }
0xaa: {  	[dreg:$0x4] =	wrdreg $0xC0  }
0xab: {  	_ =	task [dreg:s7], $0x5FFFF  }
0xac: {  	[dreg:$0x1] =	wrdreg $0xFFFFFFFF  }
0xad: {  	[dreg:$0x0] =	wrdreg $0x60  }
0xae: {  	[dreg:$0x2] =	wrdreg s2  }
0xaf: {  	[dreg:$0x3] =	wrdreg s24  }
0xb0: {  	[dreg:$0x4] =	wrdreg $0x12B400  }
0xb1: {  	[dreg:$0x5] =	wrdreg $0x8F000  }
0xb2: {  	[dreg:$0x6] =	wrdreg $0x9  }
0xb3: {  	_ =	task.clear_ibuf [dreg:s7], $0x7FFFF;
	_ =	strace $0x90000046  }
0xb4: {  	s29 =	simm.s32 $0x9;
	_ =	strace $0x80000048  }
0xb5: {  	_ =	swait.ge [sflag:s29], $0x1  }
0xb6: {  	[sflag:s29] =	ssyncadd.s32 $0xFFFFFFFF  }
0xb7: {  	_ =	strace $0x90000048  }
0xb8: {  	_ =	sfence  }
0xb9: {  	s30 =	sld [smem:$0x0];
	_ =	sdelay $0x2  }
0xba: {  	s31 =	sshll.u32 s1, $0xD;
	s1 =	sshrl.u32 s1, $0x2  }
0xbb: {  	s3 =	sand.u32 $0x4000, s31;
	s1 =	sadd.s32 s1, s30  }
0xbc: {  	s0 =	sor.u32 s3, s0;
	s1 =	sshll.u32 s1, $0x11  }
0xbd: {  	s0 =	sor.u32 s1, s0  }
0xbe: {  	s0 =	sadd.s32 $0x8F2B, s0  }
0xbf: {  	[sflag:s0] =	ssyncadd.remote.s32 $0x1  }
0xc0: {  	_ =	sfence.sel $0xFFFF  }
0xc1: {  	[dreg:$0x0] =	wrdreg $0xFFFFFFFF;
	(pc) =	sbr.abs _section_cstart, $3  }
0xc2: {  	[dreg:$0x1] =	wrdreg $0xFFFFFFFF  }
0xc3: {  	_ =	task.clear_ibuf [dreg:s7], $0x2FFFF;
	_ =	strace $0x9FFFFFFF  }
0xc4: {  	(tm) =	ssettm $0x7FFFFFFF  }
0xc5: {  	_ =	shalt  }
tec
execute0_lowered:
.L_overlay_start_1:
0x0: {  	(tag) =	ssettag $0x1  }
0x1: {  	s7 =	rddreg [dreg:$0x0]  }
0x2: {  	s8 =	rddreg [dreg:$0x1]  }
0x3: {  	s0 =	srdreg.scid;
	s2 =	rddreg [dreg:$0x2]  }
0x4: {  	s23 =	stileid.u32;
	s3 =	rddreg [dreg:$0x3];
	s4 =	simm.s32 $0x0  }
0x5: {  	s17 =	simm.s32 $0x1;
	s19 =	simm.s32 $0x10;
	s20 =	simm.s32 $0x2780  }
0x6: {  	s21 =	simm.s32 $0x80;
	s22 =	simm.s32 $0x4F00;
	s10 =	smul.u32 $0x9E00, s23  }
0x7: {  	s28 =	simm.s32 $0x4E00;
	s29 =	simm.s32 $0x0;
	s26 =	smul.u32 $0x27100, s23  }
0x8: {  	s6 =	sand.u32 $0x1, s0;
	[smem:$0x7FF] =	sst s4;
	s31 =	smul.u32 $0x2710, s23  }
0x9: {  	s30 =	sshll.u32 s23, $0x6;
	s1 =	sshll.u32 s6, $0x4;
	s24 =	smul.u32 $0x9E000, s6  }
0xa: {  	_ =	strace $0x80000047;
	s6 =	ssub.s32 $0x2, s6;
	s14 =	sor.u32 s23, s1  }
0xb: {  	s25 =	sshrl.u32 s6, $0x1;
	s15 =	sadd.s32 s10, s2;
	s7 =	sadd.s32 s7, s31  }
0xc: {  	s23 =	simm.s32 $0x6F00;
	s5 =	smul.u32 $0x4E, s14;
	s9 =	smin.u32 s14, $0x4  }
0xd: {  	s13 =	ssub.s32 s6, s25;
	s6 =	sor.u32 $0x1C03, s30;
	p0 =	sgt.u32 s14, $0x3  }
0xe: {  	s14 =	sshrl.u32 s15, $0x3;
	s15 =	simm.s32 $0x3;
	s25 =	simm.s32 $0x2680  }
0xf: {  	s13 =	smax.u32 s13, $0x1;
	s5 =	sadd.s32 s9, s5;
	s9 =	sadd.s32 s10, s24  }
0x10: {  	s24 =	simm.s32 $0x2;
	s5 =	sshll.u32 s5, $0x4;
	s9 =	sshrl.u32 s9, $0x3  }
0x11: {  	s11 =	sadd.s32 s5, s8;
	s12 =	sadd.s32 s9, s8;
	s9 =	sshrl.u32 s26, $0x2  }
0x12: {  	s5 =	sadd.s32 $0x18400, s8;
	s26 =	simm.s32 $0x4D80;
	s16 =	sadd.s32 s9, s3  }
0x13: {  	s8 =	sadd.s32 $0x4A00, s11;
	s9 =	sadd.s32 $0xE640, s11;
	s10 =	sadd.s32 $0x4EE0, s11  }
0x14: {  	s11 =	sadd.s32 $0xEB20, s11;
	s12 =	sadd.s32 $0x19800, s12;
	s16 =	sshrl.u32 s16, $0x3  }
.LBB2_1:
0x15: {  	[spmem:s14], [sflag:s6] =	dma.local [hbm:s5], $0x13C0  }
0x16: {  	_ =	swait.ge [sflag:s15], $0x13C0  }
0x17: {  	[sflag:s15] =	ssyncset.done $0x0  }
0x18: {  	s0 =	simm.s32 $0x8;
	[sflag:s15] =	ssyncadd.s32 $0xFFFFEC40  }
0x19: {  	[spmem:s16@s0], [sflag:s6] =	dma.strided [hbm:s7@s19], $0x1388, s17, $0x8   }
0x1a: {  	_ =	swait.ge [sflag:s15], $0x1388  }
0x1b: {  	[sflag:s15] =	ssyncset.done $0x0  }
0x1c: {  	[sflag:s15] =	ssyncadd.s32 $0xFFFFEC78  }
0x1d: {  	[tilespmem:s4], [sflag:$0x3] =	stream.linear.gather [hbm4b:s8+s4], $0x2700, $0x38;
	[tilespmem:$0x1C940] =	vst v63  }
0x1e: {  	_ =	swait.ge [sflag:s15], $0x2700  }
0x1f: {  	[sflag:s15] =	ssyncset.done $0x0  }
0x20: {  	[sflag:s15] =	ssyncadd.s32 $0xFFFFD900  }
0x21: {  	[tilespmem:s20], [sflag:$0x3] =	stream.linear.gather [hbm4b:s9+s4], $0x2700, $0x38;
	[tilespmem:$0x1C940] =	vst v63  }
0x22: {  	_ =	swait.ge [sflag:s15], $0x2700  }
0x23: {  	[sflag:s15] =	ssyncset.done $0x0  }
0x24: {  	s30 =	simm.s32 @!p0 $0x0;
	s31 =	simm.s32 @!p0 $0x2700;
	[sflag:s15] =	ssyncadd.s32 $0xFFFFD900  }
0x25: {  	[tilespmem:s31], [sflag:$0x3] =	stream.linear.gather @!p0 [hbm4b:s10+s30], $0x80, $0x38;
	[tilespmem:$0x1C940] =	vst v63  }
0x26: {  	s31 =	simm.s32 @!p0 $0x3  }
0x27: {  	_ =	swait.ge @!p0 [sflag:s31], $0x80  }
0x28: {  	[sflag:s31] =	ssyncset.done @!p0 $0x0  }
0x29: {  	s1 =	simm.s32 @!p0 $0x4E80;
	[sflag:s31] =	ssyncadd.s32 @!p0 $0xFFFFFF80  }
0x2a: {  	[tilespmem:s1], [sflag:$0x3] =	stream.linear.gather @!p0 [hbm4b:s11+s30], $0x80, $0x38;
	[tilespmem:$0x1C940] =	vst v63  }
0x2b: {  	_ =	swait.ge @!p0 [sflag:s31], $0x80  }
0x2c: {  	[sflag:s31] =	ssyncset.done @!p0 $0x0  }
0x2d: {  	[sflag:s31] =	ssyncadd.s32 @!p0 $0xFFFFFF80  }
0x2e: {  	[bflag:$0x0] =	sbarrier.arrive $0xFFFF  }
0x2f: {  	[tilespmem:s22], [sflag:$0x1] =	stream.indirect.gather [spmem:s3], $0x40, s4, s21, $0xb8;
	[tilespmem:$0x1C940] =	vst v63  }
0x30: {  	s0 =	simm.s32 $0x80  }
0x31: {  	[tilespmem:s23], [sflag:$0x2] =	stream.indirect.gather [spmem:s3], $0x40, s0, s21, $0xb8;
	[tilespmem:$0x1C940] =	vst v63  }
0x32: {  	_ =	swait.ge [sflag:s17], $0x2000  }
0x33: {  	[sflag:s17] =	ssyncset.done $0x0  }
0x34: {  	s18 =	simm.s32 $0x2780;
	[sflag:s17] =	ssyncadd.s32 $0xFFFFE000  }
0x35: {  	[spmem:s2] =	stream.indirect.scatter.add.f32 [tilespmem:s22], [sflag:$0x3], $0x40, s18, s21, $0xb8;
	[tilespmem:$0x1C940] =	vst v63  }
0x36: {  	_ =	swait.ge [sflag:s15], $0x2000  }
0x37: {  	[sflag:s15] =	ssyncset.done $0x0  }
0x38: {  	s0 =	simm.s32 $0x100;
	[sflag:s15] =	ssyncadd.s32 $0xFFFFE000  }
0x39: {  	[tilespmem:s22], [sflag:$0x1] =	stream.indirect.gather [spmem:s3], $0x40, s0, s21, $0xb8;
	[tilespmem:$0x1C940] =	vst v63  }
0x3a: {  	_ =	swait.ge [sflag:s24], $0x2000  }
0x3b: {  	[sflag:s24] =	ssyncset.done $0x0  }
0x3c: {  	s18 =	simm.s32 $0x2800;
	[sflag:s24] =	ssyncadd.s32 $0xFFFFE000  }
0x3d: {  	[spmem:s2] =	stream.indirect.scatter.add.f32 [tilespmem:s23], [sflag:$0x3], $0x40, s18, s21, $0xb8;
	[tilespmem:$0x1C940] =	vst v63  }
0x3e: {  	_ =	swait.ge [sflag:s15], $0x2000  }
0x3f: {  	s30 =	simm.s32 $0x100;
	s31 =	simm.s32 $0x800;
	[sflag:s15] =	ssyncset.done $0x0  }
.LBB2_2:
0x40: {  	s1 =	sadd.s32 $0x80, s30  }
0x41: {  	[sflag:s15] =	ssyncadd.s32 $0xFFFFE000;
	s0 =	smov.u32 s31;
	s18 =	sadd.s32 $0x400, s31  }
0x42: {  	[tilespmem:s23], [sflag:$0x2] =	stream.indirect.gather [spmem:s3], $0x40, s1, s21, $0xb8;
	[tilespmem:$0x1C940] =	vst v63  }
0x43: {  	p1 =	sne.s32 s31, $0x9400;
	_ =	swait.ge [sflag:s17], $0x2000  }
0x44: {  	[sflag:s17] =	ssyncset.done $0x0  }
0x45: {  	s1 =	sadd.s32 $0x2780, s30;
	[sflag:s17] =	ssyncadd.s32 $0xFFFFE000  }
0x46: {  	[spmem:s2] =	stream.indirect.scatter.add.f32 [tilespmem:s22], [sflag:$0x3], $0x40, s1, s21, $0xb8;
	[tilespmem:$0x1C940] =	vst v63  }
0x47: {  	_ =	swait.ge [sflag:s15], $0x2000  }
0x48: {  	[sflag:s15] =	ssyncset.done $0x0  }
0x49: {  	s1 =	sadd.s32 $0x100, s30;
	[sflag:s15] =	ssyncadd.s32 $0xFFFFE000  }
0x4a: {  	[tilespmem:s22], [sflag:$0x1] =	stream.indirect.gather [spmem:s3], $0x40, s1, s21, $0xb8;
	[tilespmem:$0x1C940] =	vst v63  }
0x4b: {  	_ =	swait.ge [sflag:s24], $0x2000  }
.Ltmp0:
0x4c: {  	[sflag:s24] =	ssyncset.done $0x0;
	(pc) =	sbr.rel @p1 .LBB2_2-.Ltmp0, $4  }
0x4d: {  	s1 =	sadd.s32 $0x2800, s30;
	[sflag:s24] =	ssyncadd.s32 $0xFFFFE000  }
0x4e: {  	[spmem:s2] =	stream.indirect.scatter.add.f32 [tilespmem:s23], [sflag:$0x3], $0x40, s1, s21, $0xb8;
	[tilespmem:$0x1C940] =	vst v63  }
0x4f: {  	_ =	swait.ge [sflag:s15], $0x2000  }
0x50: {  	s31 =	smov.u32 s18;
	s30 =	sshra.s32 s0, $0x2;
	[sflag:s15] =	ssyncset.done $0x0  }
0x51: {  	s0 =	sadd.s32 $0x80, s30;
	[sflag:s15] =	ssyncadd.s32 $0xFFFFE000  }
0x52: {  	[tilespmem:s23], [sflag:$0x2] =	stream.indirect.gather [spmem:s3], $0x40, s0, s21, $0xb8;
	[tilespmem:$0x1C940] =	vst v63  }
0x53: {  	_ =	swait.ge [sflag:s17], $0x2000  }
0x54: {  	[sflag:s17] =	ssyncset.done $0x0  }
0x55: {  	s1 =	sadd.s32 $0x2780, s30;
	[sflag:s17] =	ssyncadd.s32 $0xFFFFE000  }
0x56: {  	[spmem:s2] =	stream.indirect.scatter.add.f32 [tilespmem:s22], [sflag:$0x3], $0x40, s1, s21, $0xb8;
	[tilespmem:$0x1C940] =	vst v63  }
0x57: {  	_ =	swait.ge [sflag:s15], $0x2000  }
0x58: {  	[sflag:s15] =	ssyncset.done $0x0  }
0x59: {  	s18 =	sadd.s32 $0x100, s30;
	[sflag:s15] =	ssyncadd.s32 $0xFFFFE000  }
0x5a: {  	[tilespmem:s22], [sflag:$0x1] =	stream.indirect.gather [spmem:s3], $0x40, s18, s21, $0xb8;
	[tilespmem:$0x1C940] =	vst v63  }
0x5b: {  	_ =	swait.ge [sflag:s24], $0x2000  }
0x5c: {  	[sflag:s24] =	ssyncset.done $0x0  }
0x5d: {  	s31 =	sadd.s32 $0x2800, s30;
	[sflag:s24] =	ssyncadd.s32 $0xFFFFE000  }
0x5e: {  	[spmem:s2] =	stream.indirect.scatter.add.f32 [tilespmem:s23], [sflag:$0x3], $0x40, s31, s21, $0xb8;
	[tilespmem:$0x1C940] =	vst v63  }
0x5f: {  	_ =	swait.ge [sflag:s15], $0x2000  }
0x60: {  	[sflag:s15] =	ssyncset.done $0x0  }
0x61: {  	[sflag:s15] =	ssyncadd.s32 $0xFFFFE000  }
0x62: {  	[tilespmem:s23], [sflag:$0x2] =	stream.indirect.gather [spmem:s3], $0x40, s25, s21, $0xb8;
	[tilespmem:$0x1C940] =	vst v63  }
0x63: {  	_ =	swait.ge [sflag:s17], $0x2000  }
0x64: {  	[sflag:s17] =	ssyncset.done $0x0  }
0x65: {  	[sflag:s17] =	ssyncadd.s32 $0xFFFFE000  }
0x66: {  	[spmem:s2] =	stream.indirect.scatter.add.f32 [tilespmem:s22], [sflag:$0x3], $0x40, s26, s21, $0xb8;
	[tilespmem:$0x1C940] =	vst v63  }
0x67: {  	_ =	swait.ge [sflag:s15], $0x2000  }
0x68: {  	[sflag:s15] =	ssyncset.done $0x0  }
0x69: {  	[sflag:s15] =	ssyncadd.s32 $0xFFFFE000  }
0x6a: {  	_ =	swait.ge [sflag:s24], $0x2000  }
0x6b: {  	[sflag:s24] =	ssyncset.done $0x0  }
0x6c: {  	[sflag:s24] =	ssyncadd.s32 $0xFFFFE000  }
0x6d: {  	[spmem:s2] =	stream.indirect.scatter.add.f32 [tilespmem:s23], [sflag:$0x3], $0x40, s28, s21, $0xb8;
	[tilespmem:$0x1C940] =	vst v63  }
0x6e: {  	_ =	swait.ge [sflag:s15], $0x2000  }
0x6f: {  	s0 =	simm.s32 @!p0 $0x80;
	[sflag:s15] =	ssyncset.done $0x0  }
0x70: {  	s1 =	simm.s32 @!p0 $0x2700;
	s18 =	simm.s32 @!p0 $0x4F00;
	[sflag:s15] =	ssyncadd.s32 $0xFFFFE000  }
0x71: {  	[tilespmem:s18], [sflag:$0x1] =	stream.indirect.gather @!p0 [spmem:s3], $0x40, s1, s0, $0xb8;
	[tilespmem:$0x1C940] =	vst v63  }
0x72: {  	s1 =	simm.s32 @!p0 $0x1  }
0x73: {  	_ =	swait.ge @!p0 [sflag:s1], $0x2000  }
0x74: {  	[sflag:s1] =	ssyncset.done @!p0 $0x0  }
0x75: {  	[sflag:s1] =	ssyncadd.s32 @!p0 $0xFFFFE000;
	s1 =	simm.s32 @!p0 $0x4E80  }
0x76: {  	[spmem:s2] =	stream.indirect.scatter.add.f32 @!p0 [tilespmem:s18], [sflag:$0x3], $0x40, s1, s0, $0xb8;
	[tilespmem:$0x1C940] =	vst v63  }
0x77: {  	s0 =	simm.s32 @!p0 $0x3  }
0x78: {  	_ =	swait.ge @!p0 [sflag:s0], $0x2000  }
0x79: {  	s29 =	sadd.s32 $0x1, s29;
	[sflag:s0] =	ssyncset.done @!p0 $0x0  }
0x7a: {  	p1 =	sne.s32 s29, s13;
	[sflag:s0] =	ssyncadd.s32 @!p0 $0xFFFFE000  }
.Ltmp1:
0x7b: {  	[bflag:$0x0] =	sbarrier.arrive $0xFFFF;
	(pc) =	sbr.rel @p1 .LBB2_1-.Ltmp1, $4  }
0x7c: {  	[hbm:s12], [sflag:s6] =	dma.local [spmem:s14], $0x13C0  }
0x7d: {  	_ =	swait.ge [sflag:s15], $0x13C0  }
0x7e: {  	[sflag:s15] =	ssyncset.done $0x0  }
0x7f: {  	[sflag:s15] =	ssyncadd.s32 $0xFFFFEC40  }
0x80: {  	_ =	sfence.sel $0x180000  }
0x81: {  	[bflag:$0x0] =	sbarrier.arrive $0xFFFF  }
0x82: {  	_ =	strace $0x90000047  }
0x83: {  	s0 =	stileid.u32;
	[bflag:$0x2] =	sbarrier.arrive $0xFFFF  }
0x84: {  	p0 =	sne.s32 s0, $0x0;
	s0 =	rddreg [dreg:$0x4]  }
0x85: {  	s0 =	sadd.s32 @!p0 $0x100000, s0  }
0x86: {  	[sflag:s0] =	ssyncadd.tile.s32 @!p0 $0x1;
	_ =	shalt  }
.Lfunc_end2:
_tile_overlayer_lowered:
.L_overlay_start_2:
0x87: {  	(tag) =	ssettag $0x2  }
0x88: {  	s0 =	rddreg [dreg:$0x0];
	s2 =	stileid.u32  }
0x89: {  	s1 =	rddreg [dreg:$0x1];
	p0 =	sne.s32 s2, $0x0  }
0x8a: {  	s3 =	rddreg [dreg:$0x2];
	[bflag:$0x3] =	sbarrier.arrive $0xFFFF;
	s2 =	simm.s32 @!p0 $0x1C03  }
0x8b: {  	[timem:s3], [sflag:s2] =	dma.local @!p0 [hbm:s0], s1  }
0x8c: {  	s0 =	simm.s32 @!p0 $0x3  }
0x8d: {  	_ =	swait.ge @!p0 [sflag:s0], s1  }
0x8e: {  	s1 =	ssub.s32 @!p0 $0x0, s1;
	[sflag:s0] =	ssyncset.done @!p0 $0x0  }
0x8f: {  	[sflag:s0] =	ssyncadd.s32 @!p0 s1  }
0x90: {  	[bflag:$0x3] =	sbarrier.arrive $0xFFFF  }
0x91: {  	_ =	shalt  }

</sc_bundles>
